<compile_context>
chip_gen: v7x
topology: tpu7x:2x2x1
jax: 0.10.2.dev20260603
libtpu: 0.0.44.dev20260713+nightly
codegen_flags: <defaults>
</compile_context>

<pallas_src>
import functools

import jax
import jax.numpy as jnp
from jax import lax
from jax.experimental import pallas as pl
from jax.experimental.pallas import tpu as pltpu
from jax.experimental.pallas import tpu_sc as plsc

N = 10000
E = 320000
D = 128

NC = 2
NS = 16
NW = NC * NS
K = 128
H = K // 2
CHUNKS = 80
EPT = CHUNKS * K
E_PAD = NW * EPT
NPAD = 10112
ZROWS = NPAD // NS
DUMP = NPAD - N
IB = 16
NB = CHUNKS // IB

_MESH = plsc.VectorSubcoreMesh(core_axis_name="c", subcore_axis_name="s")


def _vcopy_idx(src_v, i, dst_v):
    base = pl.multiple_of(i * K, K)
    for k in range(K // 16):
        dst_v[pl.ds(k * 16, 16)] = src_v[pl.ds(base + k * 16, 16)]


@functools.partial(
    pl.kernel, mesh=_MESH,
    out_type=jax.ShapeDtypeStruct((NW, ZROWS, D), jnp.float32),
    scratch_types=[
        pltpu.VMEM((IB * K,), jnp.int32),
        pltpu.VMEM((IB * K,), jnp.int32),
        pltpu.VMEM((K,), jnp.int32),
        pltpu.VMEM((K,), jnp.int32),
        pltpu.VMEM((K, D), jnp.float32),
        pltpu.VMEM((K, D), jnp.float32),
        pltpu.VMEM_SHARED((NPAD, D), jnp.float32),
        pltpu.SemaphoreType.DMA,
        pltpu.SemaphoreType.DMA,
    ],
)
def _seg(table_hbm, src_hbm, dst_hbm, zeros_hbm, out_hbm,
         srcs_v, dsts_v, dstc0, dstc1, rows0, rows1, acc, sem0, sem1):
    c = lax.axis_index("c")
    s = lax.axis_index("s")
    wid = c * NS + s
    pltpu.sync_copy(zeros_hbm.at[pl.ds(s * ZROWS, ZROWS)],
                    acc.at[pl.ds(s * ZROWS, ZROWS)])
    plsc.subcore_barrier()

    def fire(l, rows, sem):
        base = pl.multiple_of(l * K, K)
        for q in range(2):
            pltpu.async_copy(table_hbm.at[srcs_v.at[pl.ds(base + q * H, H)]],
                             rows.at[pl.ds(q * H, H)], sem)

    def wait(rows, sem):
        pltpu.make_async_copy(table_hbm.at[srcs_v.at[pl.ds(0, K)]],
                              rows, sem).wait()

    def outer(b, carry):
        blk = wid * EPT + b * (IB * K)
        pltpu.sync_copy(src_hbm.at[pl.ds(blk, IB * K)], srcs_v)
        pltpu.sync_copy(dst_hbm.at[pl.ds(blk, IB * K)], dsts_v)
        fire(0, rows0, sem0)

        def body(i, carry2):
            l0 = 2 * i
            l1 = l0 + 1
            wait(rows0, sem0)
            fire(l1, rows1, sem1)
            _vcopy_idx(dsts_v, l0, dstc0)
            pltpu.sync_copy(rows0, acc.at[dstc0], add=True)
            wait(rows1, sem1)

            @pl.when(i < IB // 2 - 1)
            def _():
                fire(l0 + 2, rows0, sem0)

            _vcopy_idx(dsts_v, l1, dstc1)
            pltpu.sync_copy(rows1, acc.at[dstc1], add=True)
            return carry2

        lax.fori_loop(0, IB // 2, body, 0)
        return carry

    lax.fori_loop(0, NB, outer, 0)
    plsc.subcore_barrier()
    pltpu.sync_copy(acc.at[pl.ds(s * ZROWS, ZROWS)], out_hbm.at[wid])


@functools.partial(
    pl.kernel, mesh=_MESH,
    out_type=jax.ShapeDtypeStruct((NW, ZROWS, D), jnp.float32),
    scratch_types=[
        pltpu.VMEM((EPT,), jnp.int32),
        pltpu.VMEM((K,), jnp.int32),
        pltpu.VMEM((K, D), jnp.float32),
        pltpu.VMEM_SHARED((NPAD, D), jnp.float32),
    ],
)
def _deg(ones_hbm, dst_hbm, zeros_hbm, out_hbm, dsts_v, dstc, ones_v, acc):
    c = lax.axis_index("c")
    s = lax.axis_index("s")
    wid = c * NS + s
    pltpu.sync_copy(zeros_hbm.at[pl.ds(s * ZROWS, ZROWS)],
                    acc.at[pl.ds(s * ZROWS, ZROWS)])
    pltpu.sync_copy(dst_hbm.at[pl.ds(wid * EPT, EPT)], dsts_v)
    pltpu.sync_copy(ones_hbm, ones_v)
    plsc.subcore_barrier()

    def body(i, carry):
        _vcopy_idx(dsts_v, i, dstc)
        pltpu.sync_copy(ones_v, acc.at[dstc], add=True)
        return carry

    lax.fori_loop(0, CHUNKS, body, 0)
    plsc.subcore_barrier()
    pltpu.sync_copy(acc.at[pl.ds(s * ZROWS, ZROWS)], out_hbm.at[wid])


def _layer0_body(x_ref, a_ref, b_ref, da_ref, db_ref, ws_ref, wn_ref,
                 h_ref, inv_ref):
    inv = 1.0 / jnp.maximum(da_ref[...] + db_ref[...], 1.0)
    mean = (a_ref[...] + b_ref[...]) * inv
    h = (jnp.dot(x_ref[...], ws_ref[...], preferred_element_type=jnp.float32)
         + jnp.dot(mean, wn_ref[...], preferred_element_type=jnp.float32))
    h_ref[...] = jnp.maximum(h, 0.0)
    inv_ref[...] = inv


def _layerN_body(h_ref, a_ref, b_ref, inv_ref, ws_ref, wn_ref, o_ref, *, relu):
    mean = (a_ref[...] + b_ref[...]) * inv_ref[...]
    o = (jnp.dot(h_ref[...], ws_ref[...], preferred_element_type=jnp.float32)
         + jnp.dot(mean, wn_ref[...], preferred_element_type=jnp.float32))
    if relu:
        o = jnp.maximum(o, 0.0)
    o_ref[...] = o


_BLK = ZROWS
_GRID = NPAD // _BLK


def _row_spec(w):
    return pl.BlockSpec((_BLK, w), lambda i: (i, 0))


def _full_spec(r, w):
    return pl.BlockSpec((r, w), lambda i: (0, 0))


def _tc_layer0(x, accA, accB, degA, degB, ws, wn):
    return pl.pallas_call(
        _layer0_body,
        grid=(_GRID,),
        in_specs=[_row_spec(128), _row_spec(128), _row_spec(128),
                  _row_spec(128), _row_spec(128),
                  _full_spec(128, 128), _full_spec(128, 128)],
        out_specs=[_row_spec(128), _row_spec(128)],
        out_shape=[jax.ShapeDtypeStruct((NPAD, 128), jnp.float32),
                   jax.ShapeDtypeStruct((NPAD, 128), jnp.float32)],
    )(x, accA, accB, degA, degB, ws, wn)


def _tc_layerN(h, accA, accB, invb, ws, wn, relu):
    return pl.pallas_call(
        functools.partial(_layerN_body, relu=relu),
        grid=(_GRID,),
        in_specs=[_row_spec(128), _row_spec(128), _row_spec(128),
                  _row_spec(128), _full_spec(128, 128), _full_spec(128, 128)],
        out_specs=_row_spec(128),
        out_shape=jax.ShapeDtypeStruct((NPAD, 128), jnp.float32),
    )(h, accA, accB, invb, ws, wn)


def kernel(x, edge_index, W_self0, W_neigh0, W_self1, W_neigh1, W_self2, W_neigh2):
    src = edge_index[0]
    dst = edge_index[1]
    pad = E_PAD - E
    pad_src = (jnp.arange(pad, dtype=jnp.int32) * 97) % N
    pad_dst = N + (jnp.arange(pad, dtype=jnp.int32) % DUMP)
    srcp = jnp.concatenate([src, pad_src])
    dstp = jnp.concatenate([dst, pad_dst])
    zeros = jnp.zeros((NPAD, D), jnp.float32)
    ones = jnp.ones((K, D), jnp.float32)
    xp = jnp.pad(x, ((0, DUMP), (0, 0)))

    degr = _deg(ones, dstp, zeros).reshape(NC, NPAD, D)

    acc0 = _seg(xp, srcp, dstp, zeros).reshape(NC, NPAD, D)
    h1, invb = _tc_layer0(xp, acc0[0], acc0[1], degr[0], degr[1],
                          W_self0, W_neigh0)

    acc1 = _seg(h1, srcp, dstp, zeros).reshape(NC, NPAD, D)
    h2 = _tc_layerN(h1, acc1[0], acc1[1], invb, W_self1, W_neigh1, relu=True)

    acc2 = _seg(h2, srcp, dstp, zeros).reshape(NC, NPAD, D)
    ws2 = jnp.pad(W_self2, ((0, 0), (0, 128 - 40)))
    wn2 = jnp.pad(W_neigh2, ((0, 0), (0, 128 - 40)))
    h3 = _tc_layerN(h2, acc2[0], acc2[1], invb, ws2, wn2, relu=False)
    return h3[:N, :40]

# --- scband reference (transcript-rebuilt; emitter-appended) ---
"""Pipeline reference for scband-src-to-dest-80350248173696 (READ-ONLY COPY).

The authoritative reference and input builder live on the scoring server;
editing this copy changes nothing except your own understanding.
"""

import jax, jax.numpy as jnp
import numpy as np

# SRC_TO_DEST: stack of GNN layers with a distributed Shuffle (scatter of src features
# across ranks). With rank=0, world_size=1 the Shuffle is an identity pass-through,
# so the model reduces to sequentially applying the graph layers with ReLU between them.
# The per-layer `layer(block, x)` is modeled faithfully as a GraphSAGE-style
# src->dst mean-aggregation conv: h' = h @ W_self + mean_{src->dst}(h_src) @ W_neigh.

N = 10000        # n_nodes
E = 320000       # n_edges = N * avg_degree(32)
D_IN = 128       # in_feats
D_HID = 128      # n_hidden
N_CLASSES = 40   # n_classes


def setup_inputs(seed: int = 0) -> dict:
    key = jax.random.key(seed)
    ks = jax.random.split(key, 10)
    x = jax.random.normal(ks[0], (N, D_IN), dtype=jnp.float32)
    edge_index = jax.random.randint(ks[1], (2, E), 0, N, dtype=jnp.int32)
    s = 1.0 / np.sqrt(D_IN)
    W_self0 = jax.random.normal(ks[2], (D_IN, D_HID), dtype=jnp.float32) * s
    W_neigh0 = jax.random.normal(ks[3], (D_IN, D_HID), dtype=jnp.float32) * s
    sh = 1.0 / np.sqrt(D_HID)
    W_self1 = jax.random.normal(ks[4], (D_HID, D_HID), dtype=jnp.float32) * sh
    W_neigh1 = jax.random.normal(ks[5], (D_HID, D_HID), dtype=jnp.float32) * sh
    W_self2 = jax.random.normal(ks[6], (D_HID, N_CLASSES), dtype=jnp.float32) * sh
    W_neigh2 = jax.random.normal(ks[7], (D_HID, N_CLASSES), dtype=jnp.float32) * sh
    return {
        "x": x,
        "edge_index": edge_index,
        "W_self0": W_self0, "W_neigh0": W_neigh0,
        "W_self1": W_self1, "W_neigh1": W_neigh1,
        "W_self2": W_self2, "W_neigh2": W_neigh2,
    }


def _shuffle(x):
    # Shuffle.apply(scattered_array, x, rank=0, world_size=1): with a single
    # partition, the scatter-forward of src features is an identity copy.
    return x


def _conv(h, src, dst, W_self, W_neigh):
    msgs = jnp.take(h, src, axis=0)                      # gather src features
    agg = jax.ops.segment_sum(msgs, dst, num_segments=N)  # scatter-add to dst
    deg = jax.ops.segment_sum(jnp.ones((src.shape[0], 1), dtype=h.dtype), dst, num_segments=N)
    mean = agg / jnp.clip(deg, 1.0, None)
    return h @ W_self + mean @ W_neigh


def reference(x, edge_index, W_self0, W_neigh0, W_self1, W_neigh1, W_self2, W_neigh2):
    src = edge_index[0]
    dst = edge_index[1]
    h = x
    # layer 0 (i < redundant_layer -> Shuffle on block.scattered_src; identity at ws=1)
    h = _shuffle(h)
    h = _conv(h, src, dst, W_self0, W_neigh0)
    h = jax.nn.relu(h)
    # layer 1
    h = _shuffle(h)
    h = _conv(h, src, dst, W_self1, W_neigh1)
    h = jax.nn.relu(h)
    # layer 2 (last layer: no activation)
    h = _shuffle(h)
    h = _conv(h, src, dst, W_self2, W_neigh2)
    return h

if __name__ == "__main__":
    import jax
    _d = setup_inputs()
    print(jax.jit(kernel)(*tuple(_d.values())))

</pallas_src>

<mosaic_0001>
#map = affine_map<(d0, d1) -> (0, 0)>
#map1 = affine_map<(d0, d1) -> (0)>
#map2 = affine_map<(d0, d1) -> (0, 0, 0)>
module attributes {stable_mosaic.version = 14 : i64} {
  func.func @_deg(%arg0: i32, %arg1: i32, %arg2: memref<128x128xf32, #tpu.memory_space<hbm>>, %arg3: memref<327680xi32, #tpu.memory_space<hbm>>, %arg4: memref<10112x128xf32, #tpu.memory_space<hbm>>, %arg5: memref<32x632x128xf32, #tpu.memory_space<hbm>>, %arg6: memref<10240xi32, #tpu.memory_space<vmem>>, %arg7: memref<128xi32, #tpu.memory_space<vmem>>, %arg8: memref<128x128xf32, #tpu.memory_space<vmem>>, %arg9: memref<10112x128xf32, #tpu.memory_space<vmem_shared>>) attributes {dimension_semantics = [#tpu.dimension_semantics<core_parallel>, #tpu.dimension_semantics<subcore_parallel>], iteration_bounds = array<i64: 2, 16>, scalar_prefetch = 0 : i64, scratch_operands = 4 : i64, tpu.core_type = #tpu.core_type<sc_vector_subcore>, window_params = [{transform_indices = #map}, {transform_indices = #map1}, {transform_indices = #map}, {transform_indices = #map2}]} {
    %mul3A = arith.constant 16 : i32
    %mul3A_0 = arith.muli %arg0, %mul3A : i32
    %add3A = arith.addi %mul3A_0, %arg1 : i32
    %mul3A_1 = arith.constant 632 : i32
    %mul3A_2 = arith.muli %arg1, %mul3A_1 : i32
    %mul3A_3 = arith.constant 632 : i32
    %mul3A_4 = arith.muli %arg1, %mul3A_3 : i32
    "tpu.region"() ({
      %run_scoped3A = tpu.sem_alloc : memref<!tpu.dma_semaphore, #tpu.memory_space<semaphore_mem>>
      %dma_start3A = arith.constant 0 : i32
      %dma_start3A_15 = tpu.memref_slice %arg9[%mul3A_4, %dma_start3A] : memref<10112x128xf32, #tpu.memory_space<vmem_shared>> -> memref<632x128xf32, #tpu.memory_space<vmem_shared>>
      %dma_start3A_16 = arith.constant 0 : i32
      %dma_start3A_17 = tpu.memref_slice %arg4[%mul3A_2, %dma_start3A_16] : memref<10112x128xf32, #tpu.memory_space<hbm>> -> memref<632x128xf32, #tpu.memory_space<hbm>>
      tpu.enqueue_dma source(%dma_start3A_17 : memref<632x128xf32, #tpu.memory_space<hbm>>) target(%dma_start3A_15 : memref<632x128xf32, #tpu.memory_space<vmem_shared>>) target_semaphore(%run_scoped3A : memref<!tpu.dma_semaphore, #tpu.memory_space<semaphore_mem>>)
      %dma_wait3A = arith.constant 0 : i32
      %dma_wait3A_18 = tpu.memref_slice %arg9[%mul3A_4, %dma_wait3A] : memref<10112x128xf32, #tpu.memory_space<vmem_shared>> -> memref<632x128xf32, #tpu.memory_space<vmem_shared>>
      %dma_wait3A_19 = arith.constant 0 : i32
      %dma_wait3A_20 = tpu.memref_slice %arg4[%mul3A_2, %dma_wait3A_19] : memref<10112x128xf32, #tpu.memory_space<hbm>> -> memref<632x128xf32, #tpu.memory_space<hbm>>
      tpu.wait_dma2 semaphore(%run_scoped3A : memref<!tpu.dma_semaphore, #tpu.memory_space<semaphore_mem>>) src(%dma_wait3A_20 : memref<632x128xf32, #tpu.memory_space<hbm>>) dst(%dma_wait3A_18 : memref<632x128xf32, #tpu.memory_space<vmem_shared>>)
      tpu.yield
    }) : () -> ()
    %mul3A_5 = arith.constant 10240 : i32
    %mul3A_6 = arith.muli %add3A, %mul3A_5 : i32
    "tpu.region"() ({
      %run_scoped3A = tpu.sem_alloc : memref<!tpu.dma_semaphore, #tpu.memory_space<semaphore_mem>>
      %dma_start3A = tpu.memref_slice %arg3[%mul3A_6] : memref<327680xi32, #tpu.memory_space<hbm>> -> memref<10240xi32, #tpu.memory_space<hbm>>
      %dma_start3A_15 = tpu.memref_slice %arg3[%mul3A_6] : memref<327680xi32, #tpu.memory_space<hbm>> -> memref<10240xi32, #tpu.memory_space<hbm>>
      tpu.enqueue_dma source(%dma_start3A_15 : memref<10240xi32, #tpu.memory_space<hbm>>) target(%arg6 : memref<10240xi32, #tpu.memory_space<vmem>>) target_semaphore(%run_scoped3A : memref<!tpu.dma_semaphore, #tpu.memory_space<semaphore_mem>>)
      %dma_wait3A = tpu.memref_slice %arg3[%mul3A_6] : memref<327680xi32, #tpu.memory_space<hbm>> -> memref<10240xi32, #tpu.memory_space<hbm>>
      %dma_wait3A_16 = tpu.memref_slice %arg3[%mul3A_6] : memref<327680xi32, #tpu.memory_space<hbm>> -> memref<10240xi32, #tpu.memory_space<hbm>>
      tpu.wait_dma2 semaphore(%run_scoped3A : memref<!tpu.dma_semaphore, #tpu.memory_space<semaphore_mem>>) src(%dma_wait3A_16 : memref<10240xi32, #tpu.memory_space<hbm>>) dst(%arg6 : memref<10240xi32, #tpu.memory_space<vmem>>)
      tpu.yield
    }) : () -> ()
    "tpu.region"() ({
      %run_scoped3A = tpu.sem_alloc : memref<!tpu.dma_semaphore, #tpu.memory_space<semaphore_mem>>
      tpu.enqueue_dma source(%arg2 : memref<128x128xf32, #tpu.memory_space<hbm>>) target(%arg8 : memref<128x128xf32, #tpu.memory_space<vmem>>) target_semaphore(%run_scoped3A : memref<!tpu.dma_semaphore, #tpu.memory_space<semaphore_mem>>)
      tpu.wait_dma2 semaphore(%run_scoped3A : memref<!tpu.dma_semaphore, #tpu.memory_space<semaphore_mem>>) src(%arg2 : memref<128x128xf32, #tpu.memory_space<hbm>>) dst(%arg8 : memref<128x128xf32, #tpu.memory_space<vmem>>)
      tpu.yield
    }) : () -> ()
    %barrier3A = arith.constant 0 : index
    tpu.barrier barrier_id(%barrier3A)
    %scan3A = arith.constant 0 : i32
    %scan3A_7 = arith.constant 0 : i32
    %scan3A_8 = arith.constant 80 : i32
    %scan3A_9 = arith.addi %scan3A_7, %scan3A_8 : i32
    %scan3A_10 = arith.constant 1 : i32
    scf.for %scan3A_15 = %scan3A_7 to %scan3A_9 step %scan3A_10  : i32 {
      %mul3A_16 = arith.constant 128 : i32
      %mul3A_17 = arith.muli %scan3A_15, %mul3A_16 : i32
      %multiple_of3A = tpu.assume_multiple %mul3A_17, 128 : i32
      %add3A_18 = arith.constant 0 : i32
      %add3A_19 = arith.addi %multiple_of3A, %add3A_18 : i32
      %get3A = arith.index_cast %add3A_19 : i32 to index
      %get3A_20 = tpu.vector_load %arg6[%get3A] {strides = array<i32>} : memref<10240xi32, #tpu.memory_space<vmem>>, vector<16xi32>,
      %get3A_21 = vector.shape_cast %get3A_20 : vector<16xi32> to vector<16xi32>
      %swap3A = arith.constant 0 : index
      %swap3A_22 = tpu.vector_load %arg7[%swap3A] {strides = array<i32>} : memref<128xi32, #tpu.memory_space<vmem>>, vector<16xi32>,
      %swap3A_23 = vector.shape_cast %swap3A_22 : vector<16xi32> to vector<16xi32>
      %swap3A_24 = vector.shape_cast %get3A_21 : vector<16xi32> to vector<16xi32>
      tpu.vector_store %arg7[%swap3A], %swap3A_24 {strides = array<i32>} : memref<128xi32, #tpu.memory_space<vmem>>, vector<16xi32>,
      %add3A_25 = arith.constant 16 : i32
      %add3A_26 = arith.addi %multiple_of3A, %add3A_25 : i32
      %get3A_27 = arith.index_cast %add3A_26 : i32 to index
      %get3A_28 = tpu.vector_load %arg6[%get3A_27] {strides = array<i32>} : memref<10240xi32, #tpu.memory_space<vmem>>, vector<16xi32>,
      %get3A_29 = vector.shape_cast %get3A_28 : vector<16xi32> to vector<16xi32>
      %swap3A_30 = arith.constant 16 : index
      %swap3A_31 = tpu.vector_load %arg7[%swap3A_30] {strides = array<i32>} : memref<128xi32, #tpu.memory_space<vmem>>, vector<16xi32>,
      %swap3A_32 = vector.shape_cast %swap3A_31 : vector<16xi32> to vector<16xi32>
      %swap3A_33 = vector.shape_cast %get3A_29 : vector<16xi32> to vector<16xi32>
      tpu.vector_store %arg7[%swap3A_30], %swap3A_33 {strides = array<i32>} : memref<128xi32, #tpu.memory_space<vmem>>, vector<16xi32>,
      %add3A_34 = arith.constant 32 : i32
      %add3A_35 = arith.addi %multiple_of3A, %add3A_34 : i32
      %get3A_36 = arith.index_cast %add3A_35 : i32 to index
      %get3A_37 = tpu.vector_load %arg6[%get3A_36] {strides = array<i32>} : memref<10240xi32, #tpu.memory_space<vmem>>, vector<16xi32>,
      %get3A_38 = vector.shape_cast %get3A_37 : vector<16xi32> to vector<16xi32>
      %swap3A_39 = arith.constant 32 : index
      %swap3A_40 = tpu.vector_load %arg7[%swap3A_39] {strides = array<i32>} : memref<128xi32, #tpu.memory_space<vmem>>, vector<16xi32>,
      %swap3A_41 = vector.shape_cast %swap3A_40 : vector<16xi32> to vector<16xi32>
      %swap3A_42 = vector.shape_cast %get3A_38 : vector<16xi32> to vector<16xi32>
      tpu.vector_store %arg7[%swap3A_39], %swap3A_42 {strides = array<i32>} : memref<128xi32, #tpu.memory_space<vmem>>, vector<16xi32>,
      %add3A_43 = arith.constant 48 : i32
      %add3A_44 = arith.addi %multiple_of3A, %add3A_43 : i32
      %get3A_45 = arith.index_cast %add3A_44 : i32 to index
      %get3A_46 = tpu.vector_load %arg6[%get3A_45] {strides = array<i32>} : memref<10240xi32, #tpu.memory_space<vmem>>, vector<16xi32>,
      %get3A_47 = vector.shape_cast %get3A_46 : vector<16xi32> to vector<16xi32>
      %swap3A_48 = arith.constant 48 : index
      %swap3A_49 = tpu.vector_load %arg7[%swap3A_48] {strides = array<i32>} : memref<128xi32, #tpu.memory_space<vmem>>, vector<16xi32>,
      %swap3A_50 = vector.shape_cast %swap3A_49 : vector<16xi32> to vector<16xi32>
      %swap3A_51 = vector.shape_cast %get3A_47 : vector<16xi32> to vector<16xi32>
      tpu.vector_store %arg7[%swap3A_48], %swap3A_51 {strides = array<i32>} : memref<128xi32, #tpu.memory_space<vmem>>, vector<16xi32>,
      %add3A_52 = arith.constant 64 : i32
      %add3A_53 = arith.addi %multiple_of3A, %add3A_52 : i32
      %get3A_54 = arith.index_cast %add3A_53 : i32 to index
      %get3A_55 = tpu.vector_load %arg6[%get3A_54] {strides = array<i32>} : memref<10240xi32, #tpu.memory_space<vmem>>, vector<16xi32>,
      %get3A_56 = vector.shape_cast %get3A_55 : vector<16xi32> to vector<16xi32>
      %swap3A_57 = arith.constant 64 : index
      %swap3A_58 = tpu.vector_load %arg7[%swap3A_57] {strides = array<i32>} : memref<128xi32, #tpu.memory_space<vmem>>, vector<16xi32>,
      %swap3A_59 = vector.shape_cast %swap3A_58 : vector<16xi32> to vector<16xi32>
      %swap3A_60 = vector.shape_cast %get3A_56 : vector<16xi32> to vector<16xi32>
      tpu.vector_store %arg7[%swap3A_57], %swap3A_60 {strides = array<i32>} : memref<128xi32, #tpu.memory_space<vmem>>, vector<16xi32>,
      %add3A_61 = arith.constant 80 : i32
      %add3A_62 = arith.addi %multiple_of3A, %add3A_61 : i32
      %get3A_63 = arith.index_cast %add3A_62 : i32 to index
      %get3A_64 = tpu.vector_load %arg6[%get3A_63] {strides = array<i32>} : memref<10240xi32, #tpu.memory_space<vmem>>, vector<16xi32>,
      %get3A_65 = vector.shape_cast %get3A_64 : vector<16xi32> to vector<16xi32>
      %swap3A_66 = arith.constant 80 : index
      %swap3A_67 = tpu.vector_load %arg7[%swap3A_66] {strides = array<i32>} : memref<128xi32, #tpu.memory_space<vmem>>, vector<16xi32>,
      %swap3A_68 = vector.shape_cast %swap3A_67 : vector<16xi32> to vector<16xi32>
      %swap3A_69 = vector.shape_cast %get3A_65 : vector<16xi32> to vector<16xi32>
      tpu.vector_store %arg7[%swap3A_66], %swap3A_69 {strides = array<i32>} : memref<128xi32, #tpu.memory_space<vmem>>, vector<16xi32>,
      %add3A_70 = arith.constant 96 : i32
      %add3A_71 = arith.addi %multiple_of3A, %add3A_70 : i32
      %get3A_72 = arith.index_cast %add3A_71 : i32 to index
      %get3A_73 = tpu.vector_load %arg6[%get3A_72] {strides = array<i32>} : memref<10240xi32, #tpu.memory_space<vmem>>, vector<16xi32>,
      %get3A_74 = vector.shape_cast %get3A_73 : vector<16xi32> to vector<16xi32>
      %swap3A_75 = arith.constant 96 : index
      %swap3A_76 = tpu.vector_load %arg7[%swap3A_75] {strides = array<i32>} : memref<128xi32, #tpu.memory_space<vmem>>, vector<16xi32>,
      %swap3A_77 = vector.shape_cast %swap3A_76 : vector<16xi32> to vector<16xi32>
      %swap3A_78 = vector.shape_cast %get3A_74 : vector<16xi32> to vector<16xi32>
      tpu.vector_store %arg7[%swap3A_75], %swap3A_78 {strides = array<i32>} : memref<128xi32, #tpu.memory_space<vmem>>, vector<16xi32>,
      %add3A_79 = arith.constant 112 : i32
      %add3A_80 = arith.addi %multiple_of3A, %add3A_79 : i32
      %get3A_81 = arith.index_cast %add3A_80 : i32 to index
      %get3A_82 = tpu.vector_load %arg6[%get3A_81] {strides = array<i32>} : memref<10240xi32, #tpu.memory_space<vmem>>, vector<16xi32>,
      %get3A_83 = vector.shape_cast %get3A_82 : vector<16xi32> to vector<16xi32>
      %swap3A_84 = arith.constant 112 : index
      %swap3A_85 = tpu.vector_load %arg7[%swap3A_84] {strides = array<i32>} : memref<128xi32, #tpu.memory_space<vmem>>, vector<16xi32>,
      %swap3A_86 = vector.shape_cast %swap3A_85 : vector<16xi32> to vector<16xi32>
      %swap3A_87 = vector.shape_cast %get3A_83 : vector<16xi32> to vector<16xi32>
      tpu.vector_store %arg7[%swap3A_84], %swap3A_87 {strides = array<i32>} : memref<128xi32, #tpu.memory_space<vmem>>, vector<16xi32>,
      "tpu.region"() ({
        %run_scoped3A = tpu.sem_alloc : memref<!tpu.dma_semaphore, #tpu.memory_space<semaphore_mem>>
        %dma_start3A = arith.constant 0 : i32
        %dma_start3A_88 = arith.constant 0 : i32
        %dma_start3A_89 = tpu.memref_slice %arg9[%dma_start3A, %dma_start3A_88] : memref<10112x128xf32, #tpu.memory_space<vmem_shared>> -> memref<10112x128xf32, #tpu.memory_space<vmem_shared>>
        tpu.enqueue_indirect_dma source(%arg8 : memref<128x128xf32, #tpu.memory_space<vmem>>) target(%dma_start3A_89 : memref<10112x128xf32, #tpu.memory_space<vmem_shared>>) offsets(%arg7 : memref<128xi32, #tpu.memory_space<vmem>>) semaphore(%run_scoped3A : memref<!tpu.dma_semaphore, #tpu.memory_space<semaphore_mem>>) {add = true}
        %dma_wait3A = arith.constant 0 : i32
        %dma_wait3A_90 = arith.constant 0 : i32
        %dma_wait3A_91 = tpu.memref_slice %arg9[%dma_wait3A, %dma_wait3A_90] : memref<10112x128xf32, #tpu.memory_space<vmem_shared>> -> memref<10112x128xf32, #tpu.memory_space<vmem_shared>>
        tpu.wait_indirect_dma semaphore(%run_scoped3A : memref<!tpu.dma_semaphore, #tpu.memory_space<semaphore_mem>>) src(%arg8 : memref<128x128xf32, #tpu.memory_space<vmem>>) dst(%dma_wait3A_91 : memref<10112x128xf32, #tpu.memory_space<vmem_shared>>)
        tpu.yield
      }) : () -> ()
    }
    %scan3A_11 = arith.constant 80 : i32
    %barrier3A_12 = arith.constant 0 : index
    tpu.barrier barrier_id(%barrier3A_12)
    %mul3A_13 = arith.constant 632 : i32
    %mul3A_14 = arith.muli %arg1, %mul3A_13 : i32
    "tpu.region"() ({
      %run_scoped3A = tpu.sem_alloc : memref<!tpu.dma_semaphore, #tpu.memory_space<semaphore_mem>>
      %dma_start3A = arith.constant 0 : i32
      %dma_start3A_15 = arith.constant 0 : i32
      %dma_start3A_16 = tpu.memref_slice %arg5[%add3A, %dma_start3A, %dma_start3A_15] : memref<32x632x128xf32, #tpu.memory_space<hbm>> -> memref<1x632x128xf32, #tpu.memory_space<hbm>>
      %dma_start3A_17 = tpu.memref_squeeze %dma_start3A_16 : memref<1x632x128xf32, #tpu.memory_space<hbm>> -> memref<632x128xf32, #tpu.memory_space<hbm>>
      %dma_start3A_18 = arith.constant 0 : i32
      %dma_start3A_19 = tpu.memref_slice %arg9[%mul3A_14, %dma_start3A_18] : memref<10112x128xf32, #tpu.memory_space<vmem_shared>> -> memref<632x128xf32, #tpu.memory_space<vmem_shared>>
      tpu.enqueue_dma source(%dma_start3A_19 : memref<632x128xf32, #tpu.memory_space<vmem_shared>>) target(%dma_start3A_17 : memref<632x128xf32, #tpu.memory_space<hbm>>) target_semaphore(%run_scoped3A : memref<!tpu.dma_semaphore, #tpu.memory_space<semaphore_mem>>)
      %dma_wait3A = arith.constant 0 : i32
      %dma_wait3A_20 = arith.constant 0 : i32
      %dma_wait3A_21 = tpu.memref_slice %arg5[%add3A, %dma_wait3A, %dma_wait3A_20] : memref<32x632x128xf32, #tpu.memory_space<hbm>> -> memref<1x632x128xf32, #tpu.memory_space<hbm>>
      %dma_wait3A_22 = tpu.memref_squeeze %dma_wait3A_21 : memref<1x632x128xf32, #tpu.memory_space<hbm>> -> memref<632x128xf32, #tpu.memory_space<hbm>>
      %dma_wait3A_23 = arith.constant 0 : i32
      %dma_wait3A_24 = tpu.memref_slice %arg9[%mul3A_14, %dma_wait3A_23] : memref<10112x128xf32, #tpu.memory_space<vmem_shared>> -> memref<632x128xf32, #tpu.memory_space<vmem_shared>>
      tpu.wait_dma2 semaphore(%run_scoped3A : memref<!tpu.dma_semaphore, #tpu.memory_space<semaphore_mem>>) src(%dma_wait3A_24 : memref<632x128xf32, #tpu.memory_space<vmem_shared>>) dst(%dma_wait3A_22 : memref<632x128xf32, #tpu.memory_space<hbm>>)
      tpu.yield
    }) : () -> ()
    return
  }
}

#map = affine_map<(d0, d1) -> (0, 0)>
#map1 = affine_map<(d0, d1) -> (0)>
#map2 = affine_map<(d0, d1) -> (0, 0, 0)>
module attributes {stable_mosaic.version = 14 : i64} {
  func.func @_seg(%arg0: i32, %arg1: i32, %arg2: memref<10112x128xf32, #tpu.memory_space<hbm>>, %arg3: memref<327680xi32, #tpu.memory_space<hbm>>, %arg4: memref<327680xi32, #tpu.memory_space<hbm>>, %arg5: memref<10112x128xf32, #tpu.memory_space<hbm>>, %arg6: memref<32x632x128xf32, #tpu.memory_space<hbm>>, %arg7: memref<2048xi32, #tpu.memory_space<vmem>>, %arg8: memref<2048xi32, #tpu.memory_space<vmem>>, %arg9: memref<128xi32, #tpu.memory_space<vmem>>, %arg10: memref<128xi32, #tpu.memory_space<vmem>>, %arg11: memref<128x128xf32, #tpu.memory_space<vmem>>, %arg12: memref<128x128xf32, #tpu.memory_space<vmem>>, %arg13: memref<10112x128xf32, #tpu.memory_space<vmem_shared>>, %arg14: memref<!tpu.dma_semaphore, #tpu.memory_space<semaphore_mem>>, %arg15: memref<!tpu.dma_semaphore, #tpu.memory_space<semaphore_mem>>) attributes {dimension_semantics = [#tpu.dimension_semantics<core_parallel>, #tpu.dimension_semantics<subcore_parallel>], iteration_bounds = array<i64: 2, 16>, scalar_prefetch = 0 : i64, scratch_operands = 9 : i64, tpu.core_type = #tpu.core_type<sc_vector_subcore>, window_params = [{transform_indices = #map}, {transform_indices = #map1}, {transform_indices = #map1}, {transform_indices = #map}, {transform_indices = #map2}]} {
    %mul3A = arith.constant 16 : i32
    %mul3A_0 = arith.muli %arg0, %mul3A : i32
    %add3A = arith.addi %mul3A_0, %arg1 : i32
    %mul3A_1 = arith.constant 632 : i32
    %mul3A_2 = arith.muli %arg1, %mul3A_1 : i32
    %mul3A_3 = arith.constant 632 : i32
    %mul3A_4 = arith.muli %arg1, %mul3A_3 : i32
    "tpu.region"() ({
      %run_scoped3A = tpu.sem_alloc : memref<!tpu.dma_semaphore, #tpu.memory_space<semaphore_mem>>
      %dma_start3A = arith.constant 0 : i32
      %dma_start3A_13 = tpu.memref_slice %arg13[%mul3A_4, %dma_start3A] : memref<10112x128xf32, #tpu.memory_space<vmem_shared>> -> memref<632x128xf32, #tpu.memory_space<vmem_shared>>
      %dma_start3A_14 = arith.constant 0 : i32
      %dma_start3A_15 = tpu.memref_slice %arg5[%mul3A_2, %dma_start3A_14] : memref<10112x128xf32, #tpu.memory_space<hbm>> -> memref<632x128xf32, #tpu.memory_space<hbm>>
      tpu.enqueue_dma source(%dma_start3A_15 : memref<632x128xf32, #tpu.memory_space<hbm>>) target(%dma_start3A_13 : memref<632x128xf32, #tpu.memory_space<vmem_shared>>) target_semaphore(%run_scoped3A : memref<!tpu.dma_semaphore, #tpu.memory_space<semaphore_mem>>)
      %dma_wait3A = arith.constant 0 : i32
      %dma_wait3A_16 = tpu.memref_slice %arg13[%mul3A_4, %dma_wait3A] : memref<10112x128xf32, #tpu.memory_space<vmem_shared>> -> memref<632x128xf32, #tpu.memory_space<vmem_shared>>
      %dma_wait3A_17 = arith.constant 0 : i32
      %dma_wait3A_18 = tpu.memref_slice %arg5[%mul3A_2, %dma_wait3A_17] : memref<10112x128xf32, #tpu.memory_space<hbm>> -> memref<632x128xf32, #tpu.memory_space<hbm>>
      tpu.wait_dma2 semaphore(%run_scoped3A : memref<!tpu.dma_semaphore, #tpu.memory_space<semaphore_mem>>) src(%dma_wait3A_18 : memref<632x128xf32, #tpu.memory_space<hbm>>) dst(%dma_wait3A_16 : memref<632x128xf32, #tpu.memory_space<vmem_shared>>)
      tpu.yield
    }) : () -> ()
    %barrier3A = arith.constant 0 : index
    tpu.barrier barrier_id(%barrier3A)
    %scan3A = arith.constant 0 : i32
    %scan3A_5 = arith.constant 0 : i32
    %scan3A_6 = arith.constant 5 : i32
    %scan3A_7 = arith.addi %scan3A_5, %scan3A_6 : i32
    %scan3A_8 = arith.constant 1 : i32
    scf.for %scan3A_13 = %scan3A_5 to %scan3A_7 step %scan3A_8  : i32 {
      %mul3A_14 = arith.constant 10240 : i32
      %mul3A_15 = arith.muli %add3A, %mul3A_14 : i32
      %mul3A_16 = arith.constant 2048 : i32
      %mul3A_17 = arith.muli %scan3A_13, %mul3A_16 : i32
      %add3A_18 = arith.addi %mul3A_15, %mul3A_17 : i32
      "tpu.region"() ({
        %run_scoped3A = tpu.sem_alloc : memref<!tpu.dma_semaphore, #tpu.memory_space<semaphore_mem>>
        %dma_start3A_43 = tpu.memref_slice %arg3[%add3A_18] : memref<327680xi32, #tpu.memory_space<hbm>> -> memref<2048xi32, #tpu.memory_space<hbm>>
        %dma_start3A_44 = tpu.memref_slice %arg3[%add3A_18] : memref<327680xi32, #tpu.memory_space<hbm>> -> memref<2048xi32, #tpu.memory_space<hbm>>
        tpu.enqueue_dma source(%dma_start3A_44 : memref<2048xi32, #tpu.memory_space<hbm>>) target(%arg7 : memref<2048xi32, #tpu.memory_space<vmem>>) target_semaphore(%run_scoped3A : memref<!tpu.dma_semaphore, #tpu.memory_space<semaphore_mem>>)
        %dma_wait3A = tpu.memref_slice %arg3[%add3A_18] : memref<327680xi32, #tpu.memory_space<hbm>> -> memref<2048xi32, #tpu.memory_space<hbm>>
        %dma_wait3A_45 = tpu.memref_slice %arg3[%add3A_18] : memref<327680xi32, #tpu.memory_space<hbm>> -> memref<2048xi32, #tpu.memory_space<hbm>>
        tpu.wait_dma2 semaphore(%run_scoped3A : memref<!tpu.dma_semaphore, #tpu.memory_space<semaphore_mem>>) src(%dma_wait3A_45 : memref<2048xi32, #tpu.memory_space<hbm>>) dst(%arg7 : memref<2048xi32, #tpu.memory_space<vmem>>)
        tpu.yield
      }) : () -> ()
      "tpu.region"() ({
        %run_scoped3A = tpu.sem_alloc : memref<!tpu.dma_semaphore, #tpu.memory_space<semaphore_mem>>
        %dma_start3A_43 = tpu.memref_slice %arg4[%add3A_18] : memref<327680xi32, #tpu.memory_space<hbm>> -> memref<2048xi32, #tpu.memory_space<hbm>>
        %dma_start3A_44 = tpu.memref_slice %arg4[%add3A_18] : memref<327680xi32, #tpu.memory_space<hbm>> -> memref<2048xi32, #tpu.memory_space<hbm>>
        tpu.enqueue_dma source(%dma_start3A_44 : memref<2048xi32, #tpu.memory_space<hbm>>) target(%arg8 : memref<2048xi32, #tpu.memory_space<vmem>>) target_semaphore(%run_scoped3A : memref<!tpu.dma_semaphore, #tpu.memory_space<semaphore_mem>>)
        %dma_wait3A = tpu.memref_slice %arg4[%add3A_18] : memref<327680xi32, #tpu.memory_space<hbm>> -> memref<2048xi32, #tpu.memory_space<hbm>>
        %dma_wait3A_45 = tpu.memref_slice %arg4[%add3A_18] : memref<327680xi32, #tpu.memory_space<hbm>> -> memref<2048xi32, #tpu.memory_space<hbm>>
        tpu.wait_dma2 semaphore(%run_scoped3A : memref<!tpu.dma_semaphore, #tpu.memory_space<semaphore_mem>>) src(%dma_wait3A_45 : memref<2048xi32, #tpu.memory_space<hbm>>) dst(%arg8 : memref<2048xi32, #tpu.memory_space<vmem>>)
        tpu.yield
      }) : () -> ()
      %multiple_of3A = arith.constant 0 : i32
      %multiple_of3A_19 = tpu.assume_multiple %multiple_of3A, 128 : i32
      %add3A_20 = arith.constant 0 : i32
      %add3A_21 = arith.addi %multiple_of3A_19, %add3A_20 : i32
      %dma_start3A = arith.constant 0 : i32
      %dma_start3A_22 = arith.constant 0 : i32
      %dma_start3A_23 = tpu.memref_slice %arg11[%dma_start3A, %dma_start3A_22] : memref<128x128xf32, #tpu.memory_space<vmem>> -> memref<64x128xf32, #tpu.memory_space<vmem>>
      %dma_start3A_24 = tpu.memref_slice %arg7[%add3A_21] : memref<2048xi32, #tpu.memory_space<vmem>> -> memref<64xi32, #tpu.memory_space<vmem>>
      %dma_start3A_25 = arith.constant 0 : i32
      %dma_start3A_26 = arith.constant 0 : i32
      %dma_start3A_27 = tpu.memref_slice %arg2[%dma_start3A_25, %dma_start3A_26] : memref<10112x128xf32, #tpu.memory_space<hbm>> -> memref<10112x128xf32, #tpu.memory_space<hbm>>
      tpu.enqueue_indirect_dma source(%dma_start3A_27 : memref<10112x128xf32, #tpu.memory_space<hbm>>) target(%dma_start3A_23 : memref<64x128xf32, #tpu.memory_space<vmem>>) offsets(%dma_start3A_24 : memref<64xi32, #tpu.memory_space<vmem>>) semaphore(%arg14 : memref<!tpu.dma_semaphore, #tpu.memory_space<semaphore_mem>>)
      %add3A_28 = arith.constant 64 : i32
      %add3A_29 = arith.addi %multiple_of3A_19, %add3A_28 : i32
      %dma_start3A_30 = arith.constant 64 : i32
      %dma_start3A_31 = arith.constant 0 : i32
      %dma_start3A_32 = tpu.memref_slice %arg11[%dma_start3A_30, %dma_start3A_31] : memref<128x128xf32, #tpu.memory_space<vmem>> -> memref<64x128xf32, #tpu.memory_space<vmem>>
      %dma_start3A_33 = tpu.memref_slice %arg7[%add3A_29] : memref<2048xi32, #tpu.memory_space<vmem>> -> memref<64xi32, #tpu.memory_space<vmem>>
      %dma_start3A_34 = arith.constant 0 : i32
      %dma_start3A_35 = arith.constant 0 : i32
      %dma_start3A_36 = tpu.memref_slice %arg2[%dma_start3A_34, %dma_start3A_35] : memref<10112x128xf32, #tpu.memory_space<hbm>> -> memref<10112x128xf32, #tpu.memory_space<hbm>>
      tpu.enqueue_indirect_dma source(%dma_start3A_36 : memref<10112x128xf32, #tpu.memory_space<hbm>>) target(%dma_start3A_32 : memref<64x128xf32, #tpu.memory_space<vmem>>) offsets(%dma_start3A_33 : memref<64xi32, #tpu.memory_space<vmem>>) semaphore(%arg14 : memref<!tpu.dma_semaphore, #tpu.memory_space<semaphore_mem>>)
      %scan3A_37 = arith.constant 0 : i32
      %scan3A_38 = arith.constant 0 : i32
      %scan3A_39 = arith.constant 8 : i32
      %scan3A_40 = arith.addi %scan3A_38, %scan3A_39 : i32
      %scan3A_41 = arith.constant 1 : i32
      scf.for %scan3A_43 = %scan3A_38 to %scan3A_40 step %scan3A_41  : i32 {
        %mul3A_44 = arith.constant 2 : i32
        %mul3A_45 = arith.muli %mul3A_44, %scan3A_43 : i32
        %add3A_46 = arith.constant 1 : i32
        %add3A_47 = arith.addi %mul3A_45, %add3A_46 : i32
        %dma_wait3A = arith.constant 0 : i32
        %dma_wait3A_48 = tpu.memref_slice %arg7[%dma_wait3A] : memref<2048xi32, #tpu.memory_space<vmem>> -> memref<128xi32, #tpu.memory_space<vmem>>
        %dma_wait3A_49 = arith.constant 0 : i32
        %dma_wait3A_50 = arith.constant 0 : i32
        %dma_wait3A_51 = tpu.memref_slice %arg2[%dma_wait3A_49, %dma_wait3A_50] : memref<10112x128xf32, #tpu.memory_space<hbm>> -> memref<10112x128xf32, #tpu.memory_space<hbm>>
        tpu.wait_indirect_dma semaphore(%arg14 : memref<!tpu.dma_semaphore, #tpu.memory_space<semaphore_mem>>) src(%dma_wait3A_51 : memref<10112x128xf32, #tpu.memory_space<hbm>>) dst(%arg11 : memref<128x128xf32, #tpu.memory_space<vmem>>)
        %mul3A_52 = arith.constant 128 : i32
        %mul3A_53 = arith.muli %add3A_47, %mul3A_52 : i32
        %multiple_of3A_54 = tpu.assume_multiple %mul3A_53, 128 : i32
        %add3A_55 = arith.constant 0 : i32
        %add3A_56 = arith.addi %multiple_of3A_54, %add3A_55 : i32
        %dma_start3A_57 = arith.constant 0 : i32
        %dma_start3A_58 = arith.constant 0 : i32
        %dma_start3A_59 = tpu.memref_slice %arg12[%dma_start3A_57, %dma_start3A_58] : memref<128x128xf32, #tpu.memory_space<vmem>> -> memref<64x128xf32, #tpu.memory_space<vmem>>
        %dma_start3A_60 = tpu.memref_slice %arg7[%add3A_56] : memref<2048xi32, #tpu.memory_space<vmem>> -> memref<64xi32, #tpu.memory_space<vmem>>
        %dma_start3A_61 = arith.constant 0 : i32
        %dma_start3A_62 = arith.constant 0 : i32
        %dma_start3A_63 = tpu.memref_slice %arg2[%dma_start3A_61, %dma_start3A_62] : memref<10112x128xf32, #tpu.memory_space<hbm>> -> memref<10112x128xf32, #tpu.memory_space<hbm>>
        tpu.enqueue_indirect_dma source(%dma_start3A_63 : memref<10112x128xf32, #tpu.memory_space<hbm>>) target(%dma_start3A_59 : memref<64x128xf32, #tpu.memory_space<vmem>>) offsets(%dma_start3A_60 : memref<64xi32, #tpu.memory_space<vmem>>) semaphore(%arg15 : memref<!tpu.dma_semaphore, #tpu.memory_space<semaphore_mem>>)
        %add3A_64 = arith.constant 64 : i32
        %add3A_65 = arith.addi %multiple_of3A_54, %add3A_64 : i32
        %dma_start3A_66 = arith.constant 64 : i32
        %dma_start3A_67 = arith.constant 0 : i32
        %dma_start3A_68 = tpu.memref_slice %arg12[%dma_start3A_66, %dma_start3A_67] : memref<128x128xf32, #tpu.memory_space<vmem>> -> memref<64x128xf32, #tpu.memory_space<vmem>>
        %dma_start3A_69 = tpu.memref_slice %arg7[%add3A_65] : memref<2048xi32, #tpu.memory_space<vmem>> -> memref<64xi32, #tpu.memory_space<vmem>>
        %dma_start3A_70 = arith.constant 0 : i32
        %dma_start3A_71 = arith.constant 0 : i32
        %dma_start3A_72 = tpu.memref_slice %arg2[%dma_start3A_70, %dma_start3A_71] : memref<10112x128xf32, #tpu.memory_space<hbm>> -> memref<10112x128xf32, #tpu.memory_space<hbm>>
        tpu.enqueue_indirect_dma source(%dma_start3A_72 : memref<10112x128xf32, #tpu.memory_space<hbm>>) target(%dma_start3A_68 : memref<64x128xf32, #tpu.memory_space<vmem>>) offsets(%dma_start3A_69 : memref<64xi32, #tpu.memory_space<vmem>>) semaphore(%arg15 : memref<!tpu.dma_semaphore, #tpu.memory_space<semaphore_mem>>)
        %mul3A_73 = arith.constant 128 : i32
        %mul3A_74 = arith.muli %mul3A_45, %mul3A_73 : i32
        %multiple_of3A_75 = tpu.assume_multiple %mul3A_74, 128 : i32
        %add3A_76 = arith.constant 0 : i32
        %add3A_77 = arith.addi %multiple_of3A_75, %add3A_76 : i32
        %get3A = arith.index_cast %add3A_77 : i32 to index
        %get3A_78 = tpu.vector_load %arg8[%get3A] {strides = array<i32>} : memref<2048xi32, #tpu.memory_space<vmem>>, vector<16xi32>,
        %get3A_79 = vector.shape_cast %get3A_78 : vector<16xi32> to vector<16xi32>
        %swap3A = arith.constant 0 : index
        %swap3A_80 = tpu.vector_load %arg9[%swap3A] {strides = array<i32>} : memref<128xi32, #tpu.memory_space<vmem>>, vector<16xi32>,
        %swap3A_81 = vector.shape_cast %swap3A_80 : vector<16xi32> to vector<16xi32>
        %swap3A_82 = vector.shape_cast %get3A_79 : vector<16xi32> to vector<16xi32>
        tpu.vector_store %arg9[%swap3A], %swap3A_82 {strides = array<i32>} : memref<128xi32, #tpu.memory_space<vmem>>, vector<16xi32>,
        %add3A_83 = arith.constant 16 : i32
        %add3A_84 = arith.addi %multiple_of3A_75, %add3A_83 : i32
        %get3A_85 = arith.index_cast %add3A_84 : i32 to index
        %get3A_86 = tpu.vector_load %arg8[%get3A_85] {strides = array<i32>} : memref<2048xi32, #tpu.memory_space<vmem>>, vector<16xi32>,
        %get3A_87 = vector.shape_cast %get3A_86 : vector<16xi32> to vector<16xi32>
        %swap3A_88 = arith.constant 16 : index
        %swap3A_89 = tpu.vector_load %arg9[%swap3A_88] {strides = array<i32>} : memref<128xi32, #tpu.memory_space<vmem>>, vector<16xi32>,
        %swap3A_90 = vector.shape_cast %swap3A_89 : vector<16xi32> to vector<16xi32>
        %swap3A_91 = vector.shape_cast %get3A_87 : vector<16xi32> to vector<16xi32>
        tpu.vector_store %arg9[%swap3A_88], %swap3A_91 {strides = array<i32>} : memref<128xi32, #tpu.memory_space<vmem>>, vector<16xi32>,
        %add3A_92 = arith.constant 32 : i32
        %add3A_93 = arith.addi %multiple_of3A_75, %add3A_92 : i32
        %get3A_94 = arith.index_cast %add3A_93 : i32 to index
        %get3A_95 = tpu.vector_load %arg8[%get3A_94] {strides = array<i32>} : memref<2048xi32, #tpu.memory_space<vmem>>, vector<16xi32>,
        %get3A_96 = vector.shape_cast %get3A_95 : vector<16xi32> to vector<16xi32>
        %swap3A_97 = arith.constant 32 : index
        %swap3A_98 = tpu.vector_load %arg9[%swap3A_97] {strides = array<i32>} : memref<128xi32, #tpu.memory_space<vmem>>, vector<16xi32>,
        %swap3A_99 = vector.shape_cast %swap3A_98 : vector<16xi32> to vector<16xi32>
        %swap3A_100 = vector.shape_cast %get3A_96 : vector<16xi32> to vector<16xi32>
        tpu.vector_store %arg9[%swap3A_97], %swap3A_100 {strides = array<i32>} : memref<128xi32, #tpu.memory_space<vmem>>, vector<16xi32>,
        %add3A_101 = arith.constant 48 : i32
        %add3A_102 = arith.addi %multiple_of3A_75, %add3A_101 : i32
        %get3A_103 = arith.index_cast %add3A_102 : i32 to index
        %get3A_104 = tpu.vector_load %arg8[%get3A_103] {strides = array<i32>} : memref<2048xi32, #tpu.memory_space<vmem>>, vector<16xi32>,
        %get3A_105 = vector.shape_cast %get3A_104 : vector<16xi32> to vector<16xi32>
        %swap3A_106 = arith.constant 48 : index
        %swap3A_107 = tpu.vector_load %arg9[%swap3A_106] {strides = array<i32>} : memref<128xi32, #tpu.memory_space<vmem>>, vector<16xi32>,
        %swap3A_108 = vector.shape_cast %swap3A_107 : vector<16xi32> to vector<16xi32>
        %swap3A_109 = vector.shape_cast %get3A_105 : vector<16xi32> to vector<16xi32>
        tpu.vector_store %arg9[%swap3A_106], %swap3A_109 {strides = array<i32>} : memref<128xi32, #tpu.memory_space<vmem>>, vector<16xi32>,
        %add3A_110 = arith.constant 64 : i32
        %add3A_111 = arith.addi %multiple_of3A_75, %add3A_110 : i32
        %get3A_112 = arith.index_cast %add3A_111 : i32 to index
        %get3A_113 = tpu.vector_load %arg8[%get3A_112] {strides = array<i32>} : memref<2048xi32, #tpu.memory_space<vmem>>, vector<16xi32>,
        %get3A_114 = vector.shape_cast %get3A_113 : vector<16xi32> to vector<16xi32>
        %swap3A_115 = arith.constant 64 : index
        %swap3A_116 = tpu.vector_load %arg9[%swap3A_115] {strides = array<i32>} : memref<128xi32, #tpu.memory_space<vmem>>, vector<16xi32>,
        %swap3A_117 = vector.shape_cast %swap3A_116 : vector<16xi32> to vector<16xi32>
        %swap3A_118 = vector.shape_cast %get3A_114 : vector<16xi32> to vector<16xi32>
        tpu.vector_store %arg9[%swap3A_115], %swap3A_118 {strides = array<i32>} : memref<128xi32, #tpu.memory_space<vmem>>, vector<16xi32>,
        %add3A_119 = arith.constant 80 : i32
        %add3A_120 = arith.addi %multiple_of3A_75, %add3A_119 : i32
        %get3A_121 = arith.index_cast %add3A_120 : i32 to index
        %get3A_122 = tpu.vector_load %arg8[%get3A_121] {strides = array<i32>} : memref<2048xi32, #tpu.memory_space<vmem>>, vector<16xi32>,
        %get3A_123 = vector.shape_cast %get3A_122 : vector<16xi32> to vector<16xi32>
        %swap3A_124 = arith.constant 80 : index
        %swap3A_125 = tpu.vector_load %arg9[%swap3A_124] {strides = array<i32>} : memref<128xi32, #tpu.memory_space<vmem>>, vector<16xi32>,
        %swap3A_126 = vector.shape_cast %swap3A_125 : vector<16xi32> to vector<16xi32>
        %swap3A_127 = vector.shape_cast %get3A_123 : vector<16xi32> to vector<16xi32>
        tpu.vector_store %arg9[%swap3A_124], %swap3A_127 {strides = array<i32>} : memref<128xi32, #tpu.memory_space<vmem>>, vector<16xi32>,
        %add3A_128 = arith.constant 96 : i32
        %add3A_129 = arith.addi %multiple_of3A_75, %add3A_128 : i32
        %get3A_130 = arith.index_cast %add3A_129 : i32 to index
        %get3A_131 = tpu.vector_load %arg8[%get3A_130] {strides = array<i32>} : memref<2048xi32, #tpu.memory_space<vmem>>, vector<16xi32>,
        %get3A_132 = vector.shape_cast %get3A_131 : vector<16xi32> to vector<16xi32>
        %swap3A_133 = arith.constant 96 : index
        %swap3A_134 = tpu.vector_load %arg9[%swap3A_133] {strides = array<i32>} : memref<128xi32, #tpu.memory_space<vmem>>, vector<16xi32>,
        %swap3A_135 = vector.shape_cast %swap3A_134 : vector<16xi32> to vector<16xi32>
        %swap3A_136 = vector.shape_cast %get3A_132 : vector<16xi32> to vector<16xi32>
        tpu.vector_store %arg9[%swap3A_133], %swap3A_136 {strides = array<i32>} : memref<128xi32, #tpu.memory_space<vmem>>, vector<16xi32>,
        %add3A_137 = arith.constant 112 : i32
        %add3A_138 = arith.addi %multiple_of3A_75, %add3A_137 : i32
        %get3A_139 = arith.index_cast %add3A_138 : i32 to index
        %get3A_140 = tpu.vector_load %arg8[%get3A_139] {strides = array<i32>} : memref<2048xi32, #tpu.memory_space<vmem>>, vector<16xi32>,
        %get3A_141 = vector.shape_cast %get3A_140 : vector<16xi32> to vector<16xi32>
        %swap3A_142 = arith.constant 112 : index
        %swap3A_143 = tpu.vector_load %arg9[%swap3A_142] {strides = array<i32>} : memref<128xi32, #tpu.memory_space<vmem>>, vector<16xi32>,
        %swap3A_144 = vector.shape_cast %swap3A_143 : vector<16xi32> to vector<16xi32>
        %swap3A_145 = vector.shape_cast %get3A_141 : vector<16xi32> to vector<16xi32>
        tpu.vector_store %arg9[%swap3A_142], %swap3A_145 {strides = array<i32>} : memref<128xi32, #tpu.memory_space<vmem>>, vector<16xi32>,
        "tpu.region"() ({
          %run_scoped3A = tpu.sem_alloc : memref<!tpu.dma_semaphore, #tpu.memory_space<semaphore_mem>>
          %dma_start3A_228 = arith.constant 0 : i32
          %dma_start3A_229 = arith.constant 0 : i32
          %dma_start3A_230 = tpu.memref_slice %arg13[%dma_start3A_228, %dma_start3A_229] : memref<10112x128xf32, #tpu.memory_space<vmem_shared>> -> memref<10112x128xf32, #tpu.memory_space<vmem_shared>>
          tpu.enqueue_indirect_dma source(%arg11 : memref<128x128xf32, #tpu.memory_space<vmem>>) target(%dma_start3A_230 : memref<10112x128xf32, #tpu.memory_space<vmem_shared>>) offsets(%arg9 : memref<128xi32, #tpu.memory_space<vmem>>) semaphore(%run_scoped3A : memref<!tpu.dma_semaphore, #tpu.memory_space<semaphore_mem>>) {add = true}
          %dma_wait3A_231 = arith.constant 0 : i32
          %dma_wait3A_232 = arith.constant 0 : i32
          %dma_wait3A_233 = tpu.memref_slice %arg13[%dma_wait3A_231, %dma_wait3A_232] : memref<10112x128xf32, #tpu.memory_space<vmem_shared>> -> memref<10112x128xf32, #tpu.memory_space<vmem_shared>>
          tpu.wait_indirect_dma semaphore(%run_scoped3A : memref<!tpu.dma_semaphore, #tpu.memory_space<semaphore_mem>>) src(%arg11 : memref<128x128xf32, #tpu.memory_space<vmem>>) dst(%dma_wait3A_233 : memref<10112x128xf32, #tpu.memory_space<vmem_shared>>)
          tpu.yield
        }) : () -> ()
        %dma_wait3A_146 = arith.constant 0 : i32
        %dma_wait3A_147 = tpu.memref_slice %arg7[%dma_wait3A_146] : memref<2048xi32, #tpu.memory_space<vmem>> -> memref<128xi32, #tpu.memory_space<vmem>>
        %dma_wait3A_148 = arith.constant 0 : i32
        %dma_wait3A_149 = arith.constant 0 : i32
        %dma_wait3A_150 = tpu.memref_slice %arg2[%dma_wait3A_148, %dma_wait3A_149] : memref<10112x128xf32, #tpu.memory_space<hbm>> -> memref<10112x128xf32, #tpu.memory_space<hbm>>
        tpu.wait_indirect_dma semaphore(%arg15 : memref<!tpu.dma_semaphore, #tpu.memory_space<semaphore_mem>>) src(%dma_wait3A_150 : memref<10112x128xf32, #tpu.memory_space<hbm>>) dst(%arg12 : memref<128x128xf32, #tpu.memory_space<vmem>>)
        %lt3A = arith.constant 7 : i32
        %lt3A_151 = arith.cmpi slt, %scan3A_43, %lt3A : i32
        %convert_element_type3A = arith.extui %lt3A_151 : i1 to i32
        %cond3A = arith.constant 0 : i32
        %cond3A_152 = arith.cmpi ne, %convert_element_type3A, %cond3A : i32
        scf.if %cond3A_152 {
          %add3A_228 = arith.constant 2 : i32
          %add3A_229 = arith.addi %mul3A_45, %add3A_228 : i32
          %mul3A_230 = arith.constant 128 : i32
          %mul3A_231 = arith.muli %add3A_229, %mul3A_230 : i32
          %multiple_of3A_232 = tpu.assume_multiple %mul3A_231, 128 : i32
          %add3A_233 = arith.constant 0 : i32
          %add3A_234 = arith.addi %multiple_of3A_232, %add3A_233 : i32
          %dma_start3A_235 = arith.constant 0 : i32
          %dma_start3A_236 = arith.constant 0 : i32
          %dma_start3A_237 = tpu.memref_slice %arg11[%dma_start3A_235, %dma_start3A_236] : memref<128x128xf32, #tpu.memory_space<vmem>> -> memref<64x128xf32, #tpu.memory_space<vmem>>
          %dma_start3A_238 = tpu.memref_slice %arg7[%add3A_234] : memref<2048xi32, #tpu.memory_space<vmem>> -> memref<64xi32, #tpu.memory_space<vmem>>
          %dma_start3A_239 = arith.constant 0 : i32
          %dma_start3A_240 = arith.constant 0 : i32
          %dma_start3A_241 = tpu.memref_slice %arg2[%dma_start3A_239, %dma_start3A_240] : memref<10112x128xf32, #tpu.memory_space<hbm>> -> memref<10112x128xf32, #tpu.memory_space<hbm>>
          tpu.enqueue_indirect_dma source(%dma_start3A_241 : memref<10112x128xf32, #tpu.memory_space<hbm>>) target(%dma_start3A_237 : memref<64x128xf32, #tpu.memory_space<vmem>>) offsets(%dma_start3A_238 : memref<64xi32, #tpu.memory_space<vmem>>) semaphore(%arg14 : memref<!tpu.dma_semaphore, #tpu.memory_space<semaphore_mem>>)
          %add3A_242 = arith.constant 64 : i32
          %add3A_243 = arith.addi %multiple_of3A_232, %add3A_242 : i32
          %dma_start3A_244 = arith.constant 64 : i32
          %dma_start3A_245 = arith.constant 0 : i32
          %dma_start3A_246 = tpu.memref_slice %arg11[%dma_start3A_244, %dma_start3A_245] : memref<128x128xf32, #tpu.memory_space<vmem>> -> memref<64x128xf32, #tpu.memory_space<vmem>>
          %dma_start3A_247 = tpu.memref_slice %arg7[%add3A_243] : memref<2048xi32, #tpu.memory_space<vmem>> -> memref<64xi32, #tpu.memory_space<vmem>>
          %dma_start3A_248 = arith.constant 0 : i32
          %dma_start3A_249 = arith.constant 0 : i32
          %dma_start3A_250 = tpu.memref_slice %arg2[%dma_start3A_248, %dma_start3A_249] : memref<10112x128xf32, #tpu.memory_space<hbm>> -> memref<10112x128xf32, #tpu.memory_space<hbm>>
          tpu.enqueue_indirect_dma source(%dma_start3A_250 : memref<10112x128xf32, #tpu.memory_space<hbm>>) target(%dma_start3A_246 : memref<64x128xf32, #tpu.memory_space<vmem>>) offsets(%dma_start3A_247 : memref<64xi32, #tpu.memory_space<vmem>>) semaphore(%arg14 : memref<!tpu.dma_semaphore, #tpu.memory_space<semaphore_mem>>)
        } else {
        }
        %mul3A_153 = arith.constant 128 : i32
        %mul3A_154 = arith.muli %add3A_47, %mul3A_153 : i32
        %multiple_of3A_155 = tpu.assume_multiple %mul3A_154, 128 : i32
        %add3A_156 = arith.constant 0 : i32
        %add3A_157 = arith.addi %multiple_of3A_155, %add3A_156 : i32
        %get3A_158 = arith.index_cast %add3A_157 : i32 to index
        %get3A_159 = tpu.vector_load %arg8[%get3A_158] {strides = array<i32>} : memref<2048xi32, #tpu.memory_space<vmem>>, vector<16xi32>,
        %get3A_160 = vector.shape_cast %get3A_159 : vector<16xi32> to vector<16xi32>
        %swap3A_161 = arith.constant 0 : index
        %swap3A_162 = tpu.vector_load %arg10[%swap3A_161] {strides = array<i32>} : memref<128xi32, #tpu.memory_space<vmem>>, vector<16xi32>,
        %swap3A_163 = vector.shape_cast %swap3A_162 : vector<16xi32> to vector<16xi32>
        %swap3A_164 = vector.shape_cast %get3A_160 : vector<16xi32> to vector<16xi32>
        tpu.vector_store %arg10[%swap3A_161], %swap3A_164 {strides = array<i32>} : memref<128xi32, #tpu.memory_space<vmem>>, vector<16xi32>,
        %add3A_165 = arith.constant 16 : i32
        %add3A_166 = arith.addi %multiple_of3A_155, %add3A_165 : i32
        %get3A_167 = arith.index_cast %add3A_166 : i32 to index
        %get3A_168 = tpu.vector_load %arg8[%get3A_167] {strides = array<i32>} : memref<2048xi32, #tpu.memory_space<vmem>>, vector<16xi32>,
        %get3A_169 = vector.shape_cast %get3A_168 : vector<16xi32> to vector<16xi32>
        %swap3A_170 = arith.constant 16 : index
        %swap3A_171 = tpu.vector_load %arg10[%swap3A_170] {strides = array<i32>} : memref<128xi32, #tpu.memory_space<vmem>>, vector<16xi32>,
        %swap3A_172 = vector.shape_cast %swap3A_171 : vector<16xi32> to vector<16xi32>
        %swap3A_173 = vector.shape_cast %get3A_169 : vector<16xi32> to vector<16xi32>
        tpu.vector_store %arg10[%swap3A_170], %swap3A_173 {strides = array<i32>} : memref<128xi32, #tpu.memory_space<vmem>>, vector<16xi32>,
        %add3A_174 = arith.constant 32 : i32
        %add3A_175 = arith.addi %multiple_of3A_155, %add3A_174 : i32
        %get3A_176 = arith.index_cast %add3A_175 : i32 to index
        %get3A_177 = tpu.vector_load %arg8[%get3A_176] {strides = array<i32>} : memref<2048xi32, #tpu.memory_space<vmem>>, vector<16xi32>,
        %get3A_178 = vector.shape_cast %get3A_177 : vector<16xi32> to vector<16xi32>
        %swap3A_179 = arith.constant 32 : index
        %swap3A_180 = tpu.vector_load %arg10[%swap3A_179] {strides = array<i32>} : memref<128xi32, #tpu.memory_space<vmem>>, vector<16xi32>,
        %swap3A_181 = vector.shape_cast %swap3A_180 : vector<16xi32> to vector<16xi32>
        %swap3A_182 = vector.shape_cast %get3A_178 : vector<16xi32> to vector<16xi32>
        tpu.vector_store %arg10[%swap3A_179], %swap3A_182 {strides = array<i32>} : memref<128xi32, #tpu.memory_space<vmem>>, vector<16xi32>,
        %add3A_183 = arith.constant 48 : i32
        %add3A_184 = arith.addi %multiple_of3A_155, %add3A_183 : i32
        %get3A_185 = arith.index_cast %add3A_184 : i32 to index
        %get3A_186 = tpu.vector_load %arg8[%get3A_185] {strides = array<i32>} : memref<2048xi32, #tpu.memory_space<vmem>>, vector<16xi32>,
        %get3A_187 = vector.shape_cast %get3A_186 : vector<16xi32> to vector<16xi32>
        %swap3A_188 = arith.constant 48 : index
        %swap3A_189 = tpu.vector_load %arg10[%swap3A_188] {strides = array<i32>} : memref<128xi32, #tpu.memory_space<vmem>>, vector<16xi32>,
        %swap3A_190 = vector.shape_cast %swap3A_189 : vector<16xi32> to vector<16xi32>
        %swap3A_191 = vector.shape_cast %get3A_187 : vector<16xi32> to vector<16xi32>
        tpu.vector_store %arg10[%swap3A_188], %swap3A_191 {strides = array<i32>} : memref<128xi32, #tpu.memory_space<vmem>>, vector<16xi32>,
        %add3A_192 = arith.constant 64 : i32
        %add3A_193 = arith.addi %multiple_of3A_155, %add3A_192 : i32
        %get3A_194 = arith.index_cast %add3A_193 : i32 to index
        %get3A_195 = tpu.vector_load %arg8[%get3A_194] {strides = array<i32>} : memref<2048xi32, #tpu.memory_space<vmem>>, vector<16xi32>,
        %get3A_196 = vector.shape_cast %get3A_195 : vector<16xi32> to vector<16xi32>
        %swap3A_197 = arith.constant 64 : index
        %swap3A_198 = tpu.vector_load %arg10[%swap3A_197] {strides = array<i32>} : memref<128xi32, #tpu.memory_space<vmem>>, vector<16xi32>,
        %swap3A_199 = vector.shape_cast %swap3A_198 : vector<16xi32> to vector<16xi32>
        %swap3A_200 = vector.shape_cast %get3A_196 : vector<16xi32> to vector<16xi32>
        tpu.vector_store %arg10[%swap3A_197], %swap3A_200 {strides = array<i32>} : memref<128xi32, #tpu.memory_space<vmem>>, vector<16xi32>,
        %add3A_201 = arith.constant 80 : i32
        %add3A_202 = arith.addi %multiple_of3A_155, %add3A_201 : i32
        %get3A_203 = arith.index_cast %add3A_202 : i32 to index
        %get3A_204 = tpu.vector_load %arg8[%get3A_203] {strides = array<i32>} : memref<2048xi32, #tpu.memory_space<vmem>>, vector<16xi32>,
        %get3A_205 = vector.shape_cast %get3A_204 : vector<16xi32> to vector<16xi32>
        %swap3A_206 = arith.constant 80 : index
        %swap3A_207 = tpu.vector_load %arg10[%swap3A_206] {strides = array<i32>} : memref<128xi32, #tpu.memory_space<vmem>>, vector<16xi32>,
        %swap3A_208 = vector.shape_cast %swap3A_207 : vector<16xi32> to vector<16xi32>
        %swap3A_209 = vector.shape_cast %get3A_205 : vector<16xi32> to vector<16xi32>
        tpu.vector_store %arg10[%swap3A_206], %swap3A_209 {strides = array<i32>} : memref<128xi32, #tpu.memory_space<vmem>>, vector<16xi32>,
        %add3A_210 = arith.constant 96 : i32
        %add3A_211 = arith.addi %multiple_of3A_155, %add3A_210 : i32
        %get3A_212 = arith.index_cast %add3A_211 : i32 to index
        %get3A_213 = tpu.vector_load %arg8[%get3A_212] {strides = array<i32>} : memref<2048xi32, #tpu.memory_space<vmem>>, vector<16xi32>,
        %get3A_214 = vector.shape_cast %get3A_213 : vector<16xi32> to vector<16xi32>
        %swap3A_215 = arith.constant 96 : index
        %swap3A_216 = tpu.vector_load %arg10[%swap3A_215] {strides = array<i32>} : memref<128xi32, #tpu.memory_space<vmem>>, vector<16xi32>,
        %swap3A_217 = vector.shape_cast %swap3A_216 : vector<16xi32> to vector<16xi32>
        %swap3A_218 = vector.shape_cast %get3A_214 : vector<16xi32> to vector<16xi32>
        tpu.vector_store %arg10[%swap3A_215], %swap3A_218 {strides = array<i32>} : memref<128xi32, #tpu.memory_space<vmem>>, vector<16xi32>,
        %add3A_219 = arith.constant 112 : i32
        %add3A_220 = arith.addi %multiple_of3A_155, %add3A_219 : i32
        %get3A_221 = arith.index_cast %add3A_220 : i32 to index
        %get3A_222 = tpu.vector_load %arg8[%get3A_221] {strides = array<i32>} : memref<2048xi32, #tpu.memory_space<vmem>>, vector<16xi32>,
        %get3A_223 = vector.shape_cast %get3A_222 : vector<16xi32> to vector<16xi32>
        %swap3A_224 = arith.constant 112 : index
        %swap3A_225 = tpu.vector_load %arg10[%swap3A_224] {strides = array<i32>} : memref<128xi32, #tpu.memory_space<vmem>>, vector<16xi32>,
        %swap3A_226 = vector.shape_cast %swap3A_225 : vector<16xi32> to vector<16xi32>
        %swap3A_227 = vector.shape_cast %get3A_223 : vector<16xi32> to vector<16xi32>
        tpu.vector_store %arg10[%swap3A_224], %swap3A_227 {strides = array<i32>} : memref<128xi32, #tpu.memory_space<vmem>>, vector<16xi32>,
        "tpu.region"() ({
          %run_scoped3A = tpu.sem_alloc : memref<!tpu.dma_semaphore, #tpu.memory_space<semaphore_mem>>
          %dma_start3A_228 = arith.constant 0 : i32
          %dma_start3A_229 = arith.constant 0 : i32
          %dma_start3A_230 = tpu.memref_slice %arg13[%dma_start3A_228, %dma_start3A_229] : memref<10112x128xf32, #tpu.memory_space<vmem_shared>> -> memref<10112x128xf32, #tpu.memory_space<vmem_shared>>
          tpu.enqueue_indirect_dma source(%arg12 : memref<128x128xf32, #tpu.memory_space<vmem>>) target(%dma_start3A_230 : memref<10112x128xf32, #tpu.memory_space<vmem_shared>>) offsets(%arg10 : memref<128xi32, #tpu.memory_space<vmem>>) semaphore(%run_scoped3A : memref<!tpu.dma_semaphore, #tpu.memory_space<semaphore_mem>>) {add = true}
          %dma_wait3A_231 = arith.constant 0 : i32
          %dma_wait3A_232 = arith.constant 0 : i32
          %dma_wait3A_233 = tpu.memref_slice %arg13[%dma_wait3A_231, %dma_wait3A_232] : memref<10112x128xf32, #tpu.memory_space<vmem_shared>> -> memref<10112x128xf32, #tpu.memory_space<vmem_shared>>
          tpu.wait_indirect_dma semaphore(%run_scoped3A : memref<!tpu.dma_semaphore, #tpu.memory_space<semaphore_mem>>) src(%arg12 : memref<128x128xf32, #tpu.memory_space<vmem>>) dst(%dma_wait3A_233 : memref<10112x128xf32, #tpu.memory_space<vmem_shared>>)
          tpu.yield
        }) : () -> ()
      }
      %scan3A_42 = arith.constant 8 : i32
    }
    %scan3A_9 = arith.constant 5 : i32
    %barrier3A_10 = arith.constant 0 : index
    tpu.barrier barrier_id(%barrier3A_10)
    %mul3A_11 = arith.constant 632 : i32
    %mul3A_12 = arith.muli %arg1, %mul3A_11 : i32
    "tpu.region"() ({
      %run_scoped3A = tpu.sem_alloc : memref<!tpu.dma_semaphore, #tpu.memory_space<semaphore_mem>>
      %dma_start3A = arith.constant 0 : i32
      %dma_start3A_13 = arith.constant 0 : i32
      %dma_start3A_14 = tpu.memref_slice %arg6[%add3A, %dma_start3A, %dma_start3A_13] : memref<32x632x128xf32, #tpu.memory_space<hbm>> -> memref<1x632x128xf32, #tpu.memory_space<hbm>>
      %dma_start3A_15 = tpu.memref_squeeze %dma_start3A_14 : memref<1x632x128xf32, #tpu.memory_space<hbm>> -> memref<632x128xf32, #tpu.memory_space<hbm>>
      %dma_start3A_16 = arith.constant 0 : i32
      %dma_start3A_17 = tpu.memref_slice %arg13[%mul3A_12, %dma_start3A_16] : memref<10112x128xf32, #tpu.memory_space<vmem_shared>> -> memref<632x128xf32, #tpu.memory_space<vmem_shared>>
      tpu.enqueue_dma source(%dma_start3A_17 : memref<632x128xf32, #tpu.memory_space<vmem_shared>>) target(%dma_start3A_15 : memref<632x128xf32, #tpu.memory_space<hbm>>) target_semaphore(%run_scoped3A : memref<!tpu.dma_semaphore, #tpu.memory_space<semaphore_mem>>)
      %dma_wait3A = arith.constant 0 : i32
      %dma_wait3A_18 = arith.constant 0 : i32
      %dma_wait3A_19 = tpu.memref_slice %arg6[%add3A, %dma_wait3A, %dma_wait3A_18] : memref<32x632x128xf32, #tpu.memory_space<hbm>> -> memref<1x632x128xf32, #tpu.memory_space<hbm>>
      %dma_wait3A_20 = tpu.memref_squeeze %dma_wait3A_19 : memref<1x632x128xf32, #tpu.memory_space<hbm>> -> memref<632x128xf32, #tpu.memory_space<hbm>>
      %dma_wait3A_21 = arith.constant 0 : i32
      %dma_wait3A_22 = tpu.memref_slice %arg13[%mul3A_12, %dma_wait3A_21] : memref<10112x128xf32, #tpu.memory_space<vmem_shared>> -> memref<632x128xf32, #tpu.memory_space<vmem_shared>>
      tpu.wait_dma2 semaphore(%run_scoped3A : memref<!tpu.dma_semaphore, #tpu.memory_space<semaphore_mem>>) src(%dma_wait3A_22 : memref<632x128xf32, #tpu.memory_space<vmem_shared>>) dst(%dma_wait3A_20 : memref<632x128xf32, #tpu.memory_space<hbm>>)
      tpu.yield
    }) : () -> ()
    return
  }
}

#map = affine_map<(d0, d1) -> (0, 0)>
#map1 = affine_map<(d0, d1) -> (0)>
#map2 = affine_map<(d0, d1) -> (0, 0, 0)>
module attributes {stable_mosaic.version = 14 : i64} {
  func.func @_seg(%arg0: i32, %arg1: i32, %arg2: memref<10112x128xf32, #tpu.memory_space<hbm>>, %arg3: memref<327680xi32, #tpu.memory_space<hbm>>, %arg4: memref<327680xi32, #tpu.memory_space<hbm>>, %arg5: memref<10112x128xf32, #tpu.memory_space<hbm>>, %arg6: memref<32x632x128xf32, #tpu.memory_space<hbm>>, %arg7: memref<2048xi32, #tpu.memory_space<vmem>>, %arg8: memref<2048xi32, #tpu.memory_space<vmem>>, %arg9: memref<128xi32, #tpu.memory_space<vmem>>, %arg10: memref<128xi32, #tpu.memory_space<vmem>>, %arg11: memref<128x128xf32, #tpu.memory_space<vmem>>, %arg12: memref<128x128xf32, #tpu.memory_space<vmem>>, %arg13: memref<10112x128xf32, #tpu.memory_space<vmem_shared>>, %arg14: memref<!tpu.dma_semaphore, #tpu.memory_space<semaphore_mem>>, %arg15: memref<!tpu.dma_semaphore, #tpu.memory_space<semaphore_mem>>) attributes {dimension_semantics = [#tpu.dimension_semantics<core_parallel>, #tpu.dimension_semantics<subcore_parallel>], iteration_bounds = array<i64: 2, 16>, scalar_prefetch = 0 : i64, scratch_operands = 9 : i64, tpu.core_type = #tpu.core_type<sc_vector_subcore>, window_params = [{transform_indices = #map}, {transform_indices = #map1}, {transform_indices = #map1}, {transform_indices = #map}, {transform_indices = #map2}]} {
    %mul3A = arith.constant 16 : i32
    %mul3A_0 = arith.muli %arg0, %mul3A : i32
    %add3A = arith.addi %mul3A_0, %arg1 : i32
    %mul3A_1 = arith.constant 632 : i32
    %mul3A_2 = arith.muli %arg1, %mul3A_1 : i32
    %mul3A_3 = arith.constant 632 : i32
    %mul3A_4 = arith.muli %arg1, %mul3A_3 : i32
    "tpu.region"() ({
      %run_scoped3A = tpu.sem_alloc : memref<!tpu.dma_semaphore, #tpu.memory_space<semaphore_mem>>
      %dma_start3A = arith.constant 0 : i32
      %dma_start3A_13 = tpu.memref_slice %arg13[%mul3A_4, %dma_start3A] : memref<10112x128xf32, #tpu.memory_space<vmem_shared>> -> memref<632x128xf32, #tpu.memory_space<vmem_shared>>
      %dma_start3A_14 = arith.constant 0 : i32
      %dma_start3A_15 = tpu.memref_slice %arg5[%mul3A_2, %dma_start3A_14] : memref<10112x128xf32, #tpu.memory_space<hbm>> -> memref<632x128xf32, #tpu.memory_space<hbm>>
      tpu.enqueue_dma source(%dma_start3A_15 : memref<632x128xf32, #tpu.memory_space<hbm>>) target(%dma_start3A_13 : memref<632x128xf32, #tpu.memory_space<vmem_shared>>) target_semaphore(%run_scoped3A : memref<!tpu.dma_semaphore, #tpu.memory_space<semaphore_mem>>)
      %dma_wait3A = arith.constant 0 : i32
      %dma_wait3A_16 = tpu.memref_slice %arg13[%mul3A_4, %dma_wait3A] : memref<10112x128xf32, #tpu.memory_space<vmem_shared>> -> memref<632x128xf32, #tpu.memory_space<vmem_shared>>
      %dma_wait3A_17 = arith.constant 0 : i32
      %dma_wait3A_18 = tpu.memref_slice %arg5[%mul3A_2, %dma_wait3A_17] : memref<10112x128xf32, #tpu.memory_space<hbm>> -> memref<632x128xf32, #tpu.memory_space<hbm>>
      tpu.wait_dma2 semaphore(%run_scoped3A : memref<!tpu.dma_semaphore, #tpu.memory_space<semaphore_mem>>) src(%dma_wait3A_18 : memref<632x128xf32, #tpu.memory_space<hbm>>) dst(%dma_wait3A_16 : memref<632x128xf32, #tpu.memory_space<vmem_shared>>)
      tpu.yield
    }) : () -> ()
    %barrier3A = arith.constant 0 : index
    tpu.barrier barrier_id(%barrier3A)
    %scan3A = arith.constant 0 : i32
    %scan3A_5 = arith.constant 0 : i32
    %scan3A_6 = arith.constant 5 : i32
    %scan3A_7 = arith.addi %scan3A_5, %scan3A_6 : i32
    %scan3A_8 = arith.constant 1 : i32
    scf.for %scan3A_13 = %scan3A_5 to %scan3A_7 step %scan3A_8  : i32 {
      %mul3A_14 = arith.constant 10240 : i32
      %mul3A_15 = arith.muli %add3A, %mul3A_14 : i32
      %mul3A_16 = arith.constant 2048 : i32
      %mul3A_17 = arith.muli %scan3A_13, %mul3A_16 : i32
      %add3A_18 = arith.addi %mul3A_15, %mul3A_17 : i32
      "tpu.region"() ({
        %run_scoped3A = tpu.sem_alloc : memref<!tpu.dma_semaphore, #tpu.memory_space<semaphore_mem>>
        %dma_start3A_43 = tpu.memref_slice %arg3[%add3A_18] : memref<327680xi32, #tpu.memory_space<hbm>> -> memref<2048xi32, #tpu.memory_space<hbm>>
        %dma_start3A_44 = tpu.memref_slice %arg3[%add3A_18] : memref<327680xi32, #tpu.memory_space<hbm>> -> memref<2048xi32, #tpu.memory_space<hbm>>
        tpu.enqueue_dma source(%dma_start3A_44 : memref<2048xi32, #tpu.memory_space<hbm>>) target(%arg7 : memref<2048xi32, #tpu.memory_space<vmem>>) target_semaphore(%run_scoped3A : memref<!tpu.dma_semaphore, #tpu.memory_space<semaphore_mem>>)
        %dma_wait3A = tpu.memref_slice %arg3[%add3A_18] : memref<327680xi32, #tpu.memory_space<hbm>> -> memref<2048xi32, #tpu.memory_space<hbm>>
        %dma_wait3A_45 = tpu.memref_slice %arg3[%add3A_18] : memref<327680xi32, #tpu.memory_space<hbm>> -> memref<2048xi32, #tpu.memory_space<hbm>>
        tpu.wait_dma2 semaphore(%run_scoped3A : memref<!tpu.dma_semaphore, #tpu.memory_space<semaphore_mem>>) src(%dma_wait3A_45 : memref<2048xi32, #tpu.memory_space<hbm>>) dst(%arg7 : memref<2048xi32, #tpu.memory_space<vmem>>)
        tpu.yield
      }) : () -> ()
      "tpu.region"() ({
        %run_scoped3A = tpu.sem_alloc : memref<!tpu.dma_semaphore, #tpu.memory_space<semaphore_mem>>
        %dma_start3A_43 = tpu.memref_slice %arg4[%add3A_18] : memref<327680xi32, #tpu.memory_space<hbm>> -> memref<2048xi32, #tpu.memory_space<hbm>>
        %dma_start3A_44 = tpu.memref_slice %arg4[%add3A_18] : memref<327680xi32, #tpu.memory_space<hbm>> -> memref<2048xi32, #tpu.memory_space<hbm>>
        tpu.enqueue_dma source(%dma_start3A_44 : memref<2048xi32, #tpu.memory_space<hbm>>) target(%arg8 : memref<2048xi32, #tpu.memory_space<vmem>>) target_semaphore(%run_scoped3A : memref<!tpu.dma_semaphore, #tpu.memory_space<semaphore_mem>>)
        %dma_wait3A = tpu.memref_slice %arg4[%add3A_18] : memref<327680xi32, #tpu.memory_space<hbm>> -> memref<2048xi32, #tpu.memory_space<hbm>>
        %dma_wait3A_45 = tpu.memref_slice %arg4[%add3A_18] : memref<327680xi32, #tpu.memory_space<hbm>> -> memref<2048xi32, #tpu.memory_space<hbm>>
        tpu.wait_dma2 semaphore(%run_scoped3A : memref<!tpu.dma_semaphore, #tpu.memory_space<semaphore_mem>>) src(%dma_wait3A_45 : memref<2048xi32, #tpu.memory_space<hbm>>) dst(%arg8 : memref<2048xi32, #tpu.memory_space<vmem>>)
        tpu.yield
      }) : () -> ()
      %multiple_of3A = arith.constant 0 : i32
      %multiple_of3A_19 = tpu.assume_multiple %multiple_of3A, 128 : i32
      %add3A_20 = arith.constant 0 : i32
      %add3A_21 = arith.addi %multiple_of3A_19, %add3A_20 : i32
      %dma_start3A = arith.constant 0 : i32
      %dma_start3A_22 = arith.constant 0 : i32
      %dma_start3A_23 = tpu.memref_slice %arg11[%dma_start3A, %dma_start3A_22] : memref<128x128xf32, #tpu.memory_space<vmem>> -> memref<64x128xf32, #tpu.memory_space<vmem>>
      %dma_start3A_24 = tpu.memref_slice %arg7[%add3A_21] : memref<2048xi32, #tpu.memory_space<vmem>> -> memref<64xi32, #tpu.memory_space<vmem>>
      %dma_start3A_25 = arith.constant 0 : i32
      %dma_start3A_26 = arith.constant 0 : i32
      %dma_start3A_27 = tpu.memref_slice %arg2[%dma_start3A_25, %dma_start3A_26] : memref<10112x128xf32, #tpu.memory_space<hbm>> -> memref<10112x128xf32, #tpu.memory_space<hbm>>
      tpu.enqueue_indirect_dma source(%dma_start3A_27 : memref<10112x128xf32, #tpu.memory_space<hbm>>) target(%dma_start3A_23 : memref<64x128xf32, #tpu.memory_space<vmem>>) offsets(%dma_start3A_24 : memref<64xi32, #tpu.memory_space<vmem>>) semaphore(%arg14 : memref<!tpu.dma_semaphore, #tpu.memory_space<semaphore_mem>>)
      %add3A_28 = arith.constant 64 : i32
      %add3A_29 = arith.addi %multiple_of3A_19, %add3A_28 : i32
      %dma_start3A_30 = arith.constant 64 : i32
      %dma_start3A_31 = arith.constant 0 : i32
      %dma_start3A_32 = tpu.memref_slice %arg11[%dma_start3A_30, %dma_start3A_31] : memref<128x128xf32, #tpu.memory_space<vmem>> -> memref<64x128xf32, #tpu.memory_space<vmem>>
      %dma_start3A_33 = tpu.memref_slice %arg7[%add3A_29] : memref<2048xi32, #tpu.memory_space<vmem>> -> memref<64xi32, #tpu.memory_space<vmem>>
      %dma_start3A_34 = arith.constant 0 : i32
      %dma_start3A_35 = arith.constant 0 : i32
      %dma_start3A_36 = tpu.memref_slice %arg2[%dma_start3A_34, %dma_start3A_35] : memref<10112x128xf32, #tpu.memory_space<hbm>> -> memref<10112x128xf32, #tpu.memory_space<hbm>>
      tpu.enqueue_indirect_dma source(%dma_start3A_36 : memref<10112x128xf32, #tpu.memory_space<hbm>>) target(%dma_start3A_32 : memref<64x128xf32, #tpu.memory_space<vmem>>) offsets(%dma_start3A_33 : memref<64xi32, #tpu.memory_space<vmem>>) semaphore(%arg14 : memref<!tpu.dma_semaphore, #tpu.memory_space<semaphore_mem>>)
      %scan3A_37 = arith.constant 0 : i32
      %scan3A_38 = arith.constant 0 : i32
      %scan3A_39 = arith.constant 8 : i32
      %scan3A_40 = arith.addi %scan3A_38, %scan3A_39 : i32
      %scan3A_41 = arith.constant 1 : i32
      scf.for %scan3A_43 = %scan3A_38 to %scan3A_40 step %scan3A_41  : i32 {
        %mul3A_44 = arith.constant 2 : i32
        %mul3A_45 = arith.muli %mul3A_44, %scan3A_43 : i32
        %add3A_46 = arith.constant 1 : i32
        %add3A_47 = arith.addi %mul3A_45, %add3A_46 : i32
        %dma_wait3A = arith.constant 0 : i32
        %dma_wait3A_48 = tpu.memref_slice %arg7[%dma_wait3A] : memref<2048xi32, #tpu.memory_space<vmem>> -> memref<128xi32, #tpu.memory_space<vmem>>
        %dma_wait3A_49 = arith.constant 0 : i32
        %dma_wait3A_50 = arith.constant 0 : i32
        %dma_wait3A_51 = tpu.memref_slice %arg2[%dma_wait3A_49, %dma_wait3A_50] : memref<10112x128xf32, #tpu.memory_space<hbm>> -> memref<10112x128xf32, #tpu.memory_space<hbm>>
        tpu.wait_indirect_dma semaphore(%arg14 : memref<!tpu.dma_semaphore, #tpu.memory_space<semaphore_mem>>) src(%dma_wait3A_51 : memref<10112x128xf32, #tpu.memory_space<hbm>>) dst(%arg11 : memref<128x128xf32, #tpu.memory_space<vmem>>)
        %mul3A_52 = arith.constant 128 : i32
        %mul3A_53 = arith.muli %add3A_47, %mul3A_52 : i32
        %multiple_of3A_54 = tpu.assume_multiple %mul3A_53, 128 : i32
        %add3A_55 = arith.constant 0 : i32
        %add3A_56 = arith.addi %multiple_of3A_54, %add3A_55 : i32
        %dma_start3A_57 = arith.constant 0 : i32
        %dma_start3A_58 = arith.constant 0 : i32
        %dma_start3A_59 = tpu.memref_slice %arg12[%dma_start3A_57, %dma_start3A_58] : memref<128x128xf32, #tpu.memory_space<vmem>> -> memref<64x128xf32, #tpu.memory_space<vmem>>
        %dma_start3A_60 = tpu.memref_slice %arg7[%add3A_56] : memref<2048xi32, #tpu.memory_space<vmem>> -> memref<64xi32, #tpu.memory_space<vmem>>
        %dma_start3A_61 = arith.constant 0 : i32
        %dma_start3A_62 = arith.constant 0 : i32
        %dma_start3A_63 = tpu.memref_slice %arg2[%dma_start3A_61, %dma_start3A_62] : memref<10112x128xf32, #tpu.memory_space<hbm>> -> memref<10112x128xf32, #tpu.memory_space<hbm>>
        tpu.enqueue_indirect_dma source(%dma_start3A_63 : memref<10112x128xf32, #tpu.memory_space<hbm>>) target(%dma_start3A_59 : memref<64x128xf32, #tpu.memory_space<vmem>>) offsets(%dma_start3A_60 : memref<64xi32, #tpu.memory_space<vmem>>) semaphore(%arg15 : memref<!tpu.dma_semaphore, #tpu.memory_space<semaphore_mem>>)
        %add3A_64 = arith.constant 64 : i32
        %add3A_65 = arith.addi %multiple_of3A_54, %add3A_64 : i32
        %dma_start3A_66 = arith.constant 64 : i32
        %dma_start3A_67 = arith.constant 0 : i32
        %dma_start3A_68 = tpu.memref_slice %arg12[%dma_start3A_66, %dma_start3A_67] : memref<128x128xf32, #tpu.memory_space<vmem>> -> memref<64x128xf32, #tpu.memory_space<vmem>>
        %dma_start3A_69 = tpu.memref_slice %arg7[%add3A_65] : memref<2048xi32, #tpu.memory_space<vmem>> -> memref<64xi32, #tpu.memory_space<vmem>>
        %dma_start3A_70 = arith.constant 0 : i32
        %dma_start3A_71 = arith.constant 0 : i32
        %dma_start3A_72 = tpu.memref_slice %arg2[%dma_start3A_70, %dma_start3A_71] : memref<10112x128xf32, #tpu.memory_space<hbm>> -> memref<10112x128xf32, #tpu.memory_space<hbm>>
        tpu.enqueue_indirect_dma source(%dma_start3A_72 : memref<10112x128xf32, #tpu.memory_space<hbm>>) target(%dma_start3A_68 : memref<64x128xf32, #tpu.memory_space<vmem>>) offsets(%dma_start3A_69 : memref<64xi32, #tpu.memory_space<vmem>>) semaphore(%arg15 : memref<!tpu.dma_semaphore, #tpu.memory_space<semaphore_mem>>)
        %mul3A_73 = arith.constant 128 : i32
        %mul3A_74 = arith.muli %mul3A_45, %mul3A_73 : i32
        %multiple_of3A_75 = tpu.assume_multiple %mul3A_74, 128 : i32
        %add3A_76 = arith.constant 0 : i32
        %add3A_77 = arith.addi %multiple_of3A_75, %add3A_76 : i32
        %get3A = arith.index_cast %add3A_77 : i32 to index
        %get3A_78 = tpu.vector_load %arg8[%get3A] {strides = array<i32>} : memref<2048xi32, #tpu.memory_space<vmem>>, vector<16xi32>,
        %get3A_79 = vector.shape_cast %get3A_78 : vector<16xi32> to vector<16xi32>
        %swap3A = arith.constant 0 : index
        %swap3A_80 = tpu.vector_load %arg9[%swap3A] {strides = array<i32>} : memref<128xi32, #tpu.memory_space<vmem>>, vector<16xi32>,
        %swap3A_81 = vector.shape_cast %swap3A_80 : vector<16xi32> to vector<16xi32>
        %swap3A_82 = vector.shape_cast %get3A_79 : vector<16xi32> to vector<16xi32>
        tpu.vector_store %arg9[%swap3A], %swap3A_82 {strides = array<i32>} : memref<128xi32, #tpu.memory_space<vmem>>, vector<16xi32>,
        %add3A_83 = arith.constant 16 : i32
        %add3A_84 = arith.addi %multiple_of3A_75, %add3A_83 : i32
        %get3A_85 = arith.index_cast %add3A_84 : i32 to index
        %get3A_86 = tpu.vector_load %arg8[%get3A_85] {strides = array<i32>} : memref<2048xi32, #tpu.memory_space<vmem>>, vector<16xi32>,
        %get3A_87 = vector.shape_cast %get3A_86 : vector<16xi32> to vector<16xi32>
        %swap3A_88 = arith.constant 16 : index
        %swap3A_89 = tpu.vector_load %arg9[%swap3A_88] {strides = array<i32>} : memref<128xi32, #tpu.memory_space<vmem>>, vector<16xi32>,
        %swap3A_90 = vector.shape_cast %swap3A_89 : vector<16xi32> to vector<16xi32>
        %swap3A_91 = vector.shape_cast %get3A_87 : vector<16xi32> to vector<16xi32>
        tpu.vector_store %arg9[%swap3A_88], %swap3A_91 {strides = array<i32>} : memref<128xi32, #tpu.memory_space<vmem>>, vector<16xi32>,
        %add3A_92 = arith.constant 32 : i32
        %add3A_93 = arith.addi %multiple_of3A_75, %add3A_92 : i32
        %get3A_94 = arith.index_cast %add3A_93 : i32 to index
        %get3A_95 = tpu.vector_load %arg8[%get3A_94] {strides = array<i32>} : memref<2048xi32, #tpu.memory_space<vmem>>, vector<16xi32>,
        %get3A_96 = vector.shape_cast %get3A_95 : vector<16xi32> to vector<16xi32>
        %swap3A_97 = arith.constant 32 : index
        %swap3A_98 = tpu.vector_load %arg9[%swap3A_97] {strides = array<i32>} : memref<128xi32, #tpu.memory_space<vmem>>, vector<16xi32>,
        %swap3A_99 = vector.shape_cast %swap3A_98 : vector<16xi32> to vector<16xi32>
        %swap3A_100 = vector.shape_cast %get3A_96 : vector<16xi32> to vector<16xi32>
        tpu.vector_store %arg9[%swap3A_97], %swap3A_100 {strides = array<i32>} : memref<128xi32, #tpu.memory_space<vmem>>, vector<16xi32>,
        %add3A_101 = arith.constant 48 : i32
        %add3A_102 = arith.addi %multiple_of3A_75, %add3A_101 : i32
        %get3A_103 = arith.index_cast %add3A_102 : i32 to index
        %get3A_104 = tpu.vector_load %arg8[%get3A_103] {strides = array<i32>} : memref<2048xi32, #tpu.memory_space<vmem>>, vector<16xi32>,
        %get3A_105 = vector.shape_cast %get3A_104 : vector<16xi32> to vector<16xi32>
        %swap3A_106 = arith.constant 48 : index
        %swap3A_107 = tpu.vector_load %arg9[%swap3A_106] {strides = array<i32>} : memref<128xi32, #tpu.memory_space<vmem>>, vector<16xi32>,
        %swap3A_108 = vector.shape_cast %swap3A_107 : vector<16xi32> to vector<16xi32>
        %swap3A_109 = vector.shape_cast %get3A_105 : vector<16xi32> to vector<16xi32>
        tpu.vector_store %arg9[%swap3A_106], %swap3A_109 {strides = array<i32>} : memref<128xi32, #tpu.memory_space<vmem>>, vector<16xi32>,
        %add3A_110 = arith.constant 64 : i32
        %add3A_111 = arith.addi %multiple_of3A_75, %add3A_110 : i32
        %get3A_112 = arith.index_cast %add3A_111 : i32 to index
        %get3A_113 = tpu.vector_load %arg8[%get3A_112] {strides = array<i32>} : memref<2048xi32, #tpu.memory_space<vmem>>, vector<16xi32>,
        %get3A_114 = vector.shape_cast %get3A_113 : vector<16xi32> to vector<16xi32>
        %swap3A_115 = arith.constant 64 : index
        %swap3A_116 = tpu.vector_load %arg9[%swap3A_115] {strides = array<i32>} : memref<128xi32, #tpu.memory_space<vmem>>, vector<16xi32>,
        %swap3A_117 = vector.shape_cast %swap3A_116 : vector<16xi32> to vector<16xi32>
        %swap3A_118 = vector.shape_cast %get3A_114 : vector<16xi32> to vector<16xi32>
        tpu.vector_store %arg9[%swap3A_115], %swap3A_118 {strides = array<i32>} : memref<128xi32, #tpu.memory_space<vmem>>, vector<16xi32>,
        %add3A_119 = arith.constant 80 : i32
        %add3A_120 = arith.addi %multiple_of3A_75, %add3A_119 : i32
        %get3A_121 = arith.index_cast %add3A_120 : i32 to index
        %get3A_122 = tpu.vector_load %arg8[%get3A_121] {strides = array<i32>} : memref<2048xi32, #tpu.memory_space<vmem>>, vector<16xi32>,
        %get3A_123 = vector.shape_cast %get3A_122 : vector<16xi32> to vector<16xi32>
        %swap3A_124 = arith.constant 80 : index
        %swap3A_125 = tpu.vector_load %arg9[%swap3A_124] {strides = array<i32>} : memref<128xi32, #tpu.memory_space<vmem>>, vector<16xi32>,
        %swap3A_126 = vector.shape_cast %swap3A_125 : vector<16xi32> to vector<16xi32>
        %swap3A_127 = vector.shape_cast %get3A_123 : vector<16xi32> to vector<16xi32>
        tpu.vector_store %arg9[%swap3A_124], %swap3A_127 {strides = array<i32>} : memref<128xi32, #tpu.memory_space<vmem>>, vector<16xi32>,
        %add3A_128 = arith.constant 96 : i32
        %add3A_129 = arith.addi %multiple_of3A_75, %add3A_128 : i32
        %get3A_130 = arith.index_cast %add3A_129 : i32 to index
        %get3A_131 = tpu.vector_load %arg8[%get3A_130] {strides = array<i32>} : memref<2048xi32, #tpu.memory_space<vmem>>, vector<16xi32>,
        %get3A_132 = vector.shape_cast %get3A_131 : vector<16xi32> to vector<16xi32>
        %swap3A_133 = arith.constant 96 : index
        %swap3A_134 = tpu.vector_load %arg9[%swap3A_133] {strides = array<i32>} : memref<128xi32, #tpu.memory_space<vmem>>, vector<16xi32>,
        %swap3A_135 = vector.shape_cast %swap3A_134 : vector<16xi32> to vector<16xi32>
        %swap3A_136 = vector.shape_cast %get3A_132 : vector<16xi32> to vector<16xi32>
        tpu.vector_store %arg9[%swap3A_133], %swap3A_136 {strides = array<i32>} : memref<128xi32, #tpu.memory_space<vmem>>, vector<16xi32>,
        %add3A_137 = arith.constant 112 : i32
        %add3A_138 = arith.addi %multiple_of3A_75, %add3A_137 : i32
        %get3A_139 = arith.index_cast %add3A_138 : i32 to index
        %get3A_140 = tpu.vector_load %arg8[%get3A_139] {strides = array<i32>} : memref<2048xi32, #tpu.memory_space<vmem>>, vector<16xi32>,
        %get3A_141 = vector.shape_cast %get3A_140 : vector<16xi32> to vector<16xi32>
        %swap3A_142 = arith.constant 112 : index
        %swap3A_143 = tpu.vector_load %arg9[%swap3A_142] {strides = array<i32>} : memref<128xi32, #tpu.memory_space<vmem>>, vector<16xi32>,
        %swap3A_144 = vector.shape_cast %swap3A_143 : vector<16xi32> to vector<16xi32>
        %swap3A_145 = vector.shape_cast %get3A_141 : vector<16xi32> to vector<16xi32>
        tpu.vector_store %arg9[%swap3A_142], %swap3A_145 {strides = array<i32>} : memref<128xi32, #tpu.memory_space<vmem>>, vector<16xi32>,
        "tpu.region"() ({
          %run_scoped3A = tpu.sem_alloc : memref<!tpu.dma_semaphore, #tpu.memory_space<semaphore_mem>>
          %dma_start3A_228 = arith.constant 0 : i32
          %dma_start3A_229 = arith.constant 0 : i32
          %dma_start3A_230 = tpu.memref_slice %arg13[%dma_start3A_228, %dma_start3A_229] : memref<10112x128xf32, #tpu.memory_space<vmem_shared>> -> memref<10112x128xf32, #tpu.memory_space<vmem_shared>>
          tpu.enqueue_indirect_dma source(%arg11 : memref<128x128xf32, #tpu.memory_space<vmem>>) target(%dma_start3A_230 : memref<10112x128xf32, #tpu.memory_space<vmem_shared>>) offsets(%arg9 : memref<128xi32, #tpu.memory_space<vmem>>) semaphore(%run_scoped3A : memref<!tpu.dma_semaphore, #tpu.memory_space<semaphore_mem>>) {add = true}
          %dma_wait3A_231 = arith.constant 0 : i32
          %dma_wait3A_232 = arith.constant 0 : i32
          %dma_wait3A_233 = tpu.memref_slice %arg13[%dma_wait3A_231, %dma_wait3A_232] : memref<10112x128xf32, #tpu.memory_space<vmem_shared>> -> memref<10112x128xf32, #tpu.memory_space<vmem_shared>>
          tpu.wait_indirect_dma semaphore(%run_scoped3A : memref<!tpu.dma_semaphore, #tpu.memory_space<semaphore_mem>>) src(%arg11 : memref<128x128xf32, #tpu.memory_space<vmem>>) dst(%dma_wait3A_233 : memref<10112x128xf32, #tpu.memory_space<vmem_shared>>)
          tpu.yield
        }) : () -> ()
        %dma_wait3A_146 = arith.constant 0 : i32
        %dma_wait3A_147 = tpu.memref_slice %arg7[%dma_wait3A_146] : memref<2048xi32, #tpu.memory_space<vmem>> -> memref<128xi32, #tpu.memory_space<vmem>>
        %dma_wait3A_148 = arith.constant 0 : i32
        %dma_wait3A_149 = arith.constant 0 : i32
        %dma_wait3A_150 = tpu.memref_slice %arg2[%dma_wait3A_148, %dma_wait3A_149] : memref<10112x128xf32, #tpu.memory_space<hbm>> -> memref<10112x128xf32, #tpu.memory_space<hbm>>
        tpu.wait_indirect_dma semaphore(%arg15 : memref<!tpu.dma_semaphore, #tpu.memory_space<semaphore_mem>>) src(%dma_wait3A_150 : memref<10112x128xf32, #tpu.memory_space<hbm>>) dst(%arg12 : memref<128x128xf32, #tpu.memory_space<vmem>>)
        %lt3A = arith.constant 7 : i32
        %lt3A_151 = arith.cmpi slt, %scan3A_43, %lt3A : i32
        %convert_element_type3A = arith.extui %lt3A_151 : i1 to i32
        %cond3A = arith.constant 0 : i32
        %cond3A_152 = arith.cmpi ne, %convert_element_type3A, %cond3A : i32
        scf.if %cond3A_152 {
          %add3A_228 = arith.constant 2 : i32
          %add3A_229 = arith.addi %mul3A_45, %add3A_228 : i32
          %mul3A_230 = arith.constant 128 : i32
          %mul3A_231 = arith.muli %add3A_229, %mul3A_230 : i32
          %multiple_of3A_232 = tpu.assume_multiple %mul3A_231, 128 : i32
          %add3A_233 = arith.constant 0 : i32
          %add3A_234 = arith.addi %multiple_of3A_232, %add3A_233 : i32
          %dma_start3A_235 = arith.constant 0 : i32
          %dma_start3A_236 = arith.constant 0 : i32
          %dma_start3A_237 = tpu.memref_slice %arg11[%dma_start3A_235, %dma_start3A_236] : memref<128x128xf32, #tpu.memory_space<vmem>> -> memref<64x128xf32, #tpu.memory_space<vmem>>
          %dma_start3A_238 = tpu.memref_slice %arg7[%add3A_234] : memref<2048xi32, #tpu.memory_space<vmem>> -> memref<64xi32, #tpu.memory_space<vmem>>
          %dma_start3A_239 = arith.constant 0 : i32
          %dma_start3A_240 = arith.constant 0 : i32
          %dma_start3A_241 = tpu.memref_slice %arg2[%dma_start3A_239, %dma_start3A_240] : memref<10112x128xf32, #tpu.memory_space<hbm>> -> memref<10112x128xf32, #tpu.memory_space<hbm>>
          tpu.enqueue_indirect_dma source(%dma_start3A_241 : memref<10112x128xf32, #tpu.memory_space<hbm>>) target(%dma_start3A_237 : memref<64x128xf32, #tpu.memory_space<vmem>>) offsets(%dma_start3A_238 : memref<64xi32, #tpu.memory_space<vmem>>) semaphore(%arg14 : memref<!tpu.dma_semaphore, #tpu.memory_space<semaphore_mem>>)
          %add3A_242 = arith.constant 64 : i32
          %add3A_243 = arith.addi %multiple_of3A_232, %add3A_242 : i32
          %dma_start3A_244 = arith.constant 64 : i32
          %dma_start3A_245 = arith.constant 0 : i32
          %dma_start3A_246 = tpu.memref_slice %arg11[%dma_start3A_244, %dma_start3A_245] : memref<128x128xf32, #tpu.memory_space<vmem>> -> memref<64x128xf32, #tpu.memory_space<vmem>>
          %dma_start3A_247 = tpu.memref_slice %arg7[%add3A_243] : memref<2048xi32, #tpu.memory_space<vmem>> -> memref<64xi32, #tpu.memory_space<vmem>>
          %dma_start3A_248 = arith.constant 0 : i32
          %dma_start3A_249 = arith.constant 0 : i32
          %dma_start3A_250 = tpu.memref_slice %arg2[%dma_start3A_248, %dma_start3A_249] : memref<10112x128xf32, #tpu.memory_space<hbm>> -> memref<10112x128xf32, #tpu.memory_space<hbm>>
          tpu.enqueue_indirect_dma source(%dma_start3A_250 : memref<10112x128xf32, #tpu.memory_space<hbm>>) target(%dma_start3A_246 : memref<64x128xf32, #tpu.memory_space<vmem>>) offsets(%dma_start3A_247 : memref<64xi32, #tpu.memory_space<vmem>>) semaphore(%arg14 : memref<!tpu.dma_semaphore, #tpu.memory_space<semaphore_mem>>)
        } else {
        }
        %mul3A_153 = arith.constant 128 : i32
        %mul3A_154 = arith.muli %add3A_47, %mul3A_153 : i32
        %multiple_of3A_155 = tpu.assume_multiple %mul3A_154, 128 : i32
        %add3A_156 = arith.constant 0 : i32
        %add3A_157 = arith.addi %multiple_of3A_155, %add3A_156 : i32
        %get3A_158 = arith.index_cast %add3A_157 : i32 to index
        %get3A_159 = tpu.vector_load %arg8[%get3A_158] {strides = array<i32>} : memref<2048xi32, #tpu.memory_space<vmem>>, vector<16xi32>,
        %get3A_160 = vector.shape_cast %get3A_159 : vector<16xi32> to vector<16xi32>
        %swap3A_161 = arith.constant 0 : index
        %swap3A_162 = tpu.vector_load %arg10[%swap3A_161] {strides = array<i32>} : memref<128xi32, #tpu.memory_space<vmem>>, vector<16xi32>,
        %swap3A_163 = vector.shape_cast %swap3A_162 : vector<16xi32> to vector<16xi32>
        %swap3A_164 = vector.shape_cast %get3A_160 : vector<16xi32> to vector<16xi32>
        tpu.vector_store %arg10[%swap3A_161], %swap3A_164 {strides = array<i32>} : memref<128xi32, #tpu.memory_space<vmem>>, vector<16xi32>,
        %add3A_165 = arith.constant 16 : i32
        %add3A_166 = arith.addi %multiple_of3A_155, %add3A_165 : i32
        %get3A_167 = arith.index_cast %add3A_166 : i32 to index
        %get3A_168 = tpu.vector_load %arg8[%get3A_167] {strides = array<i32>} : memref<2048xi32, #tpu.memory_space<vmem>>, vector<16xi32>,
        %get3A_169 = vector.shape_cast %get3A_168 : vector<16xi32> to vector<16xi32>
        %swap3A_170 = arith.constant 16 : index
        %swap3A_171 = tpu.vector_load %arg10[%swap3A_170] {strides = array<i32>} : memref<128xi32, #tpu.memory_space<vmem>>, vector<16xi32>,
        %swap3A_172 = vector.shape_cast %swap3A_171 : vector<16xi32> to vector<16xi32>
        %swap3A_173 = vector.shape_cast %get3A_169 : vector<16xi32> to vector<16xi32>
        tpu.vector_store %arg10[%swap3A_170], %swap3A_173 {strides = array<i32>} : memref<128xi32, #tpu.memory_space<vmem>>, vector<16xi32>,
        %add3A_174 = arith.constant 32 : i32
        %add3A_175 = arith.addi %multiple_of3A_155, %add3A_174 : i32
        %get3A_176 = arith.index_cast %add3A_175 : i32 to index
        %get3A_177 = tpu.vector_load %arg8[%get3A_176] {strides = array<i32>} : memref<2048xi32, #tpu.memory_space<vmem>>, vector<16xi32>,
        %get3A_178 = vector.shape_cast %get3A_177 : vector<16xi32> to vector<16xi32>
        %swap3A_179 = arith.constant 32 : index
        %swap3A_180 = tpu.vector_load %arg10[%swap3A_179] {strides = array<i32>} : memref<128xi32, #tpu.memory_space<vmem>>, vector<16xi32>,
        %swap3A_181 = vector.shape_cast %swap3A_180 : vector<16xi32> to vector<16xi32>
        %swap3A_182 = vector.shape_cast %get3A_178 : vector<16xi32> to vector<16xi32>
        tpu.vector_store %arg10[%swap3A_179], %swap3A_182 {strides = array<i32>} : memref<128xi32, #tpu.memory_space<vmem>>, vector<16xi32>,
        %add3A_183 = arith.constant 48 : i32
        %add3A_184 = arith.addi %multiple_of3A_155, %add3A_183 : i32
        %get3A_185 = arith.index_cast %add3A_184 : i32 to index
        %get3A_186 = tpu.vector_load %arg8[%get3A_185] {strides = array<i32>} : memref<2048xi32, #tpu.memory_space<vmem>>, vector<16xi32>,
        %get3A_187 = vector.shape_cast %get3A_186 : vector<16xi32> to vector<16xi32>
        %swap3A_188 = arith.constant 48 : index
        %swap3A_189 = tpu.vector_load %arg10[%swap3A_188] {strides = array<i32>} : memref<128xi32, #tpu.memory_space<vmem>>, vector<16xi32>,
        %swap3A_190 = vector.shape_cast %swap3A_189 : vector<16xi32> to vector<16xi32>
        %swap3A_191 = vector.shape_cast %get3A_187 : vector<16xi32> to vector<16xi32>
        tpu.vector_store %arg10[%swap3A_188], %swap3A_191 {strides = array<i32>} : memref<128xi32, #tpu.memory_space<vmem>>, vector<16xi32>,
        %add3A_192 = arith.constant 64 : i32
        %add3A_193 = arith.addi %multiple_of3A_155, %add3A_192 : i32
        %get3A_194 = arith.index_cast %add3A_193 : i32 to index
        %get3A_195 = tpu.vector_load %arg8[%get3A_194] {strides = array<i32>} : memref<2048xi32, #tpu.memory_space<vmem>>, vector<16xi32>,
        %get3A_196 = vector.shape_cast %get3A_195 : vector<16xi32> to vector<16xi32>
        %swap3A_197 = arith.constant 64 : index
        %swap3A_198 = tpu.vector_load %arg10[%swap3A_197] {strides = array<i32>} : memref<128xi32, #tpu.memory_space<vmem>>, vector<16xi32>,
        %swap3A_199 = vector.shape_cast %swap3A_198 : vector<16xi32> to vector<16xi32>
        %swap3A_200 = vector.shape_cast %get3A_196 : vector<16xi32> to vector<16xi32>
        tpu.vector_store %arg10[%swap3A_197], %swap3A_200 {strides = array<i32>} : memref<128xi32, #tpu.memory_space<vmem>>, vector<16xi32>,
        %add3A_201 = arith.constant 80 : i32
        %add3A_202 = arith.addi %multiple_of3A_155, %add3A_201 : i32
        %get3A_203 = arith.index_cast %add3A_202 : i32 to index
        %get3A_204 = tpu.vector_load %arg8[%get3A_203] {strides = array<i32>} : memref<2048xi32, #tpu.memory_space<vmem>>, vector<16xi32>,
        %get3A_205 = vector.shape_cast %get3A_204 : vector<16xi32> to vector<16xi32>
        %swap3A_206 = arith.constant 80 : index
        %swap3A_207 = tpu.vector_load %arg10[%swap3A_206] {strides = array<i32>} : memref<128xi32, #tpu.memory_space<vmem>>, vector<16xi32>,
        %swap3A_208 = vector.shape_cast %swap3A_207 : vector<16xi32> to vector<16xi32>
        %swap3A_209 = vector.shape_cast %get3A_205 : vector<16xi32> to vector<16xi32>
        tpu.vector_store %arg10[%swap3A_206], %swap3A_209 {strides = array<i32>} : memref<128xi32, #tpu.memory_space<vmem>>, vector<16xi32>,
        %add3A_210 = arith.constant 96 : i32
        %add3A_211 = arith.addi %multiple_of3A_155, %add3A_210 : i32
        %get3A_212 = arith.index_cast %add3A_211 : i32 to index
        %get3A_213 = tpu.vector_load %arg8[%get3A_212] {strides = array<i32>} : memref<2048xi32, #tpu.memory_space<vmem>>, vector<16xi32>,
        %get3A_214 = vector.shape_cast %get3A_213 : vector<16xi32> to vector<16xi32>
        %swap3A_215 = arith.constant 96 : index
        %swap3A_216 = tpu.vector_load %arg10[%swap3A_215] {strides = array<i32>} : memref<128xi32, #tpu.memory_space<vmem>>, vector<16xi32>,
        %swap3A_217 = vector.shape_cast %swap3A_216 : vector<16xi32> to vector<16xi32>
        %swap3A_218 = vector.shape_cast %get3A_214 : vector<16xi32> to vector<16xi32>
        tpu.vector_store %arg10[%swap3A_215], %swap3A_218 {strides = array<i32>} : memref<128xi32, #tpu.memory_space<vmem>>, vector<16xi32>,
        %add3A_219 = arith.constant 112 : i32
        %add3A_220 = arith.addi %multiple_of3A_155, %add3A_219 : i32
        %get3A_221 = arith.index_cast %add3A_220 : i32 to index
        %get3A_222 = tpu.vector_load %arg8[%get3A_221] {strides = array<i32>} : memref<2048xi32, #tpu.memory_space<vmem>>, vector<16xi32>,
        %get3A_223 = vector.shape_cast %get3A_222 : vector<16xi32> to vector<16xi32>
        %swap3A_224 = arith.constant 112 : index
        %swap3A_225 = tpu.vector_load %arg10[%swap3A_224] {strides = array<i32>} : memref<128xi32, #tpu.memory_space<vmem>>, vector<16xi32>,
        %swap3A_226 = vector.shape_cast %swap3A_225 : vector<16xi32> to vector<16xi32>
        %swap3A_227 = vector.shape_cast %get3A_223 : vector<16xi32> to vector<16xi32>
        tpu.vector_store %arg10[%swap3A_224], %swap3A_227 {strides = array<i32>} : memref<128xi32, #tpu.memory_space<vmem>>, vector<16xi32>,
        "tpu.region"() ({
          %run_scoped3A = tpu.sem_alloc : memref<!tpu.dma_semaphore, #tpu.memory_space<semaphore_mem>>
          %dma_start3A_228 = arith.constant 0 : i32
          %dma_start3A_229 = arith.constant 0 : i32
          %dma_start3A_230 = tpu.memref_slice %arg13[%dma_start3A_228, %dma_start3A_229] : memref<10112x128xf32, #tpu.memory_space<vmem_shared>> -> memref<10112x128xf32, #tpu.memory_space<vmem_shared>>
          tpu.enqueue_indirect_dma source(%arg12 : memref<128x128xf32, #tpu.memory_space<vmem>>) target(%dma_start3A_230 : memref<10112x128xf32, #tpu.memory_space<vmem_shared>>) offsets(%arg10 : memref<128xi32, #tpu.memory_space<vmem>>) semaphore(%run_scoped3A : memref<!tpu.dma_semaphore, #tpu.memory_space<semaphore_mem>>) {add = true}
          %dma_wait3A_231 = arith.constant 0 : i32
          %dma_wait3A_232 = arith.constant 0 : i32
          %dma_wait3A_233 = tpu.memref_slice %arg13[%dma_wait3A_231, %dma_wait3A_232] : memref<10112x128xf32, #tpu.memory_space<vmem_shared>> -> memref<10112x128xf32, #tpu.memory_space<vmem_shared>>
          tpu.wait_indirect_dma semaphore(%run_scoped3A : memref<!tpu.dma_semaphore, #tpu.memory_space<semaphore_mem>>) src(%arg12 : memref<128x128xf32, #tpu.memory_space<vmem>>) dst(%dma_wait3A_233 : memref<10112x128xf32, #tpu.memory_space<vmem_shared>>)
          tpu.yield
        }) : () -> ()
      }
      %scan3A_42 = arith.constant 8 : i32
    }
    %scan3A_9 = arith.constant 5 : i32
    %barrier3A_10 = arith.constant 0 : index
    tpu.barrier barrier_id(%barrier3A_10)
    %mul3A_11 = arith.constant 632 : i32
    %mul3A_12 = arith.muli %arg1, %mul3A_11 : i32
    "tpu.region"() ({
      %run_scoped3A = tpu.sem_alloc : memref<!tpu.dma_semaphore, #tpu.memory_space<semaphore_mem>>
      %dma_start3A = arith.constant 0 : i32
      %dma_start3A_13 = arith.constant 0 : i32
      %dma_start3A_14 = tpu.memref_slice %arg6[%add3A, %dma_start3A, %dma_start3A_13] : memref<32x632x128xf32, #tpu.memory_space<hbm>> -> memref<1x632x128xf32, #tpu.memory_space<hbm>>
      %dma_start3A_15 = tpu.memref_squeeze %dma_start3A_14 : memref<1x632x128xf32, #tpu.memory_space<hbm>> -> memref<632x128xf32, #tpu.memory_space<hbm>>
      %dma_start3A_16 = arith.constant 0 : i32
      %dma_start3A_17 = tpu.memref_slice %arg13[%mul3A_12, %dma_start3A_16] : memref<10112x128xf32, #tpu.memory_space<vmem_shared>> -> memref<632x128xf32, #tpu.memory_space<vmem_shared>>
      tpu.enqueue_dma source(%dma_start3A_17 : memref<632x128xf32, #tpu.memory_space<vmem_shared>>) target(%dma_start3A_15 : memref<632x128xf32, #tpu.memory_space<hbm>>) target_semaphore(%run_scoped3A : memref<!tpu.dma_semaphore, #tpu.memory_space<semaphore_mem>>)
      %dma_wait3A = arith.constant 0 : i32
      %dma_wait3A_18 = arith.constant 0 : i32
      %dma_wait3A_19 = tpu.memref_slice %arg6[%add3A, %dma_wait3A, %dma_wait3A_18] : memref<32x632x128xf32, #tpu.memory_space<hbm>> -> memref<1x632x128xf32, #tpu.memory_space<hbm>>
      %dma_wait3A_20 = tpu.memref_squeeze %dma_wait3A_19 : memref<1x632x128xf32, #tpu.memory_space<hbm>> -> memref<632x128xf32, #tpu.memory_space<hbm>>
      %dma_wait3A_21 = arith.constant 0 : i32
      %dma_wait3A_22 = tpu.memref_slice %arg13[%mul3A_12, %dma_wait3A_21] : memref<10112x128xf32, #tpu.memory_space<vmem_shared>> -> memref<632x128xf32, #tpu.memory_space<vmem_shared>>
      tpu.wait_dma2 semaphore(%run_scoped3A : memref<!tpu.dma_semaphore, #tpu.memory_space<semaphore_mem>>) src(%dma_wait3A_22 : memref<632x128xf32, #tpu.memory_space<vmem_shared>>) dst(%dma_wait3A_20 : memref<632x128xf32, #tpu.memory_space<hbm>>)
      tpu.yield
    }) : () -> ()
    return
  }
}

#map = affine_map<(d0, d1) -> (0, 0)>
#map1 = affine_map<(d0, d1) -> (0)>
#map2 = affine_map<(d0, d1) -> (0, 0, 0)>
module attributes {stable_mosaic.version = 14 : i64} {
  func.func @_seg(%arg0: i32, %arg1: i32, %arg2: memref<10112x128xf32, #tpu.memory_space<hbm>>, %arg3: memref<327680xi32, #tpu.memory_space<hbm>>, %arg4: memref<327680xi32, #tpu.memory_space<hbm>>, %arg5: memref<10112x128xf32, #tpu.memory_space<hbm>>, %arg6: memref<32x632x128xf32, #tpu.memory_space<hbm>>, %arg7: memref<2048xi32, #tpu.memory_space<vmem>>, %arg8: memref<2048xi32, #tpu.memory_space<vmem>>, %arg9: memref<128xi32, #tpu.memory_space<vmem>>, %arg10: memref<128xi32, #tpu.memory_space<vmem>>, %arg11: memref<128x128xf32, #tpu.memory_space<vmem>>, %arg12: memref<128x128xf32, #tpu.memory_space<vmem>>, %arg13: memref<10112x128xf32, #tpu.memory_space<vmem_shared>>, %arg14: memref<!tpu.dma_semaphore, #tpu.memory_space<semaphore_mem>>, %arg15: memref<!tpu.dma_semaphore, #tpu.memory_space<semaphore_mem>>) attributes {dimension_semantics = [#tpu.dimension_semantics<core_parallel>, #tpu.dimension_semantics<subcore_parallel>], iteration_bounds = array<i64: 2, 16>, scalar_prefetch = 0 : i64, scratch_operands = 9 : i64, tpu.core_type = #tpu.core_type<sc_vector_subcore>, window_params = [{transform_indices = #map}, {transform_indices = #map1}, {transform_indices = #map1}, {transform_indices = #map}, {transform_indices = #map2}]} {
    %mul3A = arith.constant 16 : i32
    %mul3A_0 = arith.muli %arg0, %mul3A : i32
    %add3A = arith.addi %mul3A_0, %arg1 : i32
    %mul3A_1 = arith.constant 632 : i32
    %mul3A_2 = arith.muli %arg1, %mul3A_1 : i32
    %mul3A_3 = arith.constant 632 : i32
    %mul3A_4 = arith.muli %arg1, %mul3A_3 : i32
    "tpu.region"() ({
      %run_scoped3A = tpu.sem_alloc : memref<!tpu.dma_semaphore, #tpu.memory_space<semaphore_mem>>
      %dma_start3A = arith.constant 0 : i32
      %dma_start3A_13 = tpu.memref_slice %arg13[%mul3A_4, %dma_start3A] : memref<10112x128xf32, #tpu.memory_space<vmem_shared>> -> memref<632x128xf32, #tpu.memory_space<vmem_shared>>
      %dma_start3A_14 = arith.constant 0 : i32
      %dma_start3A_15 = tpu.memref_slice %arg5[%mul3A_2, %dma_start3A_14] : memref<10112x128xf32, #tpu.memory_space<hbm>> -> memref<632x128xf32, #tpu.memory_space<hbm>>
      tpu.enqueue_dma source(%dma_start3A_15 : memref<632x128xf32, #tpu.memory_space<hbm>>) target(%dma_start3A_13 : memref<632x128xf32, #tpu.memory_space<vmem_shared>>) target_semaphore(%run_scoped3A : memref<!tpu.dma_semaphore, #tpu.memory_space<semaphore_mem>>)
      %dma_wait3A = arith.constant 0 : i32
      %dma_wait3A_16 = tpu.memref_slice %arg13[%mul3A_4, %dma_wait3A] : memref<10112x128xf32, #tpu.memory_space<vmem_shared>> -> memref<632x128xf32, #tpu.memory_space<vmem_shared>>
      %dma_wait3A_17 = arith.constant 0 : i32
      %dma_wait3A_18 = tpu.memref_slice %arg5[%mul3A_2, %dma_wait3A_17] : memref<10112x128xf32, #tpu.memory_space<hbm>> -> memref<632x128xf32, #tpu.memory_space<hbm>>
      tpu.wait_dma2 semaphore(%run_scoped3A : memref<!tpu.dma_semaphore, #tpu.memory_space<semaphore_mem>>) src(%dma_wait3A_18 : memref<632x128xf32, #tpu.memory_space<hbm>>) dst(%dma_wait3A_16 : memref<632x128xf32, #tpu.memory_space<vmem_shared>>)
      tpu.yield
    }) : () -> ()
    %barrier3A = arith.constant 0 : index
    tpu.barrier barrier_id(%barrier3A)
    %scan3A = arith.constant 0 : i32
    %scan3A_5 = arith.constant 0 : i32
    %scan3A_6 = arith.constant 5 : i32
    %scan3A_7 = arith.addi %scan3A_5, %scan3A_6 : i32
    %scan3A_8 = arith.constant 1 : i32
    scf.for %scan3A_13 = %scan3A_5 to %scan3A_7 step %scan3A_8  : i32 {
      %mul3A_14 = arith.constant 10240 : i32
      %mul3A_15 = arith.muli %add3A, %mul3A_14 : i32
      %mul3A_16 = arith.constant 2048 : i32
      %mul3A_17 = arith.muli %scan3A_13, %mul3A_16 : i32
      %add3A_18 = arith.addi %mul3A_15, %mul3A_17 : i32
      "tpu.region"() ({
        %run_scoped3A = tpu.sem_alloc : memref<!tpu.dma_semaphore, #tpu.memory_space<semaphore_mem>>
        %dma_start3A_43 = tpu.memref_slice %arg3[%add3A_18] : memref<327680xi32, #tpu.memory_space<hbm>> -> memref<2048xi32, #tpu.memory_space<hbm>>
        %dma_start3A_44 = tpu.memref_slice %arg3[%add3A_18] : memref<327680xi32, #tpu.memory_space<hbm>> -> memref<2048xi32, #tpu.memory_space<hbm>>
        tpu.enqueue_dma source(%dma_start3A_44 : memref<2048xi32, #tpu.memory_space<hbm>>) target(%arg7 : memref<2048xi32, #tpu.memory_space<vmem>>) target_semaphore(%run_scoped3A : memref<!tpu.dma_semaphore, #tpu.memory_space<semaphore_mem>>)
        %dma_wait3A = tpu.memref_slice %arg3[%add3A_18] : memref<327680xi32, #tpu.memory_space<hbm>> -> memref<2048xi32, #tpu.memory_space<hbm>>
        %dma_wait3A_45 = tpu.memref_slice %arg3[%add3A_18] : memref<327680xi32, #tpu.memory_space<hbm>> -> memref<2048xi32, #tpu.memory_space<hbm>>
        tpu.wait_dma2 semaphore(%run_scoped3A : memref<!tpu.dma_semaphore, #tpu.memory_space<semaphore_mem>>) src(%dma_wait3A_45 : memref<2048xi32, #tpu.memory_space<hbm>>) dst(%arg7 : memref<2048xi32, #tpu.memory_space<vmem>>)
        tpu.yield
      }) : () -> ()
      "tpu.region"() ({
        %run_scoped3A = tpu.sem_alloc : memref<!tpu.dma_semaphore, #tpu.memory_space<semaphore_mem>>
        %dma_start3A_43 = tpu.memref_slice %arg4[%add3A_18] : memref<327680xi32, #tpu.memory_space<hbm>> -> memref<2048xi32, #tpu.memory_space<hbm>>
        %dma_start3A_44 = tpu.memref_slice %arg4[%add3A_18] : memref<327680xi32, #tpu.memory_space<hbm>> -> memref<2048xi32, #tpu.memory_space<hbm>>
        tpu.enqueue_dma source(%dma_start3A_44 : memref<2048xi32, #tpu.memory_space<hbm>>) target(%arg8 : memref<2048xi32, #tpu.memory_space<vmem>>) target_semaphore(%run_scoped3A : memref<!tpu.dma_semaphore, #tpu.memory_space<semaphore_mem>>)
        %dma_wait3A = tpu.memref_slice %arg4[%add3A_18] : memref<327680xi32, #tpu.memory_space<hbm>> -> memref<2048xi32, #tpu.memory_space<hbm>>
        %dma_wait3A_45 = tpu.memref_slice %arg4[%add3A_18] : memref<327680xi32, #tpu.memory_space<hbm>> -> memref<2048xi32, #tpu.memory_space<hbm>>
        tpu.wait_dma2 semaphore(%run_scoped3A : memref<!tpu.dma_semaphore, #tpu.memory_space<semaphore_mem>>) src(%dma_wait3A_45 : memref<2048xi32, #tpu.memory_space<hbm>>) dst(%arg8 : memref<2048xi32, #tpu.memory_space<vmem>>)
        tpu.yield
      }) : () -> ()
      %multiple_of3A = arith.constant 0 : i32
      %multiple_of3A_19 = tpu.assume_multiple %multiple_of3A, 128 : i32
      %add3A_20 = arith.constant 0 : i32
      %add3A_21 = arith.addi %multiple_of3A_19, %add3A_20 : i32
      %dma_start3A = arith.constant 0 : i32
      %dma_start3A_22 = arith.constant 0 : i32
      %dma_start3A_23 = tpu.memref_slice %arg11[%dma_start3A, %dma_start3A_22] : memref<128x128xf32, #tpu.memory_space<vmem>> -> memref<64x128xf32, #tpu.memory_space<vmem>>
      %dma_start3A_24 = tpu.memref_slice %arg7[%add3A_21] : memref<2048xi32, #tpu.memory_space<vmem>> -> memref<64xi32, #tpu.memory_space<vmem>>
      %dma_start3A_25 = arith.constant 0 : i32
      %dma_start3A_26 = arith.constant 0 : i32
      %dma_start3A_27 = tpu.memref_slice %arg2[%dma_start3A_25, %dma_start3A_26] : memref<10112x128xf32, #tpu.memory_space<hbm>> -> memref<10112x128xf32, #tpu.memory_space<hbm>>
      tpu.enqueue_indirect_dma source(%dma_start3A_27 : memref<10112x128xf32, #tpu.memory_space<hbm>>) target(%dma_start3A_23 : memref<64x128xf32, #tpu.memory_space<vmem>>) offsets(%dma_start3A_24 : memref<64xi32, #tpu.memory_space<vmem>>) semaphore(%arg14 : memref<!tpu.dma_semaphore, #tpu.memory_space<semaphore_mem>>)
      %add3A_28 = arith.constant 64 : i32
      %add3A_29 = arith.addi %multiple_of3A_19, %add3A_28 : i32
      %dma_start3A_30 = arith.constant 64 : i32
      %dma_start3A_31 = arith.constant 0 : i32
      %dma_start3A_32 = tpu.memref_slice %arg11[%dma_start3A_30, %dma_start3A_31] : memref<128x128xf32, #tpu.memory_space<vmem>> -> memref<64x128xf32, #tpu.memory_space<vmem>>
      %dma_start3A_33 = tpu.memref_slice %arg7[%add3A_29] : memref<2048xi32, #tpu.memory_space<vmem>> -> memref<64xi32, #tpu.memory_space<vmem>>
      %dma_start3A_34 = arith.constant 0 : i32
      %dma_start3A_35 = arith.constant 0 : i32
      %dma_start3A_36 = tpu.memref_slice %arg2[%dma_start3A_34, %dma_start3A_35] : memref<10112x128xf32, #tpu.memory_space<hbm>> -> memref<10112x128xf32, #tpu.memory_space<hbm>>
      tpu.enqueue_indirect_dma source(%dma_start3A_36 : memref<10112x128xf32, #tpu.memory_space<hbm>>) target(%dma_start3A_32 : memref<64x128xf32, #tpu.memory_space<vmem>>) offsets(%dma_start3A_33 : memref<64xi32, #tpu.memory_space<vmem>>) semaphore(%arg14 : memref<!tpu.dma_semaphore, #tpu.memory_space<semaphore_mem>>)
      %scan3A_37 = arith.constant 0 : i32
      %scan3A_38 = arith.constant 0 : i32
      %scan3A_39 = arith.constant 8 : i32
      %scan3A_40 = arith.addi %scan3A_38, %scan3A_39 : i32
      %scan3A_41 = arith.constant 1 : i32
      scf.for %scan3A_43 = %scan3A_38 to %scan3A_40 step %scan3A_41  : i32 {
        %mul3A_44 = arith.constant 2 : i32
        %mul3A_45 = arith.muli %mul3A_44, %scan3A_43 : i32
        %add3A_46 = arith.constant 1 : i32
        %add3A_47 = arith.addi %mul3A_45, %add3A_46 : i32
        %dma_wait3A = arith.constant 0 : i32
        %dma_wait3A_48 = tpu.memref_slice %arg7[%dma_wait3A] : memref<2048xi32, #tpu.memory_space<vmem>> -> memref<128xi32, #tpu.memory_space<vmem>>
        %dma_wait3A_49 = arith.constant 0 : i32
        %dma_wait3A_50 = arith.constant 0 : i32
        %dma_wait3A_51 = tpu.memref_slice %arg2[%dma_wait3A_49, %dma_wait3A_50] : memref<10112x128xf32, #tpu.memory_space<hbm>> -> memref<10112x128xf32, #tpu.memory_space<hbm>>
        tpu.wait_indirect_dma semaphore(%arg14 : memref<!tpu.dma_semaphore, #tpu.memory_space<semaphore_mem>>) src(%dma_wait3A_51 : memref<10112x128xf32, #tpu.memory_space<hbm>>) dst(%arg11 : memref<128x128xf32, #tpu.memory_space<vmem>>)
        %mul3A_52 = arith.constant 128 : i32
        %mul3A_53 = arith.muli %add3A_47, %mul3A_52 : i32
        %multiple_of3A_54 = tpu.assume_multiple %mul3A_53, 128 : i32
        %add3A_55 = arith.constant 0 : i32
        %add3A_56 = arith.addi %multiple_of3A_54, %add3A_55 : i32
        %dma_start3A_57 = arith.constant 0 : i32
        %dma_start3A_58 = arith.constant 0 : i32
        %dma_start3A_59 = tpu.memref_slice %arg12[%dma_start3A_57, %dma_start3A_58] : memref<128x128xf32, #tpu.memory_space<vmem>> -> memref<64x128xf32, #tpu.memory_space<vmem>>
        %dma_start3A_60 = tpu.memref_slice %arg7[%add3A_56] : memref<2048xi32, #tpu.memory_space<vmem>> -> memref<64xi32, #tpu.memory_space<vmem>>
        %dma_start3A_61 = arith.constant 0 : i32
        %dma_start3A_62 = arith.constant 0 : i32
        %dma_start3A_63 = tpu.memref_slice %arg2[%dma_start3A_61, %dma_start3A_62] : memref<10112x128xf32, #tpu.memory_space<hbm>> -> memref<10112x128xf32, #tpu.memory_space<hbm>>
        tpu.enqueue_indirect_dma source(%dma_start3A_63 : memref<10112x128xf32, #tpu.memory_space<hbm>>) target(%dma_start3A_59 : memref<64x128xf32, #tpu.memory_space<vmem>>) offsets(%dma_start3A_60 : memref<64xi32, #tpu.memory_space<vmem>>) semaphore(%arg15 : memref<!tpu.dma_semaphore, #tpu.memory_space<semaphore_mem>>)
        %add3A_64 = arith.constant 64 : i32
        %add3A_65 = arith.addi %multiple_of3A_54, %add3A_64 : i32
        %dma_start3A_66 = arith.constant 64 : i32
        %dma_start3A_67 = arith.constant 0 : i32
        %dma_start3A_68 = tpu.memref_slice %arg12[%dma_start3A_66, %dma_start3A_67] : memref<128x128xf32, #tpu.memory_space<vmem>> -> memref<64x128xf32, #tpu.memory_space<vmem>>
        %dma_start3A_69 = tpu.memref_slice %arg7[%add3A_65] : memref<2048xi32, #tpu.memory_space<vmem>> -> memref<64xi32, #tpu.memory_space<vmem>>
        %dma_start3A_70 = arith.constant 0 : i32
        %dma_start3A_71 = arith.constant 0 : i32
        %dma_start3A_72 = tpu.memref_slice %arg2[%dma_start3A_70, %dma_start3A_71] : memref<10112x128xf32, #tpu.memory_space<hbm>> -> memref<10112x128xf32, #tpu.memory_space<hbm>>
        tpu.enqueue_indirect_dma source(%dma_start3A_72 : memref<10112x128xf32, #tpu.memory_space<hbm>>) target(%dma_start3A_68 : memref<64x128xf32, #tpu.memory_space<vmem>>) offsets(%dma_start3A_69 : memref<64xi32, #tpu.memory_space<vmem>>) semaphore(%arg15 : memref<!tpu.dma_semaphore, #tpu.memory_space<semaphore_mem>>)
        %mul3A_73 = arith.constant 128 : i32
        %mul3A_74 = arith.muli %mul3A_45, %mul3A_73 : i32
        %multiple_of3A_75 = tpu.assume_multiple %mul3A_74, 128 : i32
        %add3A_76 = arith.constant 0 : i32
        %add3A_77 = arith.addi %multiple_of3A_75, %add3A_76 : i32
        %get3A = arith.index_cast %add3A_77 : i32 to index
        %get3A_78 = tpu.vector_load %arg8[%get3A] {strides = array<i32>} : memref<2048xi32, #tpu.memory_space<vmem>>, vector<16xi32>,
        %get3A_79 = vector.shape_cast %get3A_78 : vector<16xi32> to vector<16xi32>
        %swap3A = arith.constant 0 : index
        %swap3A_80 = tpu.vector_load %arg9[%swap3A] {strides = array<i32>} : memref<128xi32, #tpu.memory_space<vmem>>, vector<16xi32>,
        %swap3A_81 = vector.shape_cast %swap3A_80 : vector<16xi32> to vector<16xi32>
        %swap3A_82 = vector.shape_cast %get3A_79 : vector<16xi32> to vector<16xi32>
        tpu.vector_store %arg9[%swap3A], %swap3A_82 {strides = array<i32>} : memref<128xi32, #tpu.memory_space<vmem>>, vector<16xi32>,
        %add3A_83 = arith.constant 16 : i32
        %add3A_84 = arith.addi %multiple_of3A_75, %add3A_83 : i32
        %get3A_85 = arith.index_cast %add3A_84 : i32 to index
        %get3A_86 = tpu.vector_load %arg8[%get3A_85] {strides = array<i32>} : memref<2048xi32, #tpu.memory_space<vmem>>, vector<16xi32>,
        %get3A_87 = vector.shape_cast %get3A_86 : vector<16xi32> to vector<16xi32>
        %swap3A_88 = arith.constant 16 : index
        %swap3A_89 = tpu.vector_load %arg9[%swap3A_88] {strides = array<i32>} : memref<128xi32, #tpu.memory_space<vmem>>, vector<16xi32>,
        %swap3A_90 = vector.shape_cast %swap3A_89 : vector<16xi32> to vector<16xi32>
        %swap3A_91 = vector.shape_cast %get3A_87 : vector<16xi32> to vector<16xi32>
        tpu.vector_store %arg9[%swap3A_88], %swap3A_91 {strides = array<i32>} : memref<128xi32, #tpu.memory_space<vmem>>, vector<16xi32>,
        %add3A_92 = arith.constant 32 : i32
        %add3A_93 = arith.addi %multiple_of3A_75, %add3A_92 : i32
        %get3A_94 = arith.index_cast %add3A_93 : i32 to index
        %get3A_95 = tpu.vector_load %arg8[%get3A_94] {strides = array<i32>} : memref<2048xi32, #tpu.memory_space<vmem>>, vector<16xi32>,
        %get3A_96 = vector.shape_cast %get3A_95 : vector<16xi32> to vector<16xi32>
        %swap3A_97 = arith.constant 32 : index
        %swap3A_98 = tpu.vector_load %arg9[%swap3A_97] {strides = array<i32>} : memref<128xi32, #tpu.memory_space<vmem>>, vector<16xi32>,
        %swap3A_99 = vector.shape_cast %swap3A_98 : vector<16xi32> to vector<16xi32>
        %swap3A_100 = vector.shape_cast %get3A_96 : vector<16xi32> to vector<16xi32>
        tpu.vector_store %arg9[%swap3A_97], %swap3A_100 {strides = array<i32>} : memref<128xi32, #tpu.memory_space<vmem>>, vector<16xi32>,
        %add3A_101 = arith.constant 48 : i32
        %add3A_102 = arith.addi %multiple_of3A_75, %add3A_101 : i32
        %get3A_103 = arith.index_cast %add3A_102 : i32 to index
        %get3A_104 = tpu.vector_load %arg8[%get3A_103] {strides = array<i32>} : memref<2048xi32, #tpu.memory_space<vmem>>, vector<16xi32>,
        %get3A_105 = vector.shape_cast %get3A_104 : vector<16xi32> to vector<16xi32>
        %swap3A_106 = arith.constant 48 : index
        %swap3A_107 = tpu.vector_load %arg9[%swap3A_106] {strides = array<i32>} : memref<128xi32, #tpu.memory_space<vmem>>, vector<16xi32>,
        %swap3A_108 = vector.shape_cast %swap3A_107 : vector<16xi32> to vector<16xi32>
        %swap3A_109 = vector.shape_cast %get3A_105 : vector<16xi32> to vector<16xi32>
        tpu.vector_store %arg9[%swap3A_106], %swap3A_109 {strides = array<i32>} : memref<128xi32, #tpu.memory_space<vmem>>, vector<16xi32>,
        %add3A_110 = arith.constant 64 : i32
        %add3A_111 = arith.addi %multiple_of3A_75, %add3A_110 : i32
        %get3A_112 = arith.index_cast %add3A_111 : i32 to index
        %get3A_113 = tpu.vector_load %arg8[%get3A_112] {strides = array<i32>} : memref<2048xi32, #tpu.memory_space<vmem>>, vector<16xi32>,
        %get3A_114 = vector.shape_cast %get3A_113 : vector<16xi32> to vector<16xi32>
        %swap3A_115 = arith.constant 64 : index
        %swap3A_116 = tpu.vector_load %arg9[%swap3A_115] {strides = array<i32>} : memref<128xi32, #tpu.memory_space<vmem>>, vector<16xi32>,
        %swap3A_117 = vector.shape_cast %swap3A_116 : vector<16xi32> to vector<16xi32>
        %swap3A_118 = vector.shape_cast %get3A_114 : vector<16xi32> to vector<16xi32>
        tpu.vector_store %arg9[%swap3A_115], %swap3A_118 {strides = array<i32>} : memref<128xi32, #tpu.memory_space<vmem>>, vector<16xi32>,
        %add3A_119 = arith.constant 80 : i32
        %add3A_120 = arith.addi %multiple_of3A_75, %add3A_119 : i32
        %get3A_121 = arith.index_cast %add3A_120 : i32 to index
        %get3A_122 = tpu.vector_load %arg8[%get3A_121] {strides = array<i32>} : memref<2048xi32, #tpu.memory_space<vmem>>, vector<16xi32>,
        %get3A_123 = vector.shape_cast %get3A_122 : vector<16xi32> to vector<16xi32>
        %swap3A_124 = arith.constant 80 : index
        %swap3A_125 = tpu.vector_load %arg9[%swap3A_124] {strides = array<i32>} : memref<128xi32, #tpu.memory_space<vmem>>, vector<16xi32>,
        %swap3A_126 = vector.shape_cast %swap3A_125 : vector<16xi32> to vector<16xi32>
        %swap3A_127 = vector.shape_cast %get3A_123 : vector<16xi32> to vector<16xi32>
        tpu.vector_store %arg9[%swap3A_124], %swap3A_127 {strides = array<i32>} : memref<128xi32, #tpu.memory_space<vmem>>, vector<16xi32>,
        %add3A_128 = arith.constant 96 : i32
        %add3A_129 = arith.addi %multiple_of3A_75, %add3A_128 : i32
        %get3A_130 = arith.index_cast %add3A_129 : i32 to index
        %get3A_131 = tpu.vector_load %arg8[%get3A_130] {strides = array<i32>} : memref<2048xi32, #tpu.memory_space<vmem>>, vector<16xi32>,
        %get3A_132 = vector.shape_cast %get3A_131 : vector<16xi32> to vector<16xi32>
        %swap3A_133 = arith.constant 96 : index
        %swap3A_134 = tpu.vector_load %arg9[%swap3A_133] {strides = array<i32>} : memref<128xi32, #tpu.memory_space<vmem>>, vector<16xi32>,
        %swap3A_135 = vector.shape_cast %swap3A_134 : vector<16xi32> to vector<16xi32>
        %swap3A_136 = vector.shape_cast %get3A_132 : vector<16xi32> to vector<16xi32>
        tpu.vector_store %arg9[%swap3A_133], %swap3A_136 {strides = array<i32>} : memref<128xi32, #tpu.memory_space<vmem>>, vector<16xi32>,
        %add3A_137 = arith.constant 112 : i32
        %add3A_138 = arith.addi %multiple_of3A_75, %add3A_137 : i32
        %get3A_139 = arith.index_cast %add3A_138 : i32 to index
        %get3A_140 = tpu.vector_load %arg8[%get3A_139] {strides = array<i32>} : memref<2048xi32, #tpu.memory_space<vmem>>, vector<16xi32>,
        %get3A_141 = vector.shape_cast %get3A_140 : vector<16xi32> to vector<16xi32>
        %swap3A_142 = arith.constant 112 : index
        %swap3A_143 = tpu.vector_load %arg9[%swap3A_142] {strides = array<i32>} : memref<128xi32, #tpu.memory_space<vmem>>, vector<16xi32>,
        %swap3A_144 = vector.shape_cast %swap3A_143 : vector<16xi32> to vector<16xi32>
        %swap3A_145 = vector.shape_cast %get3A_141 : vector<16xi32> to vector<16xi32>
        tpu.vector_store %arg9[%swap3A_142], %swap3A_145 {strides = array<i32>} : memref<128xi32, #tpu.memory_space<vmem>>, vector<16xi32>,
        "tpu.region"() ({
          %run_scoped3A = tpu.sem_alloc : memref<!tpu.dma_semaphore, #tpu.memory_space<semaphore_mem>>
          %dma_start3A_228 = arith.constant 0 : i32
          %dma_start3A_229 = arith.constant 0 : i32
          %dma_start3A_230 = tpu.memref_slice %arg13[%dma_start3A_228, %dma_start3A_229] : memref<10112x128xf32, #tpu.memory_space<vmem_shared>> -> memref<10112x128xf32, #tpu.memory_space<vmem_shared>>
          tpu.enqueue_indirect_dma source(%arg11 : memref<128x128xf32, #tpu.memory_space<vmem>>) target(%dma_start3A_230 : memref<10112x128xf32, #tpu.memory_space<vmem_shared>>) offsets(%arg9 : memref<128xi32, #tpu.memory_space<vmem>>) semaphore(%run_scoped3A : memref<!tpu.dma_semaphore, #tpu.memory_space<semaphore_mem>>) {add = true}
          %dma_wait3A_231 = arith.constant 0 : i32
          %dma_wait3A_232 = arith.constant 0 : i32
          %dma_wait3A_233 = tpu.memref_slice %arg13[%dma_wait3A_231, %dma_wait3A_232] : memref<10112x128xf32, #tpu.memory_space<vmem_shared>> -> memref<10112x128xf32, #tpu.memory_space<vmem_shared>>
          tpu.wait_indirect_dma semaphore(%run_scoped3A : memref<!tpu.dma_semaphore, #tpu.memory_space<semaphore_mem>>) src(%arg11 : memref<128x128xf32, #tpu.memory_space<vmem>>) dst(%dma_wait3A_233 : memref<10112x128xf32, #tpu.memory_space<vmem_shared>>)
          tpu.yield
        }) : () -> ()
        %dma_wait3A_146 = arith.constant 0 : i32
        %dma_wait3A_147 = tpu.memref_slice %arg7[%dma_wait3A_146] : memref<2048xi32, #tpu.memory_space<vmem>> -> memref<128xi32, #tpu.memory_space<vmem>>
        %dma_wait3A_148 = arith.constant 0 : i32
        %dma_wait3A_149 = arith.constant 0 : i32
        %dma_wait3A_150 = tpu.memref_slice %arg2[%dma_wait3A_148, %dma_wait3A_149] : memref<10112x128xf32, #tpu.memory_space<hbm>> -> memref<10112x128xf32, #tpu.memory_space<hbm>>
        tpu.wait_indirect_dma semaphore(%arg15 : memref<!tpu.dma_semaphore, #tpu.memory_space<semaphore_mem>>) src(%dma_wait3A_150 : memref<10112x128xf32, #tpu.memory_space<hbm>>) dst(%arg12 : memref<128x128xf32, #tpu.memory_space<vmem>>)
        %lt3A = arith.constant 7 : i32
        %lt3A_151 = arith.cmpi slt, %scan3A_43, %lt3A : i32
        %convert_element_type3A = arith.extui %lt3A_151 : i1 to i32
        %cond3A = arith.constant 0 : i32
        %cond3A_152 = arith.cmpi ne, %convert_element_type3A, %cond3A : i32
        scf.if %cond3A_152 {
          %add3A_228 = arith.constant 2 : i32
          %add3A_229 = arith.addi %mul3A_45, %add3A_228 : i32
          %mul3A_230 = arith.constant 128 : i32
          %mul3A_231 = arith.muli %add3A_229, %mul3A_230 : i32
          %multiple_of3A_232 = tpu.assume_multiple %mul3A_231, 128 : i32
          %add3A_233 = arith.constant 0 : i32
          %add3A_234 = arith.addi %multiple_of3A_232, %add3A_233 : i32
          %dma_start3A_235 = arith.constant 0 : i32
          %dma_start3A_236 = arith.constant 0 : i32
          %dma_start3A_237 = tpu.memref_slice %arg11[%dma_start3A_235, %dma_start3A_236] : memref<128x128xf32, #tpu.memory_space<vmem>> -> memref<64x128xf32, #tpu.memory_space<vmem>>
          %dma_start3A_238 = tpu.memref_slice %arg7[%add3A_234] : memref<2048xi32, #tpu.memory_space<vmem>> -> memref<64xi32, #tpu.memory_space<vmem>>
          %dma_start3A_239 = arith.constant 0 : i32
          %dma_start3A_240 = arith.constant 0 : i32
          %dma_start3A_241 = tpu.memref_slice %arg2[%dma_start3A_239, %dma_start3A_240] : memref<10112x128xf32, #tpu.memory_space<hbm>> -> memref<10112x128xf32, #tpu.memory_space<hbm>>
          tpu.enqueue_indirect_dma source(%dma_start3A_241 : memref<10112x128xf32, #tpu.memory_space<hbm>>) target(%dma_start3A_237 : memref<64x128xf32, #tpu.memory_space<vmem>>) offsets(%dma_start3A_238 : memref<64xi32, #tpu.memory_space<vmem>>) semaphore(%arg14 : memref<!tpu.dma_semaphore, #tpu.memory_space<semaphore_mem>>)
          %add3A_242 = arith.constant 64 : i32
          %add3A_243 = arith.addi %multiple_of3A_232, %add3A_242 : i32
          %dma_start3A_244 = arith.constant 64 : i32
          %dma_start3A_245 = arith.constant 0 : i32
          %dma_start3A_246 = tpu.memref_slice %arg11[%dma_start3A_244, %dma_start3A_245] : memref<128x128xf32, #tpu.memory_space<vmem>> -> memref<64x128xf32, #tpu.memory_space<vmem>>
          %dma_start3A_247 = tpu.memref_slice %arg7[%add3A_243] : memref<2048xi32, #tpu.memory_space<vmem>> -> memref<64xi32, #tpu.memory_space<vmem>>
          %dma_start3A_248 = arith.constant 0 : i32
          %dma_start3A_249 = arith.constant 0 : i32
          %dma_start3A_250 = tpu.memref_slice %arg2[%dma_start3A_248, %dma_start3A_249] : memref<10112x128xf32, #tpu.memory_space<hbm>> -> memref<10112x128xf32, #tpu.memory_space<hbm>>
          tpu.enqueue_indirect_dma source(%dma_start3A_250 : memref<10112x128xf32, #tpu.memory_space<hbm>>) target(%dma_start3A_246 : memref<64x128xf32, #tpu.memory_space<vmem>>) offsets(%dma_start3A_247 : memref<64xi32, #tpu.memory_space<vmem>>) semaphore(%arg14 : memref<!tpu.dma_semaphore, #tpu.memory_space<semaphore_mem>>)
        } else {
        }
        %mul3A_153 = arith.constant 128 : i32
        %mul3A_154 = arith.muli %add3A_47, %mul3A_153 : i32
        %multiple_of3A_155 = tpu.assume_multiple %mul3A_154, 128 : i32
        %add3A_156 = arith.constant 0 : i32
        %add3A_157 = arith.addi %multiple_of3A_155, %add3A_156 : i32
        %get3A_158 = arith.index_cast %add3A_157 : i32 to index
        %get3A_159 = tpu.vector_load %arg8[%get3A_158] {strides = array<i32>} : memref<2048xi32, #tpu.memory_space<vmem>>, vector<16xi32>,
        %get3A_160 = vector.shape_cast %get3A_159 : vector<16xi32> to vector<16xi32>
        %swap3A_161 = arith.constant 0 : index
        %swap3A_162 = tpu.vector_load %arg10[%swap3A_161] {strides = array<i32>} : memref<128xi32, #tpu.memory_space<vmem>>, vector<16xi32>,
        %swap3A_163 = vector.shape_cast %swap3A_162 : vector<16xi32> to vector<16xi32>
        %swap3A_164 = vector.shape_cast %get3A_160 : vector<16xi32> to vector<16xi32>
        tpu.vector_store %arg10[%swap3A_161], %swap3A_164 {strides = array<i32>} : memref<128xi32, #tpu.memory_space<vmem>>, vector<16xi32>,
        %add3A_165 = arith.constant 16 : i32
        %add3A_166 = arith.addi %multiple_of3A_155, %add3A_165 : i32
        %get3A_167 = arith.index_cast %add3A_166 : i32 to index
        %get3A_168 = tpu.vector_load %arg8[%get3A_167] {strides = array<i32>} : memref<2048xi32, #tpu.memory_space<vmem>>, vector<16xi32>,
        %get3A_169 = vector.shape_cast %get3A_168 : vector<16xi32> to vector<16xi32>
        %swap3A_170 = arith.constant 16 : index
        %swap3A_171 = tpu.vector_load %arg10[%swap3A_170] {strides = array<i32>} : memref<128xi32, #tpu.memory_space<vmem>>, vector<16xi32>,
        %swap3A_172 = vector.shape_cast %swap3A_171 : vector<16xi32> to vector<16xi32>
        %swap3A_173 = vector.shape_cast %get3A_169 : vector<16xi32> to vector<16xi32>
        tpu.vector_store %arg10[%swap3A_170], %swap3A_173 {strides = array<i32>} : memref<128xi32, #tpu.memory_space<vmem>>, vector<16xi32>,
        %add3A_174 = arith.constant 32 : i32
        %add3A_175 = arith.addi %multiple_of3A_155, %add3A_174 : i32
        %get3A_176 = arith.index_cast %add3A_175 : i32 to index
        %get3A_177 = tpu.vector_load %arg8[%get3A_176] {strides = array<i32>} : memref<2048xi32, #tpu.memory_space<vmem>>, vector<16xi32>,
        %get3A_178 = vector.shape_cast %get3A_177 : vector<16xi32> to vector<16xi32>
        %swap3A_179 = arith.constant 32 : index
        %swap3A_180 = tpu.vector_load %arg10[%swap3A_179] {strides = array<i32>} : memref<128xi32, #tpu.memory_space<vmem>>, vector<16xi32>,
        %swap3A_181 = vector.shape_cast %swap3A_180 : vector<16xi32> to vector<16xi32>
        %swap3A_182 = vector.shape_cast %get3A_178 : vector<16xi32> to vector<16xi32>
        tpu.vector_store %arg10[%swap3A_179], %swap3A_182 {strides = array<i32>} : memref<128xi32, #tpu.memory_space<vmem>>, vector<16xi32>,
        %add3A_183 = arith.constant 48 : i32
        %add3A_184 = arith.addi %multiple_of3A_155, %add3A_183 : i32
        %get3A_185 = arith.index_cast %add3A_184 : i32 to index
        %get3A_186 = tpu.vector_load %arg8[%get3A_185] {strides = array<i32>} : memref<2048xi32, #tpu.memory_space<vmem>>, vector<16xi32>,
        %get3A_187 = vector.shape_cast %get3A_186 : vector<16xi32> to vector<16xi32>
        %swap3A_188 = arith.constant 48 : index
        %swap3A_189 = tpu.vector_load %arg10[%swap3A_188] {strides = array<i32>} : memref<128xi32, #tpu.memory_space<vmem>>, vector<16xi32>,
        %swap3A_190 = vector.shape_cast %swap3A_189 : vector<16xi32> to vector<16xi32>
        %swap3A_191 = vector.shape_cast %get3A_187 : vector<16xi32> to vector<16xi32>
        tpu.vector_store %arg10[%swap3A_188], %swap3A_191 {strides = array<i32>} : memref<128xi32, #tpu.memory_space<vmem>>, vector<16xi32>,
        %add3A_192 = arith.constant 64 : i32
        %add3A_193 = arith.addi %multiple_of3A_155, %add3A_192 : i32
        %get3A_194 = arith.index_cast %add3A_193 : i32 to index
        %get3A_195 = tpu.vector_load %arg8[%get3A_194] {strides = array<i32>} : memref<2048xi32, #tpu.memory_space<vmem>>, vector<16xi32>,
        %get3A_196 = vector.shape_cast %get3A_195 : vector<16xi32> to vector<16xi32>
        %swap3A_197 = arith.constant 64 : index
        %swap3A_198 = tpu.vector_load %arg10[%swap3A_197] {strides = array<i32>} : memref<128xi32, #tpu.memory_space<vmem>>, vector<16xi32>,
        %swap3A_199 = vector.shape_cast %swap3A_198 : vector<16xi32> to vector<16xi32>
        %swap3A_200 = vector.shape_cast %get3A_196 : vector<16xi32> to vector<16xi32>
        tpu.vector_store %arg10[%swap3A_197], %swap3A_200 {strides = array<i32>} : memref<128xi32, #tpu.memory_space<vmem>>, vector<16xi32>,
        %add3A_201 = arith.constant 80 : i32
        %add3A_202 = arith.addi %multiple_of3A_155, %add3A_201 : i32
        %get3A_203 = arith.index_cast %add3A_202 : i32 to index
        %get3A_204 = tpu.vector_load %arg8[%get3A_203] {strides = array<i32>} : memref<2048xi32, #tpu.memory_space<vmem>>, vector<16xi32>,
        %get3A_205 = vector.shape_cast %get3A_204 : vector<16xi32> to vector<16xi32>
        %swap3A_206 = arith.constant 80 : index
        %swap3A_207 = tpu.vector_load %arg10[%swap3A_206] {strides = array<i32>} : memref<128xi32, #tpu.memory_space<vmem>>, vector<16xi32>,
        %swap3A_208 = vector.shape_cast %swap3A_207 : vector<16xi32> to vector<16xi32>
        %swap3A_209 = vector.shape_cast %get3A_205 : vector<16xi32> to vector<16xi32>
        tpu.vector_store %arg10[%swap3A_206], %swap3A_209 {strides = array<i32>} : memref<128xi32, #tpu.memory_space<vmem>>, vector<16xi32>,
        %add3A_210 = arith.constant 96 : i32
        %add3A_211 = arith.addi %multiple_of3A_155, %add3A_210 : i32
        %get3A_212 = arith.index_cast %add3A_211 : i32 to index
        %get3A_213 = tpu.vector_load %arg8[%get3A_212] {strides = array<i32>} : memref<2048xi32, #tpu.memory_space<vmem>>, vector<16xi32>,
        %get3A_214 = vector.shape_cast %get3A_213 : vector<16xi32> to vector<16xi32>
        %swap3A_215 = arith.constant 96 : index
        %swap3A_216 = tpu.vector_load %arg10[%swap3A_215] {strides = array<i32>} : memref<128xi32, #tpu.memory_space<vmem>>, vector<16xi32>,
        %swap3A_217 = vector.shape_cast %swap3A_216 : vector<16xi32> to vector<16xi32>
        %swap3A_218 = vector.shape_cast %get3A_214 : vector<16xi32> to vector<16xi32>
        tpu.vector_store %arg10[%swap3A_215], %swap3A_218 {strides = array<i32>} : memref<128xi32, #tpu.memory_space<vmem>>, vector<16xi32>,
        %add3A_219 = arith.constant 112 : i32
        %add3A_220 = arith.addi %multiple_of3A_155, %add3A_219 : i32
        %get3A_221 = arith.index_cast %add3A_220 : i32 to index
        %get3A_222 = tpu.vector_load %arg8[%get3A_221] {strides = array<i32>} : memref<2048xi32, #tpu.memory_space<vmem>>, vector<16xi32>,
        %get3A_223 = vector.shape_cast %get3A_222 : vector<16xi32> to vector<16xi32>
        %swap3A_224 = arith.constant 112 : index
        %swap3A_225 = tpu.vector_load %arg10[%swap3A_224] {strides = array<i32>} : memref<128xi32, #tpu.memory_space<vmem>>, vector<16xi32>,
        %swap3A_226 = vector.shape_cast %swap3A_225 : vector<16xi32> to vector<16xi32>
        %swap3A_227 = vector.shape_cast %get3A_223 : vector<16xi32> to vector<16xi32>
        tpu.vector_store %arg10[%swap3A_224], %swap3A_227 {strides = array<i32>} : memref<128xi32, #tpu.memory_space<vmem>>, vector<16xi32>,
        "tpu.region"() ({
          %run_scoped3A = tpu.sem_alloc : memref<!tpu.dma_semaphore, #tpu.memory_space<semaphore_mem>>
          %dma_start3A_228 = arith.constant 0 : i32
          %dma_start3A_229 = arith.constant 0 : i32
          %dma_start3A_230 = tpu.memref_slice %arg13[%dma_start3A_228, %dma_start3A_229] : memref<10112x128xf32, #tpu.memory_space<vmem_shared>> -> memref<10112x128xf32, #tpu.memory_space<vmem_shared>>
          tpu.enqueue_indirect_dma source(%arg12 : memref<128x128xf32, #tpu.memory_space<vmem>>) target(%dma_start3A_230 : memref<10112x128xf32, #tpu.memory_space<vmem_shared>>) offsets(%arg10 : memref<128xi32, #tpu.memory_space<vmem>>) semaphore(%run_scoped3A : memref<!tpu.dma_semaphore, #tpu.memory_space<semaphore_mem>>) {add = true}
          %dma_wait3A_231 = arith.constant 0 : i32
          %dma_wait3A_232 = arith.constant 0 : i32
          %dma_wait3A_233 = tpu.memref_slice %arg13[%dma_wait3A_231, %dma_wait3A_232] : memref<10112x128xf32, #tpu.memory_space<vmem_shared>> -> memref<10112x128xf32, #tpu.memory_space<vmem_shared>>
          tpu.wait_indirect_dma semaphore(%run_scoped3A : memref<!tpu.dma_semaphore, #tpu.memory_space<semaphore_mem>>) src(%arg12 : memref<128x128xf32, #tpu.memory_space<vmem>>) dst(%dma_wait3A_233 : memref<10112x128xf32, #tpu.memory_space<vmem_shared>>)
          tpu.yield
        }) : () -> ()
      }
      %scan3A_42 = arith.constant 8 : i32
    }
    %scan3A_9 = arith.constant 5 : i32
    %barrier3A_10 = arith.constant 0 : index
    tpu.barrier barrier_id(%barrier3A_10)
    %mul3A_11 = arith.constant 632 : i32
    %mul3A_12 = arith.muli %arg1, %mul3A_11 : i32
    "tpu.region"() ({
      %run_scoped3A = tpu.sem_alloc : memref<!tpu.dma_semaphore, #tpu.memory_space<semaphore_mem>>
      %dma_start3A = arith.constant 0 : i32
      %dma_start3A_13 = arith.constant 0 : i32
      %dma_start3A_14 = tpu.memref_slice %arg6[%add3A, %dma_start3A, %dma_start3A_13] : memref<32x632x128xf32, #tpu.memory_space<hbm>> -> memref<1x632x128xf32, #tpu.memory_space<hbm>>
      %dma_start3A_15 = tpu.memref_squeeze %dma_start3A_14 : memref<1x632x128xf32, #tpu.memory_space<hbm>> -> memref<632x128xf32, #tpu.memory_space<hbm>>
      %dma_start3A_16 = arith.constant 0 : i32
      %dma_start3A_17 = tpu.memref_slice %arg13[%mul3A_12, %dma_start3A_16] : memref<10112x128xf32, #tpu.memory_space<vmem_shared>> -> memref<632x128xf32, #tpu.memory_space<vmem_shared>>
      tpu.enqueue_dma source(%dma_start3A_17 : memref<632x128xf32, #tpu.memory_space<vmem_shared>>) target(%dma_start3A_15 : memref<632x128xf32, #tpu.memory_space<hbm>>) target_semaphore(%run_scoped3A : memref<!tpu.dma_semaphore, #tpu.memory_space<semaphore_mem>>)
      %dma_wait3A = arith.constant 0 : i32
      %dma_wait3A_18 = arith.constant 0 : i32
      %dma_wait3A_19 = tpu.memref_slice %arg6[%add3A, %dma_wait3A, %dma_wait3A_18] : memref<32x632x128xf32, #tpu.memory_space<hbm>> -> memref<1x632x128xf32, #tpu.memory_space<hbm>>
      %dma_wait3A_20 = tpu.memref_squeeze %dma_wait3A_19 : memref<1x632x128xf32, #tpu.memory_space<hbm>> -> memref<632x128xf32, #tpu.memory_space<hbm>>
      %dma_wait3A_21 = arith.constant 0 : i32
      %dma_wait3A_22 = tpu.memref_slice %arg13[%mul3A_12, %dma_wait3A_21] : memref<10112x128xf32, #tpu.memory_space<vmem_shared>> -> memref<632x128xf32, #tpu.memory_space<vmem_shared>>
      tpu.wait_dma2 semaphore(%run_scoped3A : memref<!tpu.dma_semaphore, #tpu.memory_space<semaphore_mem>>) src(%dma_wait3A_22 : memref<632x128xf32, #tpu.memory_space<vmem_shared>>) dst(%dma_wait3A_20 : memref<632x128xf32, #tpu.memory_space<hbm>>)
      tpu.yield
    }) : () -> ()
    return
  }
}

module attributes {stable_mosaic.version = 14 : i64} {
  func.func @_layer0_body(%arg0: i32, %arg1: memref<632x128xf32, #tpu.memory_space<vmem>>, %arg2: memref<632x128xf32, #tpu.memory_space<vmem>>, %arg3: memref<632x128xf32, #tpu.memory_space<vmem>>, %arg4: memref<632x128xf32, #tpu.memory_space<vmem>>, %arg5: memref<632x128xf32, #tpu.memory_space<vmem>>, %arg6: memref<128x128xf32, #tpu.memory_space<vmem>>, %arg7: memref<128x128xf32, #tpu.memory_space<vmem>>, %arg8: memref<632x128xf32, #tpu.memory_space<vmem>>, %arg9: memref<632x128xf32, #tpu.memory_space<vmem>>) attributes {dimension_semantics = [#tpu.dimension_semantics<arbitrary>], iteration_bounds = array<i64: 16>, scalar_prefetch = 0 : i64, scratch_operands = 0 : i64, tpu.core_type = #tpu.core_type<tc>, window_params = [{transform_indices = @transform_0, window_bounds = array<i64: 632, 128>}, {transform_indices = @transform_1, window_bounds = array<i64: 632, 128>}, {transform_indices = @transform_2, window_bounds = array<i64: 632, 128>}, {transform_indices = @transform_3, window_bounds = array<i64: 632, 128>}, {transform_indices = @transform_4, window_bounds = array<i64: 632, 128>}, {pipeline_mode = #tpu.pipeline_mode<synchronous>, transform_indices = @transform_5, window_bounds = array<i64: 128, 128>}, {pipeline_mode = #tpu.pipeline_mode<synchronous>, transform_indices = @transform_6, window_bounds = array<i64: 128, 128>}, {transform_indices = @transform_7, window_bounds = array<i64: 632, 128>}, {transform_indices = @transform_8, window_bounds = array<i64: 632, 128>}]} {
    %get3A = arith.constant 0 : index
    %get3A_0 = arith.constant 0 : index
    %get3A_1 = vector.load %arg4[%get3A, %get3A_0] : memref<632x128xf32, #tpu.memory_space<vmem>>, vector<632x128xf32>
    %get3A_2 = arith.constant 0 : index
    %get3A_3 = arith.constant 0 : index
    %get3A_4 = vector.load %arg5[%get3A_2, %get3A_3] : memref<632x128xf32, #tpu.memory_space<vmem>>, vector<632x128xf32>
    %add3A = arith.addf %get3A_1, %get3A_4 : vector<632x128xf32>
    %max3A = arith.constant 1.000000e+00 : f32
    %max3A_5 = vector.broadcast %max3A : f32 to vector<632x128xf32>
    %max3A_6 = arith.maximumf %add3A, %max3A_5 : vector<632x128xf32>
    %div3A = arith.constant 1.000000e+00 : f32
    %div3A_7 = vector.broadcast %div3A : f32 to vector<632x128xf32>
    %div3A_8 = arith.divf %div3A_7, %max3A_6 : vector<632x128xf32>
    %get3A_9 = arith.constant 0 : index
    %get3A_10 = arith.constant 0 : index
    %get3A_11 = vector.load %arg2[%get3A_9, %get3A_10] : memref<632x128xf32, #tpu.memory_space<vmem>>, vector<632x128xf32>
    %get3A_12 = arith.constant 0 : index
    %get3A_13 = arith.constant 0 : index
    %get3A_14 = vector.load %arg3[%get3A_12, %get3A_13] : memref<632x128xf32, #tpu.memory_space<vmem>>, vector<632x128xf32>
    %add3A_15 = arith.addf %get3A_11, %get3A_14 : vector<632x128xf32>
    %mul3A = arith.mulf %add3A_15, %div3A_8 : vector<632x128xf32>
    %get3A_16 = arith.constant 0 : index
    %get3A_17 = arith.constant 0 : index
    %get3A_18 = vector.load %arg1[%get3A_16, %get3A_17] : memref<632x128xf32, #tpu.memory_space<vmem>>, vector<632x128xf32>
    %get3A_19 = arith.constant 0 : index
    %get3A_20 = arith.constant 0 : index
    %get3A_21 = vector.load %arg6[%get3A_19, %get3A_20] : memref<128x128xf32, #tpu.memory_space<vmem>>, vector<128x128xf32>
    %dot_general3A = arith.constant dense<0.000000e+00> : vector<632x128xf32>
    %dot_general3A_22 = tpu.matmul %get3A_18, %get3A_21, %dot_general3A {dimension_numbers = #tpu.dot_dimension_numbers<[1], [0], [0], [1], [0, 0, 1, 1], [], []>, transpose_lhs_hint = false} : vector<632x128xf32>, vector<128x128xf32>, vector<632x128xf32> -> vector<632x128xf32>
    %get3A_23 = arith.constant 0 : index
    %get3A_24 = arith.constant 0 : index
    %get3A_25 = vector.load %arg7[%get3A_23, %get3A_24] : memref<128x128xf32, #tpu.memory_space<vmem>>, vector<128x128xf32>
    %dot_general3A_26 = arith.constant dense<0.000000e+00> : vector<632x128xf32>
    %dot_general3A_27 = tpu.matmul %mul3A, %get3A_25, %dot_general3A_26 {dimension_numbers = #tpu.dot_dimension_numbers<[1], [0], [0], [1], [0, 0, 1, 1], [], []>, transpose_lhs_hint = false} : vector<632x128xf32>, vector<128x128xf32>, vector<632x128xf32> -> vector<632x128xf32>
    %add3A_28 = arith.addf %dot_general3A_22, %dot_general3A_27 : vector<632x128xf32>
    %max3A_29 = arith.constant 0.000000e+00 : f32
    %max3A_30 = vector.broadcast %max3A_29 : f32 to vector<632x128xf32>
    %max3A_31 = arith.maximumf %add3A_28, %max3A_30 : vector<632x128xf32>
    %swap3A = arith.constant 0 : index
    %swap3A_32 = arith.constant 0 : index
    %swap3A_33 = vector.load %arg8[%swap3A, %swap3A_32] : memref<632x128xf32, #tpu.memory_space<vmem>>, vector<632x128xf32>
    tpu.vector_store %arg8[%swap3A, %swap3A_32], %max3A_31 {strides = array<i32>} : memref<632x128xf32, #tpu.memory_space<vmem>>, vector<632x128xf32>,
    %swap3A_34 = arith.constant 0 : index
    %swap3A_35 = arith.constant 0 : index
    %swap3A_36 = vector.load %arg9[%swap3A_34, %swap3A_35] : memref<632x128xf32, #tpu.memory_space<vmem>>, vector<632x128xf32>
    tpu.vector_store %arg9[%swap3A_34, %swap3A_35], %div3A_8 {strides = array<i32>} : memref<632x128xf32, #tpu.memory_space<vmem>>, vector<632x128xf32>,
    return
  }
  func.func @transform_0(%arg0: i32) -> (i32, i32) {
    %c0_i32 = arith.constant 0 : i32
    %c0_i32_0 = arith.constant 0 : i32
    return %arg0, %c0_i32 : i32, i32
  }
  func.func @transform_1(%arg0: i32) -> (i32, i32) {
    %c0_i32 = arith.constant 0 : i32
    %c0_i32_0 = arith.constant 0 : i32
    return %arg0, %c0_i32 : i32, i32
  }
  func.func @transform_2(%arg0: i32) -> (i32, i32) {
    %c0_i32 = arith.constant 0 : i32
    %c0_i32_0 = arith.constant 0 : i32
    return %arg0, %c0_i32 : i32, i32
  }
  func.func @transform_3(%arg0: i32) -> (i32, i32) {
    %c0_i32 = arith.constant 0 : i32
    %c0_i32_0 = arith.constant 0 : i32
    return %arg0, %c0_i32 : i32, i32
  }
  func.func @transform_4(%arg0: i32) -> (i32, i32) {
    %c0_i32 = arith.constant 0 : i32
    %c0_i32_0 = arith.constant 0 : i32
    return %arg0, %c0_i32 : i32, i32
  }
  func.func @transform_5(%arg0: i32) -> (i32, i32) {
    %c0_i32 = arith.constant 0 : i32
    %c0_i32_0 = arith.constant 0 : i32
    %c0_i32_1 = arith.constant 0 : i32
    return %c0_i32, %c0_i32_0 : i32, i32
  }
  func.func @transform_6(%arg0: i32) -> (i32, i32) {
    %c0_i32 = arith.constant 0 : i32
    %c0_i32_0 = arith.constant 0 : i32
    %c0_i32_1 = arith.constant 0 : i32
    return %c0_i32, %c0_i32_0 : i32, i32
  }
  func.func @transform_7(%arg0: i32) -> (i32, i32) {
    %c0_i32 = arith.constant 0 : i32
    %c0_i32_0 = arith.constant 0 : i32
    return %arg0, %c0_i32 : i32, i32
  }
  func.func @transform_8(%arg0: i32) -> (i32, i32) {
    %c0_i32 = arith.constant 0 : i32
    %c0_i32_0 = arith.constant 0 : i32
    return %arg0, %c0_i32 : i32, i32
  }
}

module attributes {stable_mosaic.version = 14 : i64} {
  func.func @_layerN_body(%arg0: i32, %arg1: memref<632x128xf32, #tpu.memory_space<vmem>>, %arg2: memref<632x128xf32, #tpu.memory_space<vmem>>, %arg3: memref<632x128xf32, #tpu.memory_space<vmem>>, %arg4: memref<632x128xf32, #tpu.memory_space<vmem>>, %arg5: memref<128x128xf32, #tpu.memory_space<vmem>>, %arg6: memref<128x128xf32, #tpu.memory_space<vmem>>, %arg7: memref<632x128xf32, #tpu.memory_space<vmem>>) attributes {dimension_semantics = [#tpu.dimension_semantics<arbitrary>], iteration_bounds = array<i64: 16>, scalar_prefetch = 0 : i64, scratch_operands = 0 : i64, tpu.core_type = #tpu.core_type<tc>, window_params = [{transform_indices = @transform_0, window_bounds = array<i64: 632, 128>}, {transform_indices = @transform_1, window_bounds = array<i64: 632, 128>}, {transform_indices = @transform_2, window_bounds = array<i64: 632, 128>}, {transform_indices = @transform_3, window_bounds = array<i64: 632, 128>}, {pipeline_mode = #tpu.pipeline_mode<synchronous>, transform_indices = @transform_4, window_bounds = array<i64: 128, 128>}, {pipeline_mode = #tpu.pipeline_mode<synchronous>, transform_indices = @transform_5, window_bounds = array<i64: 128, 128>}, {transform_indices = @transform_6, window_bounds = array<i64: 632, 128>}]} {
    %get3A = arith.constant 0 : index
    %get3A_0 = arith.constant 0 : index
    %get3A_1 = vector.load %arg2[%get3A, %get3A_0] : memref<632x128xf32, #tpu.memory_space<vmem>>, vector<632x128xf32>
    %get3A_2 = arith.constant 0 : index
    %get3A_3 = arith.constant 0 : index
    %get3A_4 = vector.load %arg3[%get3A_2, %get3A_3] : memref<632x128xf32, #tpu.memory_space<vmem>>, vector<632x128xf32>
    %add3A = arith.addf %get3A_1, %get3A_4 : vector<632x128xf32>
    %get3A_5 = arith.constant 0 : index
    %get3A_6 = arith.constant 0 : index
    %get3A_7 = vector.load %arg4[%get3A_5, %get3A_6] : memref<632x128xf32, #tpu.memory_space<vmem>>, vector<632x128xf32>
    %mul3A = arith.mulf %add3A, %get3A_7 : vector<632x128xf32>
    %get3A_8 = arith.constant 0 : index
    %get3A_9 = arith.constant 0 : index
    %get3A_10 = vector.load %arg1[%get3A_8, %get3A_9] : memref<632x128xf32, #tpu.memory_space<vmem>>, vector<632x128xf32>
    %get3A_11 = arith.constant 0 : index
    %get3A_12 = arith.constant 0 : index
    %get3A_13 = vector.load %arg5[%get3A_11, %get3A_12] : memref<128x128xf32, #tpu.memory_space<vmem>>, vector<128x128xf32>
    %dot_general3A = arith.constant dense<0.000000e+00> : vector<632x128xf32>
    %dot_general3A_14 = tpu.matmul %get3A_10, %get3A_13, %dot_general3A {dimension_numbers = #tpu.dot_dimension_numbers<[1], [0], [0], [1], [0, 0, 1, 1], [], []>, transpose_lhs_hint = false} : vector<632x128xf32>, vector<128x128xf32>, vector<632x128xf32> -> vector<632x128xf32>
    %get3A_15 = arith.constant 0 : index
    %get3A_16 = arith.constant 0 : index
    %get3A_17 = vector.load %arg6[%get3A_15, %get3A_16] : memref<128x128xf32, #tpu.memory_space<vmem>>, vector<128x128xf32>
    %dot_general3A_18 = arith.constant dense<0.000000e+00> : vector<632x128xf32>
    %dot_general3A_19 = tpu.matmul %mul3A, %get3A_17, %dot_general3A_18 {dimension_numbers = #tpu.dot_dimension_numbers<[1], [0], [0], [1], [0, 0, 1, 1], [], []>, transpose_lhs_hint = false} : vector<632x128xf32>, vector<128x128xf32>, vector<632x128xf32> -> vector<632x128xf32>
    %add3A_20 = arith.addf %dot_general3A_14, %dot_general3A_19 : vector<632x128xf32>
    %max3A = arith.constant 0.000000e+00 : f32
    %max3A_21 = vector.broadcast %max3A : f32 to vector<632x128xf32>
    %max3A_22 = arith.maximumf %add3A_20, %max3A_21 : vector<632x128xf32>
    %swap3A = arith.constant 0 : index
    %swap3A_23 = arith.constant 0 : index
    %swap3A_24 = vector.load %arg7[%swap3A, %swap3A_23] : memref<632x128xf32, #tpu.memory_space<vmem>>, vector<632x128xf32>
    tpu.vector_store %arg7[%swap3A, %swap3A_23], %max3A_22 {strides = array<i32>} : memref<632x128xf32, #tpu.memory_space<vmem>>, vector<632x128xf32>,
    return
  }
  func.func @transform_0(%arg0: i32) -> (i32, i32) {
    %c0_i32 = arith.constant 0 : i32
    %c0_i32_0 = arith.constant 0 : i32
    return %arg0, %c0_i32 : i32, i32
  }
  func.func @transform_1(%arg0: i32) -> (i32, i32) {
    %c0_i32 = arith.constant 0 : i32
    %c0_i32_0 = arith.constant 0 : i32
    return %arg0, %c0_i32 : i32, i32
  }
  func.func @transform_2(%arg0: i32) -> (i32, i32) {
    %c0_i32 = arith.constant 0 : i32
    %c0_i32_0 = arith.constant 0 : i32
    return %arg0, %c0_i32 : i32, i32
  }
  func.func @transform_3(%arg0: i32) -> (i32, i32) {
    %c0_i32 = arith.constant 0 : i32
    %c0_i32_0 = arith.constant 0 : i32
    return %arg0, %c0_i32 : i32, i32
  }
  func.func @transform_4(%arg0: i32) -> (i32, i32) {
    %c0_i32 = arith.constant 0 : i32
    %c0_i32_0 = arith.constant 0 : i32
    %c0_i32_1 = arith.constant 0 : i32
    return %c0_i32, %c0_i32_0 : i32, i32
  }
  func.func @transform_5(%arg0: i32) -> (i32, i32) {
    %c0_i32 = arith.constant 0 : i32
    %c0_i32_0 = arith.constant 0 : i32
    %c0_i32_1 = arith.constant 0 : i32
    return %c0_i32, %c0_i32_0 : i32, i32
  }
  func.func @transform_6(%arg0: i32) -> (i32, i32) {
    %c0_i32 = arith.constant 0 : i32
    %c0_i32_0 = arith.constant 0 : i32
    return %arg0, %c0_i32 : i32, i32
  }
}

module attributes {stable_mosaic.version = 14 : i64} {
  func.func @_layerN_body(%arg0: i32, %arg1: memref<632x128xf32, #tpu.memory_space<vmem>>, %arg2: memref<632x128xf32, #tpu.memory_space<vmem>>, %arg3: memref<632x128xf32, #tpu.memory_space<vmem>>, %arg4: memref<632x128xf32, #tpu.memory_space<vmem>>, %arg5: memref<128x128xf32, #tpu.memory_space<vmem>>, %arg6: memref<128x128xf32, #tpu.memory_space<vmem>>, %arg7: memref<632x128xf32, #tpu.memory_space<vmem>>) attributes {dimension_semantics = [#tpu.dimension_semantics<arbitrary>], iteration_bounds = array<i64: 16>, scalar_prefetch = 0 : i64, scratch_operands = 0 : i64, tpu.core_type = #tpu.core_type<tc>, window_params = [{transform_indices = @transform_0, window_bounds = array<i64: 632, 128>}, {transform_indices = @transform_1, window_bounds = array<i64: 632, 128>}, {transform_indices = @transform_2, window_bounds = array<i64: 632, 128>}, {transform_indices = @transform_3, window_bounds = array<i64: 632, 128>}, {pipeline_mode = #tpu.pipeline_mode<synchronous>, transform_indices = @transform_4, window_bounds = array<i64: 128, 128>}, {pipeline_mode = #tpu.pipeline_mode<synchronous>, transform_indices = @transform_5, window_bounds = array<i64: 128, 128>}, {transform_indices = @transform_6, window_bounds = array<i64: 632, 128>}]} {
    %get3A = arith.constant 0 : index
    %get3A_0 = arith.constant 0 : index
    %get3A_1 = vector.load %arg2[%get3A, %get3A_0] : memref<632x128xf32, #tpu.memory_space<vmem>>, vector<632x128xf32>
    %get3A_2 = arith.constant 0 : index
    %get3A_3 = arith.constant 0 : index
    %get3A_4 = vector.load %arg3[%get3A_2, %get3A_3] : memref<632x128xf32, #tpu.memory_space<vmem>>, vector<632x128xf32>
    %add3A = arith.addf %get3A_1, %get3A_4 : vector<632x128xf32>
    %get3A_5 = arith.constant 0 : index
    %get3A_6 = arith.constant 0 : index
    %get3A_7 = vector.load %arg4[%get3A_5, %get3A_6] : memref<632x128xf32, #tpu.memory_space<vmem>>, vector<632x128xf32>
    %mul3A = arith.mulf %add3A, %get3A_7 : vector<632x128xf32>
    %get3A_8 = arith.constant 0 : index
    %get3A_9 = arith.constant 0 : index
    %get3A_10 = vector.load %arg1[%get3A_8, %get3A_9] : memref<632x128xf32, #tpu.memory_space<vmem>>, vector<632x128xf32>
    %get3A_11 = arith.constant 0 : index
    %get3A_12 = arith.constant 0 : index
    %get3A_13 = vector.load %arg5[%get3A_11, %get3A_12] : memref<128x128xf32, #tpu.memory_space<vmem>>, vector<128x128xf32>
    %dot_general3A = arith.constant dense<0.000000e+00> : vector<632x128xf32>
    %dot_general3A_14 = tpu.matmul %get3A_10, %get3A_13, %dot_general3A {dimension_numbers = #tpu.dot_dimension_numbers<[1], [0], [0], [1], [0, 0, 1, 1], [], []>, transpose_lhs_hint = false} : vector<632x128xf32>, vector<128x128xf32>, vector<632x128xf32> -> vector<632x128xf32>
    %get3A_15 = arith.constant 0 : index
    %get3A_16 = arith.constant 0 : index
    %get3A_17 = vector.load %arg6[%get3A_15, %get3A_16] : memref<128x128xf32, #tpu.memory_space<vmem>>, vector<128x128xf32>
    %dot_general3A_18 = arith.constant dense<0.000000e+00> : vector<632x128xf32>
    %dot_general3A_19 = tpu.matmul %mul3A, %get3A_17, %dot_general3A_18 {dimension_numbers = #tpu.dot_dimension_numbers<[1], [0], [0], [1], [0, 0, 1, 1], [], []>, transpose_lhs_hint = false} : vector<632x128xf32>, vector<128x128xf32>, vector<632x128xf32> -> vector<632x128xf32>
    %add3A_20 = arith.addf %dot_general3A_14, %dot_general3A_19 : vector<632x128xf32>
    %swap3A = arith.constant 0 : index
    %swap3A_21 = arith.constant 0 : index
    %swap3A_22 = vector.load %arg7[%swap3A, %swap3A_21] : memref<632x128xf32, #tpu.memory_space<vmem>>, vector<632x128xf32>
    tpu.vector_store %arg7[%swap3A, %swap3A_21], %add3A_20 {strides = array<i32>} : memref<632x128xf32, #tpu.memory_space<vmem>>, vector<632x128xf32>,
    return
  }
  func.func @transform_0(%arg0: i32) -> (i32, i32) {
    %c0_i32 = arith.constant 0 : i32
    %c0_i32_0 = arith.constant 0 : i32
    return %arg0, %c0_i32 : i32, i32
  }
  func.func @transform_1(%arg0: i32) -> (i32, i32) {
    %c0_i32 = arith.constant 0 : i32
    %c0_i32_0 = arith.constant 0 : i32
    return %arg0, %c0_i32 : i32, i32
  }
  func.func @transform_2(%arg0: i32) -> (i32, i32) {
    %c0_i32 = arith.constant 0 : i32
    %c0_i32_0 = arith.constant 0 : i32
    return %arg0, %c0_i32 : i32, i32
  }
  func.func @transform_3(%arg0: i32) -> (i32, i32) {
    %c0_i32 = arith.constant 0 : i32
    %c0_i32_0 = arith.constant 0 : i32
    return %arg0, %c0_i32 : i32, i32
  }
  func.func @transform_4(%arg0: i32) -> (i32, i32) {
    %c0_i32 = arith.constant 0 : i32
    %c0_i32_0 = arith.constant 0 : i32
    %c0_i32_1 = arith.constant 0 : i32
    return %c0_i32, %c0_i32_0 : i32, i32
  }
  func.func @transform_5(%arg0: i32) -> (i32, i32) {
    %c0_i32 = arith.constant 0 : i32
    %c0_i32_0 = arith.constant 0 : i32
    %c0_i32_1 = arith.constant 0 : i32
    return %c0_i32, %c0_i32_0 : i32, i32
  }
  func.func @transform_6(%arg0: i32) -> (i32, i32) {
    %c0_i32 = arith.constant 0 : i32
    %c0_i32_0 = arith.constant 0 : i32
    return %arg0, %c0_i32 : i32, i32
  }
}

</mosaic_0001>

<sc_bundles>
// kernel: kernel.12.cloned.1.call-start
scs
__scs_entry_jumppad:
0x0: {  	(pc) =	sbr.rel $0x88, $3  }
0x1: {  	(tag) =	ssettag $0x0;
	lr =	simm.s32 $0x1  }
0x2: {  	[smem:$0x3F99] =	sst lr;
	_ =	strace $0xD0000000  }
0x3: {  	_ = 	snop  }
0x4: {  	_ = 	snop  }
0x5: {  	_ = 	snop  }
0x6: {  	_ = 	snop  }
0x7: {  	_ = 	snop  }
__scs_overlays_trampoline_lowered:
0x8: {  	[smem:$0x3FA8] =	sst s0  }
0x9: {  	[smem:$0x3FA9] =	sst s1  }
0xa: {  	[smem:$0x3FAA] =	sst s2  }
0xb: {  	[smem:$0x3FAB] =	sst s3  }
0xc: {  	[smem:$0x3FAC] =	sst s4  }
0xd: {  	[smem:$0x3FAD] =	sst s5  }
0xe: {  	[smem:$0x3FAE] =	sst s6  }
0xf: {  	[smem:$0x3FAF] =	sst s7  }
0x10: {  	[smem:$0x3FB0] =	sst s8  }
0x11: {  	[smem:$0x3FB1] =	sst s9;
	s0 =	simm.s32 @!p0 $0x0  }
0x12: {  	s1 =	sld [smem:$0x3F97];
	s0 =	simm.s32 @p0 $0x1  }
0x13: {  	[smem:$0x3FB2] =	sst s0;
	s0 =	simm.s32 @!p1 $0x0  }
0x14: {  	s2 =	sld [smem:$0x3F96];
	s0 =	simm.s32 @p1 $0x1  }
0x15: {  	[smem:$0x3FB3] =	sst s0;
	s0 =	simm.s32 @!p2 $0x0  }
0x16: {  	s3 =	sld [smem:$0x3FDB];
	s0 =	simm.s32 @p2 $0x1  }
0x17: {  	s4 =	simm.s32 $0x1BF5;
	[smem:$0x3FB5] =	sst s0  }
0x18: {  	s0 =	sld [smem:$0x3F98];
	_ =	swait.ge [sflag:s4], $0x0  }
0x19: {  	s7 =	sld [smem:$0x3F99]  }
0x1a: {  	s8 =	sadd.s32 $0xFFFFE003, lr  }
0x1b: {  	s9 =	sadd.s32 $0xFFFFFEF7, lr;
	s5 =	simm.s32 $0xFFFFFFFF;
	p2 =	slt.u32 s8, $0xFFFFF086  }
0x1c: {  	p1 =	slt.u32 s9, $0xF7A;
	s5 =	simm.s32 @!p2 $0x0  }
0x1d: {  	s5 =	simm.s32 @p1 $0x1;
	p0 =	seq.s32 s7, s2  }
0x1e: {  	s7 =	smul.u32 @!p0 $0xF7A, s2;
	p2 =	seq.s32 @!p0 s5, $0x0  }
0x1f: {  	s9 =	smul.u32 $0xF7A, s1;
	s8 =	simm.s32 @!p0 $0x1BF5;
	p2 =	por !p2, p0  }
0x20: {  	[sflag:s8] =	ssyncset.s32 @!p0 $0xFFFFF086;
	s6 =	sadd.s32 @!p0 s3, s7;
	s7 =	simm.s32 @!p0 $0x108  }
0x21: {  	s3 =	sadd.s32 s3, s9;
	s6 =	sadd.s32 @!p0 $0x88, s6;
	s7 =	simm.s32 @p2 $0x1082  }
0x22: {  	[simem:s7], [sflag:s8] =	dma.local @!p0 [hbm:s6], $0xF7A  }
0x23: {  	s9 =	sor.u32 $0xD0000000, s2;
	s6 =	simm.s32 $0x108;
	_ =	swait.ge @!p0 [sflag:s8], $0x0  }
0x24: {  	s3 =	sadd.s32 $0x88, s3;
	s6 =	simm.s32 @!p1 $0x1082;
	[sflag:s4] =	ssyncset.s32 $0xFFFFF086  }
0x25: {  	[simem:s6], [sflag:s4] =	dma.local [hbm:s3], $0xF7A  }
0x26: {  	[smem:$0x3F99] =	sst s1;
	(tag) =	ssettag s2;
	_ =	strace s9  }
0x27: {  	s1 =	sld [smem:$0x3FA9]  }
0x28: {  	s2 =	sld [smem:$0x3FAA]  }
0x29: {  	s4 =	sld [smem:$0x3FAC]  }
0x2a: {  	p0 =	seq.s32 s5, $0x0;
	s5 =	sld [smem:$0x3FAD]  }
0x2b: {  	s6 =	sld [smem:$0x3FAE]  }
0x2c: {  	s7 =	sld [smem:$0x3FAF]  }
0x2d: {  	s3 =	simm.s32 $0x108;
	s8 =	sld [smem:$0x3FB0]  }
0x2e: {  	s3 =	simm.s32 @!p0 $0x1082;
	s9 =	sld [smem:$0x3FB1]  }
0x2f: {  	lr =	sadd.s32 s0, s3;
	s0 =	sld [smem:$0x3FA8]  }
0x30: {  	s3 =	sld [smem:$0x3FAB]  }
0x31: {  	[smem:$0x3FB4] =	sst s10  }
0x32: {  	s10 =	sld [smem:$0x3FB2];
	_ =	sdelay $0x3  }
0x33: {  	p0 =	seq.s32 s10, $0x1;
	s10 =	sld [smem:$0x3FB4];
	_ =	sdelay $0x3  }
0x34: {  	[smem:$0x3FB4] =	sst s10  }
0x35: {  	s10 =	sld [smem:$0x3FB3];
	_ =	sdelay $0x3  }
0x36: {  	p1 =	seq.s32 s10, $0x1;
	s10 =	sld [smem:$0x3FB4];
	_ =	sdelay $0x3  }
0x37: {  	[smem:$0x3FB4] =	sst s10  }
0x38: {  	s10 =	sld [smem:$0x3FB5]  }
0x39: {  	_ = 	snop;
	(pc) =	sbr.ind lr, $3  }
0x3a: {  	_ = 	snop  }
0x3b: {  	_ = 	snop  }
0x3c: {  	p2 =	seq.s32 s10, $0x1;
	s10 =	sld [smem:$0x3FB4]  }
0x3d: {  	_ =	shalt  }
0x3e: {  	_ =	shalt  }
0x3f: {  	_ =	shalt  }
0x40: {  	_ =	shalt  }
0x41: {  	_ =	shalt  }
0x42: {  	_ =	shalt  }
0x43: {  	_ =	shalt  }
0x44: {  	_ =	shalt  }
0x45: {  	_ =	shalt  }
0x46: {  	_ =	shalt  }
0x47: {  	_ =	shalt  }
0x48: {  	_ =	shalt  }
0x49: {  	_ =	shalt  }
0x4a: {  	_ =	shalt  }
0x4b: {  	_ =	shalt  }
0x4c: {  	_ =	shalt  }
0x4d: {  	_ =	shalt  }
0x4e: {  	_ =	shalt  }
0x4f: {  	_ =	shalt  }
0x50: {  	_ =	shalt  }
0x51: {  	_ =	shalt  }
0x52: {  	_ =	shalt  }
0x53: {  	_ =	shalt  }
0x54: {  	_ =	shalt  }
0x55: {  	_ =	shalt  }
0x56: {  	_ =	shalt  }
0x57: {  	_ =	shalt  }
0x58: {  	_ =	shalt  }
0x59: {  	_ =	shalt  }
0x5a: {  	_ =	shalt  }
0x5b: {  	_ =	shalt  }
0x5c: {  	_ =	shalt  }
0x5d: {  	_ =	shalt  }
0x5e: {  	_ =	shalt  }
0x5f: {  	_ =	shalt  }
0x60: {  	_ =	shalt  }
0x61: {  	_ =	shalt  }
0x62: {  	_ =	shalt  }
0x63: {  	_ =	shalt  }
0x64: {  	_ =	shalt  }
0x65: {  	_ =	shalt  }
0x66: {  	_ =	shalt  }
0x67: {  	_ =	shalt  }
0x68: {  	_ =	shalt  }
0x69: {  	_ =	shalt  }
0x6a: {  	_ =	shalt  }
0x6b: {  	_ =	shalt  }
0x6c: {  	_ =	shalt  }
0x6d: {  	_ =	shalt  }
0x6e: {  	_ =	shalt  }
0x6f: {  	_ =	shalt  }
0x70: {  	_ =	shalt  }
0x71: {  	_ =	shalt  }
0x72: {  	_ =	shalt  }
0x73: {  	_ =	shalt  }
0x74: {  	_ =	shalt  }
0x75: {  	_ =	shalt  }
0x76: {  	_ =	shalt  }
0x77: {  	_ =	shalt  }
0x78: {  	_ =	shalt  }
0x79: {  	_ =	shalt  }
0x7a: {  	_ =	shalt  }
0x7b: {  	_ =	shalt  }
0x7c: {  	_ =	shalt  }
0x7d: {  	_ =	shalt  }
0x7e: {  	_ =	shalt  }
0x7f: {  	_ =	shalt  }
0x80: {  	_ =	shalt  }
0x81: {  	_ =	shalt  }
0x82: {  	_ =	shalt  }
0x83: {  	_ =	shalt  }
0x84: {  	_ =	shalt  }
0x85: {  	_ =	shalt  }
0x86: {  	_ =	shalt  }
0x87: {  	_ =	shalt  }
.Lfunc_end0:
.L_simem_size_0:
called_computation.1_lowered:
.L_overlay_start_0:
0x88: {  	s2 =	sld [smem:$0x3FD9]  }
0x89: {  	s3 =	sld [smem:$0x3FFE];
	_ =	sdelay $0x1  }
0x8a: {  	s1 =	srdreg.scid  }
0x8b: {  	s0 =	sand.u32 $0x1, s1  }
0x8c: {  	s17 =	sshll.u32 s0, $0xA;
	s2 =	sadd.s32 s3, s2  }
0x8d: {  	s2 =	sadd.s32 s2, s17  }
0x8e: {  	[smem:$0x3FC0] =	sst s2  }
0x8f: {  	_ = 	snop  }
0x90: {  	s2 =	sld [smem:$0x3FD0];
	(tm) =	ssettm $0x1  }
0x91: {  	s18 =	sld [smem:$0x3FFB];
	_ =	sdelay $0x3  }
0x92: {  	_ =	strace s18  }
0x93: {  	s3 =	sld [smem:$0x3FFC];
	_ =	sdelay $0x3  }
0x94: {  	_ =	strace s3  }
0x95: {  	s3 =	sld [smem:$0x3FFD];
	_ =	sdelay $0x3  }
0x96: {  	_ =	strace s3  }
0x97: {  	_ =	strace $0x8FFFFFFF  }
0x98: {  	s19 =	sld [smem:$0x3FDB];
	_ =	sdelay $0x1  }
0x99: {  	s4 =	simm.s32 $_scs_section_size  }
0x9a: {  	s5 =	simm.s32 $_size__tile_overlayer_lowered;
	s6 =	simm.s32 $_tile_overlayer_lowered  }
0x9b: {  	s22 =	simm.s32 $0x1BFF;
	s21 =	sshll.u32 s6, $0x1;
	s3 =	sadd.s32 s4, s19  }
0x9c: {  	s7 =	simm.s32 $0x0;
	s20 =	sshll.u32 s5, $0x1;
	s5 =	sadd.s32 s21, s3  }
0x9d: {  	[timem:s7], [sflag:s22] =	dma.local [hbm:s5], s20  }
0x9e: {  	_ =	swait.ge [sflag:s22], s20  }
0x9f: {  	s4 =	ssub.s32 $0x0, s20;
	[sflag:s22] =	ssyncset.done $0x0  }
0xa0: {  	[sflag:s22] =	ssyncadd.s32 s4;
	_ =	sdelay $0x1  }
0xa1: {  	s23 =	simm.s32 $0x1B8B  }
0xa2: {  	_ =	swait.ge [sflag:s23], $0x1  }
0xa3: {  	[sflag:s23] =	ssyncset.done $0x0  }
0xa4: {  	s25 =	simm.s32 $0x1B8E;
	s24 =	sld [smem:$0x3FFE];
	[sflag:s23] =	ssyncadd.s32 $0xFFFFFFFF  }
0xa5: {  	s26 =	simm.s32 $execute0_lowered;
	[smem:$0x3FD2] =	sst s25  }
0xa6: {  	s5 =	sshll.u32 s26, $0x1;
	_ =	strace $0x80000046;
	[dreg:$0x1] =	wrdreg $0xFFFFFFFF  }
0xa7: {  	s28 =	simm.s32 $_size_execute0_lowered;
	s3 =	sadd.s32 s3, s5;
	[dreg:$0x0] =	wrdreg $0x0  }
0xa8: {  	s5 =	sshll.u32 s28, $0x1;
	[dreg:$0x2] =	wrdreg s3  }
0xa9: {  	[dreg:$0x3] =	wrdreg s5  }
0xaa: {  	[dreg:$0x4] =	wrdreg $0xC0  }
0xab: {  	_ =	task [dreg:s7], $0x5FFFF  }
0xac: {  	[dreg:$0x1] =	wrdreg $0xFFFFFFFF  }
0xad: {  	[dreg:$0x0] =	wrdreg $0x60  }
0xae: {  	[dreg:$0x2] =	wrdreg s24  }
0xaf: {  	[dreg:$0x3] =	wrdreg s2  }
0xb0: {  	[dreg:$0x4] =	wrdreg $0x91000  }
0xb1: {  	[dreg:$0x5] =	wrdreg $0xA  }
0xb2: {  	_ =	task.clear_ibuf [dreg:s7], $0x6FFFF;
	_ =	strace $0x90000046  }
0xb3: {  	s29 =	simm.s32 $0xA;
	_ =	strace $0x80000048  }
0xb4: {  	_ =	swait.ge [sflag:s29], $0x1  }
0xb5: {  	[sflag:s29] =	ssyncadd.s32 $0xFFFFFFFF  }
0xb6: {  	_ =	strace $0x90000048  }
0xb7: {  	_ =	sfence  }
0xb8: {  	s30 =	sld [smem:$0x0];
	_ =	sdelay $0x2  }
0xb9: {  	s31 =	sshll.u32 s1, $0xD;
	s1 =	sshrl.u32 s1, $0x2  }
0xba: {  	s3 =	sand.u32 $0x4000, s31;
	s1 =	sadd.s32 s1, s30  }
0xbb: {  	s0 =	sor.u32 s3, s0;
	s1 =	sshll.u32 s1, $0x11  }
0xbc: {  	s0 =	sor.u32 s1, s0  }
0xbd: {  	s0 =	sadd.s32 $0x8F2B, s0  }
0xbe: {  	[sflag:s0] =	ssyncadd.remote.s32 $0x1  }
0xbf: {  	_ =	sfence.sel $0xFFFF  }
0xc0: {  	[dreg:$0x0] =	wrdreg $0xFFFFFFFF;
	(pc) =	sbr.abs _section_cstart, $3  }
0xc1: {  	[dreg:$0x1] =	wrdreg $0xFFFFFFFF  }
0xc2: {  	_ =	task.clear_ibuf [dreg:s7], $0x2FFFF;
	_ =	strace $0x9FFFFFFF  }
0xc3: {  	(tm) =	ssettm $0x7FFFFFFF  }
tec
execute0_lowered:
.L_overlay_start_1:
0x0: {  	(tag) =	ssettag $0x1  }
0x1: {  	s7 =	rddreg [dreg:$0x0]  }
0x2: {  	s1 =	rddreg [dreg:$0x1]  }
0x3: {  	s2 =	rddreg [dreg:$0x2]  }
0x4: {  	s3 =	srdreg.scid;
	s0 =	rddreg [dreg:$0x3];
	s4 =	simm.s32 $0x0  }
0x5: {  	s14 =	simm.s32 $0x800;
	s15 =	simm.s32 $0x40;
	s16 =	simm.s32 $0x1100  }
0x6: {  	s17 =	simm.s32 $0x3100;
	s18 =	simm.s32 $0x1;
	s19 =	simm.s32 $0x5100  }
0x7: {  	s20 =	simm.s32 $0x7100;
	s21 =	simm.s32 $0x80;
	s22 =	simm.s32 $0x1000  }
0x8: {  	s23 =	simm.s32 $0x2;
	s24 =	simm.s32 $0x1080;
	s25 =	simm.s32 $0x780  }
0x9: {  	s26 =	simm.s32 $0x7C0;
	s8 =	sand.u32 $0x1, s3;
	s3 =	stileid.u32  }
0xa: {  	[smem:$0x7FF] =	sst s4;
	s6 =	sadd.s32 $0x2BE00, s7;
	s5 =	sshll.u32 s8, $0x4  }
0xb: {  	s9 =	smul.u32 $0x2780, s3;
	_ =	strace $0x80000047;
	s8 =	ssub.s32 $0x2, s8  }
0xc: {  	s12 =	smul.u32 $0x4F000, s3;
	s31 =	sshll.u32 s3, $0x6;
	s10 =	sor.u32 s3, s5  }
0xd: {  	s5 =	sadd.s32 $0x4600, s7;
	s29 =	sshrl.u32 s8, $0x1;
	s11 =	smul.u32 $0x2780, s10  }
0xe: {  	s9 =	sadd.s32 s9, s7;
	s13 =	ssub.s32 s8, s29;
	s30 =	sshrl.u32 s12, $0x2  }
0xf: {  	s8 =	sor.u32 $0x1C03, s31;
	s12 =	sadd.s32 s30, s2;
	s11 =	sadd.s32 s11, s7  }
0x10: {  	s7 =	sadd.s32 $0x35E00, s9;
	s9 =	smul.u32 $0x2800, s10;
	s12 =	sshrl.u32 s12, $0x3  }
0x11: {  	s10 =	sadd.s32 $0x5D600, s11;
	s11 =	smax.u32 s13, $0x1;
	s13 =	simm.s32 $0x3  }
.LBB2_1:
0x12: {  	[spmem:s12], [sflag:s8] =	dma.local [hbm:s7], $0x2780  }
0x13: {  	_ =	swait.ge [sflag:s13], $0x2780  }
0x14: {  	[sflag:s13] =	ssyncset.done $0x0  }
0x15: {  	[sflag:s13] =	ssyncadd.s32 $0xFFFFD880  }
0x16: {  	s28 =	simm.s32 $0x0;
	[bflag:$0x0] =	sbarrier.arrive $0xFFFF  }
.LBB2_2:
0x17: {  	s29 =	sshll.u32 s28, $0xB  }
0x18: {  	s29 =	sadd.s32 s9, s29  }
0x19: {  	s29 =	sshrl.u32 s29, $0x3  }
0x1a: {  	s31 =	simm.s32 $0x0;
	s30 =	sadd.s32 s1, s29  }
0x1b: {  	[tilespmem:s31], [sflag:$0x3] =	stream.linear.gather [hbm4b:s30+s31], $0x800, $0x38;
	[tilespmem:$0x1CD00] =	vst v63  }
0x1c: {  	_ =	swait.ge [sflag:s13], $0x800  }
0x1d: {  	[sflag:s13] =	ssyncset.done $0x0  }
0x1e: {  	s29 =	sadd.s32 s6, s29;
	[sflag:s13] =	ssyncadd.s32 $0xFFFFF800  }
0x1f: {  	[tilespmem:s14], [sflag:$0x3] =	stream.linear.gather [hbm4b:s29+s31], $0x800, $0x38;
	[tilespmem:$0x1CD00] =	vst v63  }
0x20: {  	_ =	swait.ge [sflag:s13], $0x800  }
0x21: {  	[sflag:s13] =	ssyncset.done $0x0  }
0x22: {  	[sflag:s13] =	ssyncadd.s32 $0xFFFFF800  }
0x23: {  	[tilespmem:s16], [sflag:$0x1] =	stream.indirect.gather [hbm4b:s5+s15], $0x80, s31, s15, $0xb8;
	[tilespmem:$0x1CD00] =	vst v63  }
0x24: {  	_ = 	snop  }
0x25: {  	[tilespmem:s17], [sflag:$0x1] =	stream.indirect.gather [hbm4b:s5+s15], $0x80, s15, s15, $0xb8;
	[tilespmem:$0x1CD00] =	vst v63  }
0x26: {  	_ =	swait.ge [sflag:s18], $0x4000  }
0x27: {  	[sflag:s18] =	ssyncset.done $0x0  }
0x28: {  	s29 =	simm.s32 $0x80;
	[sflag:s18] =	ssyncadd.s32 $0xFFFFC000  }
0x29: {  	[tilespmem:s19], [sflag:$0x2] =	stream.indirect.gather [hbm4b:s5+s15], $0x80, s29, s15, $0xb8;
	[tilespmem:$0x1CD00] =	vst v63  }
0x2a: {  	s31 =	simm.s32 $0xC0;
	s29 =	simm.s32 $0x0  }
0x2b: {  	[tilespmem:s20], [sflag:$0x2] =	stream.indirect.gather [hbm4b:s5+s15], $0x80, s31, s15, $0xb8;
	[tilespmem:$0x1CD00] =	vst v63  }
0x2c: {  	v0 =	vld [tilespmem:s29+$0x800];
	_ =	sdelay $0x4  }
0x2d: {  	[tilespmem:$0x1000] =	vst v0  }
0x2e: {  	v0 =	vld [tilespmem:s29+$0x810];
	_ =	sdelay $0x4  }
0x2f: {  	[tilespmem:$0x1010] =	vst v0  }
0x30: {  	v0 =	vld [tilespmem:s29+$0x820];
	_ =	sdelay $0x4  }
0x31: {  	[tilespmem:$0x1020] =	vst v0  }
0x32: {  	v0 =	vld [tilespmem:s29+$0x830];
	_ =	sdelay $0x4  }
0x33: {  	[tilespmem:$0x1030] =	vst v0  }
0x34: {  	v0 =	vld [tilespmem:s29+$0x840];
	_ =	sdelay $0x4  }
0x35: {  	[tilespmem:$0x1040] =	vst v0  }
0x36: {  	v0 =	vld [tilespmem:s29+$0x850];
	_ =	sdelay $0x4  }
0x37: {  	[tilespmem:$0x1050] =	vst v0  }
0x38: {  	v0 =	vld [tilespmem:s29+$0x860];
	_ =	sdelay $0x4  }
0x39: {  	[tilespmem:$0x1060] =	vst v0  }
0x3a: {  	v0 =	vld [tilespmem:s29+$0x870];
	_ =	sdelay $0x4  }
0x3b: {  	[tilespmem:$0x1070] =	vst v0  }
0x3c: {  	[spmem:s2] =	stream.indirect.scatter.add.f32 [tilespmem:s16], [sflag:$0x3], $0x80, s22, s21, $0xb8;
	[tilespmem:$0x1CD00] =	vst v63  }
0x3d: {  	_ =	swait.ge [sflag:s13], $0x4000  }
0x3e: {  	[sflag:s13] =	ssyncset.done $0x0  }
0x3f: {  	[sflag:s13] =	ssyncadd.s32 $0xFFFFC000  }
0x40: {  	_ =	swait.ge [sflag:s23], $0x4000  }
0x41: {  	[sflag:s23] =	ssyncset.done $0x0  }
0x42: {  	s31 =	simm.s32 $0x100;
	[sflag:s23] =	ssyncadd.s32 $0xFFFFC000  }
0x43: {  	[tilespmem:s16], [sflag:$0x1] =	stream.indirect.gather [hbm4b:s5+s15], $0x80, s31, s15, $0xb8;
	[tilespmem:$0x1CD00] =	vst v63  }
0x44: {  	s31 =	simm.s32 $0x140  }
0x45: {  	[tilespmem:s17], [sflag:$0x1] =	stream.indirect.gather [hbm4b:s5+s15], $0x80, s31, s15, $0xb8;
	[tilespmem:$0x1CD00] =	vst v63  }
0x46: {  	v63 =	vld [tilespmem:s29+$0x880];
	_ =	sdelay $0x4  }
0x47: {  	[tilespmem:$0x1080] =	vst v63  }
0x48: {  	v0 =	vld [tilespmem:s29+$0x890];
	_ =	sdelay $0x4  }
0x49: {  	[tilespmem:$0x1090] =	vst v0  }
0x4a: {  	v0 =	vld [tilespmem:s29+$0x8A0];
	_ =	sdelay $0x4  }
0x4b: {  	[tilespmem:$0x10A0] =	vst v0  }
0x4c: {  	v0 =	vld [tilespmem:s29+$0x8B0];
	_ =	sdelay $0x4  }
0x4d: {  	[tilespmem:$0x10B0] =	vst v0  }
0x4e: {  	v0 =	vld [tilespmem:s29+$0x8C0];
	_ =	sdelay $0x4  }
0x4f: {  	[tilespmem:$0x10C0] =	vst v0  }
0x50: {  	v0 =	vld [tilespmem:s29+$0x8D0];
	_ =	sdelay $0x4  }
0x51: {  	[tilespmem:$0x10D0] =	vst v0  }
0x52: {  	v0 =	vld [tilespmem:s29+$0x8E0];
	_ =	sdelay $0x4  }
0x53: {  	[tilespmem:$0x10E0] =	vst v0  }
0x54: {  	v0 =	vld [tilespmem:s29+$0x8F0];
	_ =	sdelay $0x4  }
0x55: {  	[tilespmem:$0x10F0] =	vst v0  }
0x56: {  	[spmem:s2] =	stream.indirect.scatter.add.f32 [tilespmem:s19], [sflag:$0x3], $0x80, s24, s21, $0xb8;
	[tilespmem:$0x1CD00] =	vst v63  }
0x57: {  	_ =	swait.ge [sflag:s13], $0x4000  }
0x58: {  	s29 =	simm.s32 $0x400;
	[sflag:s13] =	ssyncset.done $0x0  }
.LBB2_3:
0x59: {  	p0 =	sne.s32 s29, $0x1800  }
0x5a: {  	[sflag:s13] =	ssyncadd.s32 $0xFFFFC000;
	s30 =	smov.u32 s29;
	s29 =	sadd.s32 $0x400, s29  }
0x5b: {  	_ =	swait.ge [sflag:s18], $0x4000  }
0x5c: {  	s30 =	sshra.s32 s30, $0x2;
	[sflag:s18] =	ssyncset.done $0x0  }
0x5d: {  	s31 =	sadd.s32 $0x80, s30;
	[sflag:s18] =	ssyncadd.s32 $0xFFFFC000  }
0x5e: {  	[tilespmem:s19], [sflag:$0x2] =	stream.indirect.gather [hbm4b:s5+s15], $0x80, s31, s15, $0xb8;
	[tilespmem:$0x1CD00] =	vst v63  }
0x5f: {  	s31 =	sadd.s32 $0xC0, s30  }
0x60: {  	[tilespmem:s20], [sflag:$0x2] =	stream.indirect.gather [hbm4b:s5+s15], $0x80, s31, s15, $0xb8;
	[tilespmem:$0x1CD00] =	vst v63  }
0x61: {  	v0 =	vld [tilespmem:s30+$0x800];
	_ =	sdelay $0x4  }
0x62: {  	[tilespmem:$0x1000] =	vst v0  }
0x63: {  	v0 =	vld [tilespmem:s30+$0x810];
	_ =	sdelay $0x4  }
0x64: {  	[tilespmem:$0x1010] =	vst v0  }
0x65: {  	v0 =	vld [tilespmem:s30+$0x820];
	_ =	sdelay $0x4  }
0x66: {  	[tilespmem:$0x1020] =	vst v0  }
0x67: {  	v0 =	vld [tilespmem:s30+$0x830];
	_ =	sdelay $0x4  }
0x68: {  	[tilespmem:$0x1030] =	vst v0  }
0x69: {  	v0 =	vld [tilespmem:s30+$0x840];
	_ =	sdelay $0x4  }
0x6a: {  	[tilespmem:$0x1040] =	vst v0  }
0x6b: {  	v0 =	vld [tilespmem:s30+$0x850];
	_ =	sdelay $0x4  }
0x6c: {  	[tilespmem:$0x1050] =	vst v0  }
0x6d: {  	v0 =	vld [tilespmem:s30+$0x860];
	_ =	sdelay $0x4  }
0x6e: {  	[tilespmem:$0x1060] =	vst v0  }
0x6f: {  	v0 =	vld [tilespmem:s30+$0x870];
	_ =	sdelay $0x4  }
0x70: {  	[tilespmem:$0x1070] =	vst v0  }
0x71: {  	[spmem:s2] =	stream.indirect.scatter.add.f32 [tilespmem:s16], [sflag:$0x3], $0x80, s22, s21, $0xb8;
	[tilespmem:$0x1CD00] =	vst v63  }
0x72: {  	_ =	swait.ge [sflag:s13], $0x4000  }
0x73: {  	[sflag:s13] =	ssyncset.done $0x0  }
0x74: {  	[sflag:s13] =	ssyncadd.s32 $0xFFFFC000  }
0x75: {  	_ =	swait.ge [sflag:s23], $0x4000  }
0x76: {  	[sflag:s23] =	ssyncset.done $0x0  }
0x77: {  	s31 =	sadd.s32 $0x100, s30;
	[sflag:s23] =	ssyncadd.s32 $0xFFFFC000  }
0x78: {  	[tilespmem:s16], [sflag:$0x1] =	stream.indirect.gather [hbm4b:s5+s15], $0x80, s31, s15, $0xb8;
	[tilespmem:$0x1CD00] =	vst v63  }
0x79: {  	s31 =	sadd.s32 $0x140, s30  }
0x7a: {  	[tilespmem:s17], [sflag:$0x1] =	stream.indirect.gather [hbm4b:s5+s15], $0x80, s31, s15, $0xb8;
	[tilespmem:$0x1CD00] =	vst v63  }
0x7b: {  	v0 =	vld [tilespmem:s30+$0x880];
	_ =	sdelay $0x4  }
0x7c: {  	[tilespmem:$0x1080] =	vst v0  }
0x7d: {  	v0 =	vld [tilespmem:s30+$0x890];
	_ =	sdelay $0x4  }
0x7e: {  	[tilespmem:$0x1090] =	vst v0  }
0x7f: {  	v0 =	vld [tilespmem:s30+$0x8A0];
	_ =	sdelay $0x4  }
0x80: {  	[tilespmem:$0x10A0] =	vst v0  }
0x81: {  	v0 =	vld [tilespmem:s30+$0x8B0];
	_ =	sdelay $0x4  }
0x82: {  	[tilespmem:$0x10B0] =	vst v0  }
0x83: {  	v0 =	vld [tilespmem:s30+$0x8C0];
	_ =	sdelay $0x4  }
0x84: {  	[tilespmem:$0x10C0] =	vst v0  }
0x85: {  	v0 =	vld [tilespmem:s30+$0x8D0];
	_ =	sdelay $0x4  }
0x86: {  	[tilespmem:$0x10D0] =	vst v0  }
0x87: {  	v0 =	vld [tilespmem:s30+$0x8E0];
	_ =	sdelay $0x4  }
0x88: {  	[tilespmem:$0x10E0] =	vst v0  }
0x89: {  	v0 =	vld [tilespmem:s30+$0x8F0];
	_ =	sdelay $0x3  }
.Ltmp0:
0x8a: {  	(pc) =	sbr.rel @p0 .LBB2_3-.Ltmp0, $4  }
0x8b: {  	[tilespmem:$0x10F0] =	vst v0  }
0x8c: {  	[spmem:s2] =	stream.indirect.scatter.add.f32 [tilespmem:s19], [sflag:$0x3], $0x80, s24, s21, $0xb8;
	[tilespmem:$0x1CD00] =	vst v63  }
0x8d: {  	_ =	swait.ge [sflag:s13], $0x4000  }
0x8e: {  	[sflag:s13] =	ssyncset.done $0x0  }
0x8f: {  	[sflag:s13] =	ssyncadd.s32 $0xFFFFC000  }
0x90: {  	_ =	swait.ge [sflag:s18], $0x4000  }
0x91: {  	[sflag:s18] =	ssyncset.done $0x0  }
0x92: {  	[sflag:s18] =	ssyncadd.s32 $0xFFFFC000  }
0x93: {  	[tilespmem:s19], [sflag:$0x2] =	stream.indirect.gather [hbm4b:s5+s15], $0x80, s25, s15, $0xb8;
	[tilespmem:$0x1CD00] =	vst v63  }
0x94: {  	_ = 	snop  }
0x95: {  	[tilespmem:s20], [sflag:$0x2] =	stream.indirect.gather [hbm4b:s5+s15], $0x80, s26, s15, $0xb8;
	[tilespmem:$0x1CD00] =	vst v63  }
0x96: {  	v0 =	vld [tilespmem:$0xF00]  }
0x97: {  	v1 =	vld [tilespmem:$0xF10]  }
0x98: {  	v2 =	vld [tilespmem:$0xF20]  }
0x99: {  	v3 =	vld [tilespmem:$0xF30]  }
0x9a: {  	v4 =	vld [tilespmem:$0xF40]  }
0x9b: {  	v53 =	vld [tilespmem:$0xF50];
	[tilespmem:$0x1000] =	vst v0  }
0x9c: {  	v54 =	vld [tilespmem:$0xF60];
	[tilespmem:$0x1010] =	vst v1  }
0x9d: {  	v55 =	vld [tilespmem:$0xF70];
	[tilespmem:$0x1020] =	vst v2  }
0x9e: {  	[tilespmem:$0x1030] =	vst v3  }
0x9f: {  	[tilespmem:$0x1040] =	vst v4  }
0xa0: {  	[tilespmem:$0x1050] =	vst v53  }
0xa1: {  	[tilespmem:$0x1060] =	vst v54  }
0xa2: {  	[tilespmem:$0x1070] =	vst v55  }
0xa3: {  	[spmem:s2] =	stream.indirect.scatter.add.f32 [tilespmem:s16], [sflag:$0x3], $0x80, s22, s21, $0xb8;
	[tilespmem:$0x1CD00] =	vst v63  }
0xa4: {  	_ =	swait.ge [sflag:s13], $0x4000  }
0xa5: {  	[sflag:s13] =	ssyncset.done $0x0  }
0xa6: {  	[sflag:s13] =	ssyncadd.s32 $0xFFFFC000  }
0xa7: {  	_ =	swait.ge [sflag:s23], $0x4000  }
0xa8: {  	[sflag:s23] =	ssyncset.done $0x0  }
0xa9: {  	[sflag:s23] =	ssyncadd.s32 $0xFFFFC000  }
0xaa: {  	v56 =	vld [tilespmem:$0xF80]  }
0xab: {  	v57 =	vld [tilespmem:$0xF90]  }
0xac: {  	v58 =	vld [tilespmem:$0xFA0]  }
0xad: {  	v59 =	vld [tilespmem:$0xFB0]  }
0xae: {  	v60 =	vld [tilespmem:$0xFC0]  }
0xaf: {  	v61 =	vld [tilespmem:$0xFD0];
	[tilespmem:$0x1080] =	vst v56  }
0xb0: {  	v62 =	vld [tilespmem:$0xFE0];
	[tilespmem:$0x1090] =	vst v57  }
0xb1: {  	v63 =	vld [tilespmem:$0xFF0];
	[tilespmem:$0x10A0] =	vst v58  }
0xb2: {  	[tilespmem:$0x10B0] =	vst v59  }
0xb3: {  	[tilespmem:$0x10C0] =	vst v60  }
0xb4: {  	s28 =	sadd.s32 $0x1, s28;
	[tilespmem:$0x10D0] =	vst v61  }
0xb5: {  	p0 =	sne.s32 s28, $0x5;
	[tilespmem:$0x10E0] =	vst v62  }
.Ltmp1:
0xb6: {  	[tilespmem:$0x10F0] =	vst v63;
	(pc) =	sbr.rel @p0 .LBB2_2-.Ltmp1, $4  }
0xb7: {  	[spmem:s2] =	stream.indirect.scatter.add.f32 [tilespmem:s19], [sflag:$0x3], $0x80, s24, s21, $0xb8;
	[tilespmem:$0x1CD00] =	vst v63  }
0xb8: {  	_ =	swait.ge [sflag:s13], $0x4000  }
0xb9: {  	[sflag:s13] =	ssyncset.done $0x0  }
0xba: {  	[sflag:s13] =	ssyncadd.s32 $0xFFFFC000  }
0xbb: {  	s4 =	sadd.s32 $0x1, s4  }
0xbc: {  	p0 =	sne.s32 s4, s11  }
.Ltmp2:
0xbd: {  	[bflag:$0x0] =	sbarrier.arrive $0xFFFF;
	(pc) =	sbr.rel @p0 .LBB2_1-.Ltmp2, $4  }
0xbe: {  	[hbm:s10], [sflag:s8] =	dma.local [spmem:s12], $0x2780  }
0xbf: {  	_ =	swait.ge [sflag:s13], $0x2780  }
0xc0: {  	[sflag:s13] =	ssyncset.done $0x0  }
0xc1: {  	[sflag:s13] =	ssyncadd.s32 $0xFFFFD880  }
0xc2: {  	_ =	sfence.sel $0x180000  }
0xc3: {  	[bflag:$0x0] =	sbarrier.arrive $0xFFFF  }
0xc4: {  	p0 =	sne.s32 s3, $0x0;
	_ =	strace $0x90000047  }
0xc5: {  	s0 =	sadd.s32 @!p0 $0x100000, s0;
	[bflag:$0x2] =	sbarrier.arrive $0xFFFF  }
0xc6: {  	[sflag:s0] =	ssyncadd.tile.s32 @!p0 $0x1;
	_ =	shalt  }
.Lfunc_end2:
_tile_overlayer_lowered:
.L_overlay_start_2:
0xc7: {  	(tag) =	ssettag $0x2  }
0xc8: {  	s0 =	rddreg [dreg:$0x0];
	s2 =	stileid.u32  }
0xc9: {  	s1 =	rddreg [dreg:$0x1];
	p0 =	sne.s32 s2, $0x0  }
0xca: {  	s3 =	rddreg [dreg:$0x2];
	[bflag:$0x3] =	sbarrier.arrive $0xFFFF;
	s2 =	simm.s32 @!p0 $0x1C03  }
0xcb: {  	[timem:s3], [sflag:s2] =	dma.local @!p0 [hbm:s0], s1  }
0xcc: {  	s0 =	simm.s32 @!p0 $0x3  }
0xcd: {  	_ =	swait.ge @!p0 [sflag:s0], s1  }
0xce: {  	s1 =	ssub.s32 @!p0 $0x0, s1;
	[sflag:s0] =	ssyncset.done @!p0 $0x0  }
0xcf: {  	[sflag:s0] =	ssyncadd.s32 @!p0 s1  }
0xd0: {  	[bflag:$0x3] =	sbarrier.arrive $0xFFFF  }
0xd1: {  	_ =	shalt  }

// kernel: kernel.15.cloned.1.call-start
scs
__scs_entry_jumppad:
0x0: {  	(pc) =	sbr.rel $0x88, $3  }
0x1: {  	(tag) =	ssettag $0x0;
	lr =	simm.s32 $0x1  }
0x2: {  	[smem:$0x3F99] =	sst lr;
	_ =	strace $0xD0000000  }
0x3: {  	_ = 	snop  }
0x4: {  	_ = 	snop  }
0x5: {  	_ = 	snop  }
0x6: {  	_ = 	snop  }
0x7: {  	_ = 	snop  }
__scs_overlays_trampoline_lowered:
0x8: {  	[smem:$0x3FA8] =	sst s0  }
0x9: {  	[smem:$0x3FA9] =	sst s1  }
0xa: {  	[smem:$0x3FAA] =	sst s2  }
0xb: {  	[smem:$0x3FAB] =	sst s3  }
0xc: {  	[smem:$0x3FAC] =	sst s4  }
0xd: {  	[smem:$0x3FAD] =	sst s5  }
0xe: {  	[smem:$0x3FAE] =	sst s6  }
0xf: {  	[smem:$0x3FAF] =	sst s7  }
0x10: {  	[smem:$0x3FB0] =	sst s8  }
0x11: {  	[smem:$0x3FB1] =	sst s9;
	s0 =	simm.s32 @!p0 $0x0  }
0x12: {  	s1 =	sld [smem:$0x3F97];
	s0 =	simm.s32 @p0 $0x1  }
0x13: {  	[smem:$0x3FB2] =	sst s0;
	s0 =	simm.s32 @!p1 $0x0  }
0x14: {  	s2 =	sld [smem:$0x3F96];
	s0 =	simm.s32 @p1 $0x1  }
0x15: {  	[smem:$0x3FB3] =	sst s0;
	s0 =	simm.s32 @!p2 $0x0  }
0x16: {  	s3 =	sld [smem:$0x3FDB];
	s0 =	simm.s32 @p2 $0x1  }
0x17: {  	s4 =	simm.s32 $0x1BF5;
	[smem:$0x3FB5] =	sst s0  }
0x18: {  	s0 =	sld [smem:$0x3F98];
	_ =	swait.ge [sflag:s4], $0x0  }
0x19: {  	s7 =	sld [smem:$0x3F99]  }
0x1a: {  	s8 =	sadd.s32 $0xFFFFE003, lr  }
0x1b: {  	s9 =	sadd.s32 $0xFFFFFEF7, lr;
	s5 =	simm.s32 $0xFFFFFFFF;
	p2 =	slt.u32 s8, $0xFFFFF086  }
0x1c: {  	p1 =	slt.u32 s9, $0xF7A;
	s5 =	simm.s32 @!p2 $0x0  }
0x1d: {  	s5 =	simm.s32 @p1 $0x1;
	p0 =	seq.s32 s7, s2  }
0x1e: {  	s7 =	smul.u32 @!p0 $0xF7A, s2;
	p2 =	seq.s32 @!p0 s5, $0x0  }
0x1f: {  	s9 =	smul.u32 $0xF7A, s1;
	s8 =	simm.s32 @!p0 $0x1BF5;
	p2 =	por !p2, p0  }
0x20: {  	[sflag:s8] =	ssyncset.s32 @!p0 $0xFFFFF086;
	s6 =	sadd.s32 @!p0 s3, s7;
	s7 =	simm.s32 @!p0 $0x108  }
0x21: {  	s3 =	sadd.s32 s3, s9;
	s6 =	sadd.s32 @!p0 $0x88, s6;
	s7 =	simm.s32 @p2 $0x1082  }
0x22: {  	[simem:s7], [sflag:s8] =	dma.local @!p0 [hbm:s6], $0xF7A  }
0x23: {  	s9 =	sor.u32 $0xD0000000, s2;
	s6 =	simm.s32 $0x108;
	_ =	swait.ge @!p0 [sflag:s8], $0x0  }
0x24: {  	s3 =	sadd.s32 $0x88, s3;
	s6 =	simm.s32 @!p1 $0x1082;
	[sflag:s4] =	ssyncset.s32 $0xFFFFF086  }
0x25: {  	[simem:s6], [sflag:s4] =	dma.local [hbm:s3], $0xF7A  }
0x26: {  	[smem:$0x3F99] =	sst s1;
	(tag) =	ssettag s2;
	_ =	strace s9  }
0x27: {  	s1 =	sld [smem:$0x3FA9]  }
0x28: {  	s2 =	sld [smem:$0x3FAA]  }
0x29: {  	s4 =	sld [smem:$0x3FAC]  }
0x2a: {  	p0 =	seq.s32 s5, $0x0;
	s5 =	sld [smem:$0x3FAD]  }
0x2b: {  	s6 =	sld [smem:$0x3FAE]  }
0x2c: {  	s7 =	sld [smem:$0x3FAF]  }
0x2d: {  	s3 =	simm.s32 $0x108;
	s8 =	sld [smem:$0x3FB0]  }
0x2e: {  	s3 =	simm.s32 @!p0 $0x1082;
	s9 =	sld [smem:$0x3FB1]  }
0x2f: {  	lr =	sadd.s32 s0, s3;
	s0 =	sld [smem:$0x3FA8]  }
0x30: {  	s3 =	sld [smem:$0x3FAB]  }
0x31: {  	[smem:$0x3FB4] =	sst s10  }
0x32: {  	s10 =	sld [smem:$0x3FB2];
	_ =	sdelay $0x3  }
0x33: {  	p0 =	seq.s32 s10, $0x1;
	s10 =	sld [smem:$0x3FB4];
	_ =	sdelay $0x3  }
0x34: {  	[smem:$0x3FB4] =	sst s10  }
0x35: {  	s10 =	sld [smem:$0x3FB3];
	_ =	sdelay $0x3  }
0x36: {  	p1 =	seq.s32 s10, $0x1;
	s10 =	sld [smem:$0x3FB4];
	_ =	sdelay $0x3  }
0x37: {  	[smem:$0x3FB4] =	sst s10  }
0x38: {  	s10 =	sld [smem:$0x3FB5]  }
0x39: {  	_ = 	snop;
	(pc) =	sbr.ind lr, $3  }
0x3a: {  	_ = 	snop  }
0x3b: {  	_ = 	snop  }
0x3c: {  	p2 =	seq.s32 s10, $0x1;
	s10 =	sld [smem:$0x3FB4]  }
0x3d: {  	_ =	shalt  }
0x3e: {  	_ =	shalt  }
0x3f: {  	_ =	shalt  }
0x40: {  	_ =	shalt  }
0x41: {  	_ =	shalt  }
0x42: {  	_ =	shalt  }
0x43: {  	_ =	shalt  }
0x44: {  	_ =	shalt  }
0x45: {  	_ =	shalt  }
0x46: {  	_ =	shalt  }
0x47: {  	_ =	shalt  }
0x48: {  	_ =	shalt  }
0x49: {  	_ =	shalt  }
0x4a: {  	_ =	shalt  }
0x4b: {  	_ =	shalt  }
0x4c: {  	_ =	shalt  }
0x4d: {  	_ =	shalt  }
0x4e: {  	_ =	shalt  }
0x4f: {  	_ =	shalt  }
0x50: {  	_ =	shalt  }
0x51: {  	_ =	shalt  }
0x52: {  	_ =	shalt  }
0x53: {  	_ =	shalt  }
0x54: {  	_ =	shalt  }
0x55: {  	_ =	shalt  }
0x56: {  	_ =	shalt  }
0x57: {  	_ =	shalt  }
0x58: {  	_ =	shalt  }
0x59: {  	_ =	shalt  }
0x5a: {  	_ =	shalt  }
0x5b: {  	_ =	shalt  }
0x5c: {  	_ =	shalt  }
0x5d: {  	_ =	shalt  }
0x5e: {  	_ =	shalt  }
0x5f: {  	_ =	shalt  }
0x60: {  	_ =	shalt  }
0x61: {  	_ =	shalt  }
0x62: {  	_ =	shalt  }
0x63: {  	_ =	shalt  }
0x64: {  	_ =	shalt  }
0x65: {  	_ =	shalt  }
0x66: {  	_ =	shalt  }
0x67: {  	_ =	shalt  }
0x68: {  	_ =	shalt  }
0x69: {  	_ =	shalt  }
0x6a: {  	_ =	shalt  }
0x6b: {  	_ =	shalt  }
0x6c: {  	_ =	shalt  }
0x6d: {  	_ =	shalt  }
0x6e: {  	_ =	shalt  }
0x6f: {  	_ =	shalt  }
0x70: {  	_ =	shalt  }
0x71: {  	_ =	shalt  }
0x72: {  	_ =	shalt  }
0x73: {  	_ =	shalt  }
0x74: {  	_ =	shalt  }
0x75: {  	_ =	shalt  }
0x76: {  	_ =	shalt  }
0x77: {  	_ =	shalt  }
0x78: {  	_ =	shalt  }
0x79: {  	_ =	shalt  }
0x7a: {  	_ =	shalt  }
0x7b: {  	_ =	shalt  }
0x7c: {  	_ =	shalt  }
0x7d: {  	_ =	shalt  }
0x7e: {  	_ =	shalt  }
0x7f: {  	_ =	shalt  }
0x80: {  	_ =	shalt  }
0x81: {  	_ =	shalt  }
0x82: {  	_ =	shalt  }
0x83: {  	_ =	shalt  }
0x84: {  	_ =	shalt  }
0x85: {  	_ =	shalt  }
0x86: {  	_ =	shalt  }
0x87: {  	_ =	shalt  }
.Lfunc_end0:
.L_simem_size_0:
called_computation.2_lowered:
.L_overlay_start_0:
0x88: {  	s2 =	sld [smem:$0x3FD9]  }
0x89: {  	s3 =	sld [smem:$0x3FFE];
	_ =	sdelay $0x1  }
0x8a: {  	s1 =	srdreg.scid  }
0x8b: {  	s0 =	sand.u32 $0x1, s1  }
0x8c: {  	s17 =	sshll.u32 s0, $0xA;
	s2 =	sadd.s32 s3, s2  }
0x8d: {  	s2 =	sadd.s32 s2, s17  }
0x8e: {  	[smem:$0x3FC0] =	sst s2  }
0x8f: {  	_ = 	snop  }
0x90: {  	s2 =	sld [smem:$0x3FD0];
	(tm) =	ssettm $0x1  }
0x91: {  	s18 =	sld [smem:$0x3FFB];
	_ =	sdelay $0x3  }
0x92: {  	_ =	strace s18  }
0x93: {  	s3 =	sld [smem:$0x3FFC];
	_ =	sdelay $0x3  }
0x94: {  	_ =	strace s3  }
0x95: {  	s3 =	sld [smem:$0x3FFD];
	_ =	sdelay $0x3  }
0x96: {  	_ =	strace s3  }
0x97: {  	_ =	strace $0x8FFFFFFF  }
0x98: {  	s19 =	sld [smem:$0x3FDB];
	_ =	sdelay $0x1  }
0x99: {  	s4 =	simm.s32 $_scs_section_size  }
0x9a: {  	s5 =	simm.s32 $_size__tile_overlayer_lowered;
	s6 =	simm.s32 $_tile_overlayer_lowered  }
0x9b: {  	s22 =	simm.s32 $0x1BFF;
	s21 =	sshll.u32 s6, $0x1;
	s3 =	sadd.s32 s4, s19  }
0x9c: {  	s7 =	simm.s32 $0x0;
	s20 =	sshll.u32 s5, $0x1;
	s5 =	sadd.s32 s21, s3  }
0x9d: {  	[timem:s7], [sflag:s22] =	dma.local [hbm:s5], s20  }
0x9e: {  	_ =	swait.ge [sflag:s22], s20  }
0x9f: {  	s4 =	ssub.s32 $0x0, s20;
	[sflag:s22] =	ssyncset.done $0x0  }
0xa0: {  	[sflag:s22] =	ssyncadd.s32 s4;
	_ =	sdelay $0x1  }
0xa1: {  	s23 =	simm.s32 $0x1B8B  }
0xa2: {  	_ =	swait.ge [sflag:s23], $0x1  }
0xa3: {  	[sflag:s23] =	ssyncset.done $0x0  }
0xa4: {  	s25 =	simm.s32 $0x1B8E;
	s24 =	sld [smem:$0x3FFE];
	[sflag:s23] =	ssyncadd.s32 $0xFFFFFFFF  }
0xa5: {  	s26 =	simm.s32 $execute0_lowered;
	[smem:$0x3FD2] =	sst s25  }
0xa6: {  	s5 =	sshll.u32 s26, $0x1;
	_ =	strace $0x8000004C;
	[dreg:$0x1] =	wrdreg $0xFFFFFFFF  }
0xa7: {  	s28 =	simm.s32 $_size_execute0_lowered;
	s3 =	sadd.s32 s3, s5;
	[dreg:$0x0] =	wrdreg $0x0  }
0xa8: {  	s5 =	sshll.u32 s28, $0x1;
	[dreg:$0x2] =	wrdreg s3  }
0xa9: {  	[dreg:$0x3] =	wrdreg s5  }
0xaa: {  	[dreg:$0x4] =	wrdreg $0xC0  }
0xab: {  	_ =	task [dreg:s7], $0x5FFFF  }
0xac: {  	[dreg:$0x1] =	wrdreg $0xFFFFFFFF  }
0xad: {  	[dreg:$0x0] =	wrdreg $0x60  }
0xae: {  	[dreg:$0x2] =	wrdreg s24  }
0xaf: {  	[dreg:$0x3] =	wrdreg s2  }
0xb0: {  	[dreg:$0x4] =	wrdreg $0x91000  }
0xb1: {  	[dreg:$0x5] =	wrdreg $0x9  }
0xb2: {  	_ =	task.clear_ibuf [dreg:s7], $0x6FFFF;
	_ =	strace $0x9000004C  }
0xb3: {  	s29 =	simm.s32 $0x9;
	_ =	strace $0x8000004E  }
0xb4: {  	_ =	swait.ge [sflag:s29], $0x1  }
0xb5: {  	[sflag:s29] =	ssyncadd.s32 $0xFFFFFFFF  }
0xb6: {  	_ =	strace $0x9000004E  }
0xb7: {  	_ =	sfence  }
0xb8: {  	s30 =	sld [smem:$0x0];
	_ =	sdelay $0x2  }
0xb9: {  	s31 =	sshll.u32 s1, $0xD;
	s1 =	sshrl.u32 s1, $0x2  }
0xba: {  	s3 =	sand.u32 $0x4000, s31;
	s1 =	sadd.s32 s1, s30  }
0xbb: {  	s0 =	sor.u32 s3, s0;
	s1 =	sshll.u32 s1, $0x11  }
0xbc: {  	s0 =	sor.u32 s1, s0  }
0xbd: {  	s0 =	sadd.s32 $0x8F2B, s0  }
0xbe: {  	[sflag:s0] =	ssyncadd.remote.s32 $0x1  }
0xbf: {  	_ =	sfence.sel $0xFFFF  }
0xc0: {  	[dreg:$0x0] =	wrdreg $0xFFFFFFFF;
	(pc) =	sbr.abs _section_cstart, $3  }
0xc1: {  	[dreg:$0x1] =	wrdreg $0xFFFFFFFF  }
0xc2: {  	_ =	task.clear_ibuf [dreg:s7], $0x2FFFF;
	_ =	strace $0x9FFFFFFF  }
0xc3: {  	(tm) =	ssettm $0x7FFFFFFF  }
tec
execute0_lowered:
.L_overlay_start_1:
0x0: {  	(tag) =	ssettag $0x1  }
0x1: {  	s7 =	rddreg [dreg:$0x0]  }
0x2: {  	s1 =	rddreg [dreg:$0x1]  }
0x3: {  	s2 =	rddreg [dreg:$0x2]  }
0x4: {  	s3 =	srdreg.scid;
	s0 =	rddreg [dreg:$0x3];
	s4 =	simm.s32 $0x0  }
0x5: {  	s14 =	simm.s32 $0x800;
	s15 =	simm.s32 $0x40;
	s16 =	simm.s32 $0x1100  }
0x6: {  	s17 =	simm.s32 $0x3100;
	s18 =	simm.s32 $0x1;
	s19 =	simm.s32 $0x5100  }
0x7: {  	s20 =	simm.s32 $0x7100;
	s21 =	simm.s32 $0x80;
	s22 =	simm.s32 $0x1000  }
0x8: {  	s23 =	simm.s32 $0x2;
	s24 =	simm.s32 $0x1080;
	s25 =	simm.s32 $0x780  }
0x9: {  	s26 =	simm.s32 $0x7C0;
	s8 =	sand.u32 $0x1, s3;
	s3 =	stileid.u32  }
0xa: {  	[smem:$0x7FF] =	sst s4;
	s6 =	sadd.s32 $0x2BE00, s7;
	s5 =	sshll.u32 s8, $0x4  }
0xb: {  	s9 =	smul.u32 $0x2780, s3;
	_ =	strace $0x8000004D;
	s8 =	ssub.s32 $0x2, s8  }
0xc: {  	s12 =	smul.u32 $0x4F000, s3;
	s31 =	sshll.u32 s3, $0x6;
	s10 =	sor.u32 s3, s5  }
0xd: {  	s5 =	sadd.s32 $0x4600, s7;
	s29 =	sshrl.u32 s8, $0x1;
	s11 =	smul.u32 $0x2780, s10  }
0xe: {  	s9 =	sadd.s32 s9, s7;
	s13 =	ssub.s32 s8, s29;
	s30 =	sshrl.u32 s12, $0x2  }
0xf: {  	s8 =	sor.u32 $0x1C03, s31;
	s12 =	sadd.s32 s30, s2;
	s11 =	sadd.s32 s11, s7  }
0x10: {  	s7 =	sadd.s32 $0x35E00, s9;
	s9 =	smul.u32 $0x2800, s10;
	s12 =	sshrl.u32 s12, $0x3  }
0x11: {  	s10 =	sadd.s32 $0x84E00, s11;
	s11 =	smax.u32 s13, $0x1;
	s13 =	simm.s32 $0x3  }
.LBB2_1:
0x12: {  	[spmem:s12], [sflag:s8] =	dma.local [hbm:s7], $0x2780  }
0x13: {  	_ =	swait.ge [sflag:s13], $0x2780  }
0x14: {  	[sflag:s13] =	ssyncset.done $0x0  }
0x15: {  	[sflag:s13] =	ssyncadd.s32 $0xFFFFD880  }
0x16: {  	s28 =	simm.s32 $0x0;
	[bflag:$0x0] =	sbarrier.arrive $0xFFFF  }
.LBB2_2:
0x17: {  	s29 =	sshll.u32 s28, $0xB  }
0x18: {  	s29 =	sadd.s32 s9, s29  }
0x19: {  	s29 =	sshrl.u32 s29, $0x3  }
0x1a: {  	s31 =	simm.s32 $0x0;
	s30 =	sadd.s32 s1, s29  }
0x1b: {  	[tilespmem:s31], [sflag:$0x3] =	stream.linear.gather [hbm4b:s30+s31], $0x800, $0x38;
	[tilespmem:$0x1CD00] =	vst v63  }
0x1c: {  	_ =	swait.ge [sflag:s13], $0x800  }
0x1d: {  	[sflag:s13] =	ssyncset.done $0x0  }
0x1e: {  	s29 =	sadd.s32 s6, s29;
	[sflag:s13] =	ssyncadd.s32 $0xFFFFF800  }
0x1f: {  	[tilespmem:s14], [sflag:$0x3] =	stream.linear.gather [hbm4b:s29+s31], $0x800, $0x38;
	[tilespmem:$0x1CD00] =	vst v63  }
0x20: {  	_ =	swait.ge [sflag:s13], $0x800  }
0x21: {  	[sflag:s13] =	ssyncset.done $0x0  }
0x22: {  	[sflag:s13] =	ssyncadd.s32 $0xFFFFF800  }
0x23: {  	[tilespmem:s16], [sflag:$0x1] =	stream.indirect.gather [hbm4b:s5+s15], $0x80, s31, s15, $0xb8;
	[tilespmem:$0x1CD00] =	vst v63  }
0x24: {  	_ = 	snop  }
0x25: {  	[tilespmem:s17], [sflag:$0x1] =	stream.indirect.gather [hbm4b:s5+s15], $0x80, s15, s15, $0xb8;
	[tilespmem:$0x1CD00] =	vst v63  }
0x26: {  	_ =	swait.ge [sflag:s18], $0x4000  }
0x27: {  	[sflag:s18] =	ssyncset.done $0x0  }
0x28: {  	s29 =	simm.s32 $0x80;
	[sflag:s18] =	ssyncadd.s32 $0xFFFFC000  }
0x29: {  	[tilespmem:s19], [sflag:$0x2] =	stream.indirect.gather [hbm4b:s5+s15], $0x80, s29, s15, $0xb8;
	[tilespmem:$0x1CD00] =	vst v63  }
0x2a: {  	s31 =	simm.s32 $0xC0;
	s29 =	simm.s32 $0x0  }
0x2b: {  	[tilespmem:s20], [sflag:$0x2] =	stream.indirect.gather [hbm4b:s5+s15], $0x80, s31, s15, $0xb8;
	[tilespmem:$0x1CD00] =	vst v63  }
0x2c: {  	v0 =	vld [tilespmem:s29+$0x800];
	_ =	sdelay $0x4  }
0x2d: {  	[tilespmem:$0x1000] =	vst v0  }
0x2e: {  	v0 =	vld [tilespmem:s29+$0x810];
	_ =	sdelay $0x4  }
0x2f: {  	[tilespmem:$0x1010] =	vst v0  }
0x30: {  	v0 =	vld [tilespmem:s29+$0x820];
	_ =	sdelay $0x4  }
0x31: {  	[tilespmem:$0x1020] =	vst v0  }
0x32: {  	v0 =	vld [tilespmem:s29+$0x830];
	_ =	sdelay $0x4  }
0x33: {  	[tilespmem:$0x1030] =	vst v0  }
0x34: {  	v0 =	vld [tilespmem:s29+$0x840];
	_ =	sdelay $0x4  }
0x35: {  	[tilespmem:$0x1040] =	vst v0  }
0x36: {  	v0 =	vld [tilespmem:s29+$0x850];
	_ =	sdelay $0x4  }
0x37: {  	[tilespmem:$0x1050] =	vst v0  }
0x38: {  	v0 =	vld [tilespmem:s29+$0x860];
	_ =	sdelay $0x4  }
0x39: {  	[tilespmem:$0x1060] =	vst v0  }
0x3a: {  	v0 =	vld [tilespmem:s29+$0x870];
	_ =	sdelay $0x4  }
0x3b: {  	[tilespmem:$0x1070] =	vst v0  }
0x3c: {  	[spmem:s2] =	stream.indirect.scatter.add.f32 [tilespmem:s16], [sflag:$0x3], $0x80, s22, s21, $0xb8;
	[tilespmem:$0x1CD00] =	vst v63  }
0x3d: {  	_ =	swait.ge [sflag:s13], $0x4000  }
0x3e: {  	[sflag:s13] =	ssyncset.done $0x0  }
0x3f: {  	[sflag:s13] =	ssyncadd.s32 $0xFFFFC000  }
0x40: {  	_ =	swait.ge [sflag:s23], $0x4000  }
0x41: {  	[sflag:s23] =	ssyncset.done $0x0  }
0x42: {  	s31 =	simm.s32 $0x100;
	[sflag:s23] =	ssyncadd.s32 $0xFFFFC000  }
0x43: {  	[tilespmem:s16], [sflag:$0x1] =	stream.indirect.gather [hbm4b:s5+s15], $0x80, s31, s15, $0xb8;
	[tilespmem:$0x1CD00] =	vst v63  }
0x44: {  	s31 =	simm.s32 $0x140  }
0x45: {  	[tilespmem:s17], [sflag:$0x1] =	stream.indirect.gather [hbm4b:s5+s15], $0x80, s31, s15, $0xb8;
	[tilespmem:$0x1CD00] =	vst v63  }
0x46: {  	v63 =	vld [tilespmem:s29+$0x880];
	_ =	sdelay $0x4  }
0x47: {  	[tilespmem:$0x1080] =	vst v63  }
0x48: {  	v0 =	vld [tilespmem:s29+$0x890];
	_ =	sdelay $0x4  }
0x49: {  	[tilespmem:$0x1090] =	vst v0  }
0x4a: {  	v0 =	vld [tilespmem:s29+$0x8A0];
	_ =	sdelay $0x4  }
0x4b: {  	[tilespmem:$0x10A0] =	vst v0  }
0x4c: {  	v0 =	vld [tilespmem:s29+$0x8B0];
	_ =	sdelay $0x4  }
0x4d: {  	[tilespmem:$0x10B0] =	vst v0  }
0x4e: {  	v0 =	vld [tilespmem:s29+$0x8C0];
	_ =	sdelay $0x4  }
0x4f: {  	[tilespmem:$0x10C0] =	vst v0  }
0x50: {  	v0 =	vld [tilespmem:s29+$0x8D0];
	_ =	sdelay $0x4  }
0x51: {  	[tilespmem:$0x10D0] =	vst v0  }
0x52: {  	v0 =	vld [tilespmem:s29+$0x8E0];
	_ =	sdelay $0x4  }
0x53: {  	[tilespmem:$0x10E0] =	vst v0  }
0x54: {  	v0 =	vld [tilespmem:s29+$0x8F0];
	_ =	sdelay $0x4  }
0x55: {  	[tilespmem:$0x10F0] =	vst v0  }
0x56: {  	[spmem:s2] =	stream.indirect.scatter.add.f32 [tilespmem:s19], [sflag:$0x3], $0x80, s24, s21, $0xb8;
	[tilespmem:$0x1CD00] =	vst v63  }
0x57: {  	_ =	swait.ge [sflag:s13], $0x4000  }
0x58: {  	s29 =	simm.s32 $0x400;
	[sflag:s13] =	ssyncset.done $0x0  }
.LBB2_3:
0x59: {  	p0 =	sne.s32 s29, $0x1800  }
0x5a: {  	[sflag:s13] =	ssyncadd.s32 $0xFFFFC000;
	s30 =	smov.u32 s29;
	s29 =	sadd.s32 $0x400, s29  }
0x5b: {  	_ =	swait.ge [sflag:s18], $0x4000  }
0x5c: {  	s30 =	sshra.s32 s30, $0x2;
	[sflag:s18] =	ssyncset.done $0x0  }
0x5d: {  	s31 =	sadd.s32 $0x80, s30;
	[sflag:s18] =	ssyncadd.s32 $0xFFFFC000  }
0x5e: {  	[tilespmem:s19], [sflag:$0x2] =	stream.indirect.gather [hbm4b:s5+s15], $0x80, s31, s15, $0xb8;
	[tilespmem:$0x1CD00] =	vst v63  }
0x5f: {  	s31 =	sadd.s32 $0xC0, s30  }
0x60: {  	[tilespmem:s20], [sflag:$0x2] =	stream.indirect.gather [hbm4b:s5+s15], $0x80, s31, s15, $0xb8;
	[tilespmem:$0x1CD00] =	vst v63  }
0x61: {  	v0 =	vld [tilespmem:s30+$0x800];
	_ =	sdelay $0x4  }
0x62: {  	[tilespmem:$0x1000] =	vst v0  }
0x63: {  	v0 =	vld [tilespmem:s30+$0x810];
	_ =	sdelay $0x4  }
0x64: {  	[tilespmem:$0x1010] =	vst v0  }
0x65: {  	v0 =	vld [tilespmem:s30+$0x820];
	_ =	sdelay $0x4  }
0x66: {  	[tilespmem:$0x1020] =	vst v0  }
0x67: {  	v0 =	vld [tilespmem:s30+$0x830];
	_ =	sdelay $0x4  }
0x68: {  	[tilespmem:$0x1030] =	vst v0  }
0x69: {  	v0 =	vld [tilespmem:s30+$0x840];
	_ =	sdelay $0x4  }
0x6a: {  	[tilespmem:$0x1040] =	vst v0  }
0x6b: {  	v0 =	vld [tilespmem:s30+$0x850];
	_ =	sdelay $0x4  }
0x6c: {  	[tilespmem:$0x1050] =	vst v0  }
0x6d: {  	v0 =	vld [tilespmem:s30+$0x860];
	_ =	sdelay $0x4  }
0x6e: {  	[tilespmem:$0x1060] =	vst v0  }
0x6f: {  	v0 =	vld [tilespmem:s30+$0x870];
	_ =	sdelay $0x4  }
0x70: {  	[tilespmem:$0x1070] =	vst v0  }
0x71: {  	[spmem:s2] =	stream.indirect.scatter.add.f32 [tilespmem:s16], [sflag:$0x3], $0x80, s22, s21, $0xb8;
	[tilespmem:$0x1CD00] =	vst v63  }
0x72: {  	_ =	swait.ge [sflag:s13], $0x4000  }
0x73: {  	[sflag:s13] =	ssyncset.done $0x0  }
0x74: {  	[sflag:s13] =	ssyncadd.s32 $0xFFFFC000  }
0x75: {  	_ =	swait.ge [sflag:s23], $0x4000  }
0x76: {  	[sflag:s23] =	ssyncset.done $0x0  }
0x77: {  	s31 =	sadd.s32 $0x100, s30;
	[sflag:s23] =	ssyncadd.s32 $0xFFFFC000  }
0x78: {  	[tilespmem:s16], [sflag:$0x1] =	stream.indirect.gather [hbm4b:s5+s15], $0x80, s31, s15, $0xb8;
	[tilespmem:$0x1CD00] =	vst v63  }
0x79: {  	s31 =	sadd.s32 $0x140, s30  }
0x7a: {  	[tilespmem:s17], [sflag:$0x1] =	stream.indirect.gather [hbm4b:s5+s15], $0x80, s31, s15, $0xb8;
	[tilespmem:$0x1CD00] =	vst v63  }
0x7b: {  	v0 =	vld [tilespmem:s30+$0x880];
	_ =	sdelay $0x4  }
0x7c: {  	[tilespmem:$0x1080] =	vst v0  }
0x7d: {  	v0 =	vld [tilespmem:s30+$0x890];
	_ =	sdelay $0x4  }
0x7e: {  	[tilespmem:$0x1090] =	vst v0  }
0x7f: {  	v0 =	vld [tilespmem:s30+$0x8A0];
	_ =	sdelay $0x4  }
0x80: {  	[tilespmem:$0x10A0] =	vst v0  }
0x81: {  	v0 =	vld [tilespmem:s30+$0x8B0];
	_ =	sdelay $0x4  }
0x82: {  	[tilespmem:$0x10B0] =	vst v0  }
0x83: {  	v0 =	vld [tilespmem:s30+$0x8C0];
	_ =	sdelay $0x4  }
0x84: {  	[tilespmem:$0x10C0] =	vst v0  }
0x85: {  	v0 =	vld [tilespmem:s30+$0x8D0];
	_ =	sdelay $0x4  }
0x86: {  	[tilespmem:$0x10D0] =	vst v0  }
0x87: {  	v0 =	vld [tilespmem:s30+$0x8E0];
	_ =	sdelay $0x4  }
0x88: {  	[tilespmem:$0x10E0] =	vst v0  }
0x89: {  	v0 =	vld [tilespmem:s30+$0x8F0];
	_ =	sdelay $0x3  }
.Ltmp0:
0x8a: {  	(pc) =	sbr.rel @p0 .LBB2_3-.Ltmp0, $4  }
0x8b: {  	[tilespmem:$0x10F0] =	vst v0  }
0x8c: {  	[spmem:s2] =	stream.indirect.scatter.add.f32 [tilespmem:s19], [sflag:$0x3], $0x80, s24, s21, $0xb8;
	[tilespmem:$0x1CD00] =	vst v63  }
0x8d: {  	_ =	swait.ge [sflag:s13], $0x4000  }
0x8e: {  	[sflag:s13] =	ssyncset.done $0x0  }
0x8f: {  	[sflag:s13] =	ssyncadd.s32 $0xFFFFC000  }
0x90: {  	_ =	swait.ge [sflag:s18], $0x4000  }
0x91: {  	[sflag:s18] =	ssyncset.done $0x0  }
0x92: {  	[sflag:s18] =	ssyncadd.s32 $0xFFFFC000  }
0x93: {  	[tilespmem:s19], [sflag:$0x2] =	stream.indirect.gather [hbm4b:s5+s15], $0x80, s25, s15, $0xb8;
	[tilespmem:$0x1CD00] =	vst v63  }
0x94: {  	_ = 	snop  }
0x95: {  	[tilespmem:s20], [sflag:$0x2] =	stream.indirect.gather [hbm4b:s5+s15], $0x80, s26, s15, $0xb8;
	[tilespmem:$0x1CD00] =	vst v63  }
0x96: {  	v0 =	vld [tilespmem:$0xF00]  }
0x97: {  	v1 =	vld [tilespmem:$0xF10]  }
0x98: {  	v2 =	vld [tilespmem:$0xF20]  }
0x99: {  	v3 =	vld [tilespmem:$0xF30]  }
0x9a: {  	v4 =	vld [tilespmem:$0xF40]  }
0x9b: {  	v53 =	vld [tilespmem:$0xF50];
	[tilespmem:$0x1000] =	vst v0  }
0x9c: {  	v54 =	vld [tilespmem:$0xF60];
	[tilespmem:$0x1010] =	vst v1  }
0x9d: {  	v55 =	vld [tilespmem:$0xF70];
	[tilespmem:$0x1020] =	vst v2  }
0x9e: {  	[tilespmem:$0x1030] =	vst v3  }
0x9f: {  	[tilespmem:$0x1040] =	vst v4  }
0xa0: {  	[tilespmem:$0x1050] =	vst v53  }
0xa1: {  	[tilespmem:$0x1060] =	vst v54  }
0xa2: {  	[tilespmem:$0x1070] =	vst v55  }
0xa3: {  	[spmem:s2] =	stream.indirect.scatter.add.f32 [tilespmem:s16], [sflag:$0x3], $0x80, s22, s21, $0xb8;
	[tilespmem:$0x1CD00] =	vst v63  }
0xa4: {  	_ =	swait.ge [sflag:s13], $0x4000  }
0xa5: {  	[sflag:s13] =	ssyncset.done $0x0  }
0xa6: {  	[sflag:s13] =	ssyncadd.s32 $0xFFFFC000  }
0xa7: {  	_ =	swait.ge [sflag:s23], $0x4000  }
0xa8: {  	[sflag:s23] =	ssyncset.done $0x0  }
0xa9: {  	[sflag:s23] =	ssyncadd.s32 $0xFFFFC000  }
0xaa: {  	v56 =	vld [tilespmem:$0xF80]  }
0xab: {  	v57 =	vld [tilespmem:$0xF90]  }
0xac: {  	v58 =	vld [tilespmem:$0xFA0]  }
0xad: {  	v59 =	vld [tilespmem:$0xFB0]  }
0xae: {  	v60 =	vld [tilespmem:$0xFC0]  }
0xaf: {  	v61 =	vld [tilespmem:$0xFD0];
	[tilespmem:$0x1080] =	vst v56  }
0xb0: {  	v62 =	vld [tilespmem:$0xFE0];
	[tilespmem:$0x1090] =	vst v57  }
0xb1: {  	v63 =	vld [tilespmem:$0xFF0];
	[tilespmem:$0x10A0] =	vst v58  }
0xb2: {  	[tilespmem:$0x10B0] =	vst v59  }
0xb3: {  	[tilespmem:$0x10C0] =	vst v60  }
0xb4: {  	s28 =	sadd.s32 $0x1, s28;
	[tilespmem:$0x10D0] =	vst v61  }
0xb5: {  	p0 =	sne.s32 s28, $0x5;
	[tilespmem:$0x10E0] =	vst v62  }
.Ltmp1:
0xb6: {  	[tilespmem:$0x10F0] =	vst v63;
	(pc) =	sbr.rel @p0 .LBB2_2-.Ltmp1, $4  }
0xb7: {  	[spmem:s2] =	stream.indirect.scatter.add.f32 [tilespmem:s19], [sflag:$0x3], $0x80, s24, s21, $0xb8;
	[tilespmem:$0x1CD00] =	vst v63  }
0xb8: {  	_ =	swait.ge [sflag:s13], $0x4000  }
0xb9: {  	[sflag:s13] =	ssyncset.done $0x0  }
0xba: {  	[sflag:s13] =	ssyncadd.s32 $0xFFFFC000  }
0xbb: {  	s4 =	sadd.s32 $0x1, s4  }
0xbc: {  	p0 =	sne.s32 s4, s11  }
.Ltmp2:
0xbd: {  	[bflag:$0x0] =	sbarrier.arrive $0xFFFF;
	(pc) =	sbr.rel @p0 .LBB2_1-.Ltmp2, $4  }
0xbe: {  	[hbm:s10], [sflag:s8] =	dma.local [spmem:s12], $0x2780  }
0xbf: {  	_ =	swait.ge [sflag:s13], $0x2780  }
0xc0: {  	[sflag:s13] =	ssyncset.done $0x0  }
0xc1: {  	[sflag:s13] =	ssyncadd.s32 $0xFFFFD880  }
0xc2: {  	_ =	sfence.sel $0x180000  }
0xc3: {  	[bflag:$0x0] =	sbarrier.arrive $0xFFFF  }
0xc4: {  	p0 =	sne.s32 s3, $0x0;
	_ =	strace $0x9000004D  }
0xc5: {  	s0 =	sadd.s32 @!p0 $0x100000, s0;
	[bflag:$0x2] =	sbarrier.arrive $0xFFFF  }
0xc6: {  	[sflag:s0] =	ssyncadd.tile.s32 @!p0 $0x1;
	_ =	shalt  }
.Lfunc_end2:
_tile_overlayer_lowered:
.L_overlay_start_2:
0xc7: {  	(tag) =	ssettag $0x2  }
0xc8: {  	s0 =	rddreg [dreg:$0x0];
	s2 =	stileid.u32  }
0xc9: {  	s1 =	rddreg [dreg:$0x1];
	p0 =	sne.s32 s2, $0x0  }
0xca: {  	s3 =	rddreg [dreg:$0x2];
	[bflag:$0x3] =	sbarrier.arrive $0xFFFF;
	s2 =	simm.s32 @!p0 $0x1C03  }
0xcb: {  	[timem:s3], [sflag:s2] =	dma.local @!p0 [hbm:s0], s1  }
0xcc: {  	s0 =	simm.s32 @!p0 $0x3  }
0xcd: {  	_ =	swait.ge @!p0 [sflag:s0], s1  }
0xce: {  	s1 =	ssub.s32 @!p0 $0x0, s1;
	[sflag:s0] =	ssyncset.done @!p0 $0x0  }
0xcf: {  	[sflag:s0] =	ssyncadd.s32 @!p0 s1  }
0xd0: {  	[bflag:$0x3] =	sbarrier.arrive $0xFFFF  }
0xd1: {  	_ =	shalt  }

// kernel: kernel.18.cloned.1.call-start
scs
__scs_entry_jumppad:
0x0: {  	(pc) =	sbr.rel $0x88, $3  }
0x1: {  	(tag) =	ssettag $0x0;
	lr =	simm.s32 $0x1  }
0x2: {  	[smem:$0x3F99] =	sst lr;
	_ =	strace $0xD0000000  }
0x3: {  	_ = 	snop  }
0x4: {  	_ = 	snop  }
0x5: {  	_ = 	snop  }
0x6: {  	_ = 	snop  }
0x7: {  	_ = 	snop  }
__scs_overlays_trampoline_lowered:
0x8: {  	[smem:$0x3FA8] =	sst s0  }
0x9: {  	[smem:$0x3FA9] =	sst s1  }
0xa: {  	[smem:$0x3FAA] =	sst s2  }
0xb: {  	[smem:$0x3FAB] =	sst s3  }
0xc: {  	[smem:$0x3FAC] =	sst s4  }
0xd: {  	[smem:$0x3FAD] =	sst s5  }
0xe: {  	[smem:$0x3FAE] =	sst s6  }
0xf: {  	[smem:$0x3FAF] =	sst s7  }
0x10: {  	[smem:$0x3FB0] =	sst s8  }
0x11: {  	[smem:$0x3FB1] =	sst s9;
	s0 =	simm.s32 @!p0 $0x0  }
0x12: {  	s1 =	sld [smem:$0x3F97];
	s0 =	simm.s32 @p0 $0x1  }
0x13: {  	[smem:$0x3FB2] =	sst s0;
	s0 =	simm.s32 @!p1 $0x0  }
0x14: {  	s2 =	sld [smem:$0x3F96];
	s0 =	simm.s32 @p1 $0x1  }
0x15: {  	[smem:$0x3FB3] =	sst s0;
	s0 =	simm.s32 @!p2 $0x0  }
0x16: {  	s3 =	sld [smem:$0x3FDB];
	s0 =	simm.s32 @p2 $0x1  }
0x17: {  	s4 =	simm.s32 $0x1BF5;
	[smem:$0x3FB5] =	sst s0  }
0x18: {  	s0 =	sld [smem:$0x3F98];
	_ =	swait.ge [sflag:s4], $0x0  }
0x19: {  	s7 =	sld [smem:$0x3F99]  }
0x1a: {  	s8 =	sadd.s32 $0xFFFFE003, lr  }
0x1b: {  	s9 =	sadd.s32 $0xFFFFFEF7, lr;
	s5 =	simm.s32 $0xFFFFFFFF;
	p2 =	slt.u32 s8, $0xFFFFF086  }
0x1c: {  	p1 =	slt.u32 s9, $0xF7A;
	s5 =	simm.s32 @!p2 $0x0  }
0x1d: {  	s5 =	simm.s32 @p1 $0x1;
	p0 =	seq.s32 s7, s2  }
0x1e: {  	s7 =	smul.u32 @!p0 $0xF7A, s2;
	p2 =	seq.s32 @!p0 s5, $0x0  }
0x1f: {  	s9 =	smul.u32 $0xF7A, s1;
	s8 =	simm.s32 @!p0 $0x1BF5;
	p2 =	por !p2, p0  }
0x20: {  	[sflag:s8] =	ssyncset.s32 @!p0 $0xFFFFF086;
	s6 =	sadd.s32 @!p0 s3, s7;
	s7 =	simm.s32 @!p0 $0x108  }
0x21: {  	s3 =	sadd.s32 s3, s9;
	s6 =	sadd.s32 @!p0 $0x88, s6;
	s7 =	simm.s32 @p2 $0x1082  }
0x22: {  	[simem:s7], [sflag:s8] =	dma.local @!p0 [hbm:s6], $0xF7A  }
0x23: {  	s9 =	sor.u32 $0xD0000000, s2;
	s6 =	simm.s32 $0x108;
	_ =	swait.ge @!p0 [sflag:s8], $0x0  }
0x24: {  	s3 =	sadd.s32 $0x88, s3;
	s6 =	simm.s32 @!p1 $0x1082;
	[sflag:s4] =	ssyncset.s32 $0xFFFFF086  }
0x25: {  	[simem:s6], [sflag:s4] =	dma.local [hbm:s3], $0xF7A  }
0x26: {  	[smem:$0x3F99] =	sst s1;
	(tag) =	ssettag s2;
	_ =	strace s9  }
0x27: {  	s1 =	sld [smem:$0x3FA9]  }
0x28: {  	s2 =	sld [smem:$0x3FAA]  }
0x29: {  	s4 =	sld [smem:$0x3FAC]  }
0x2a: {  	p0 =	seq.s32 s5, $0x0;
	s5 =	sld [smem:$0x3FAD]  }
0x2b: {  	s6 =	sld [smem:$0x3FAE]  }
0x2c: {  	s7 =	sld [smem:$0x3FAF]  }
0x2d: {  	s3 =	simm.s32 $0x108;
	s8 =	sld [smem:$0x3FB0]  }
0x2e: {  	s3 =	simm.s32 @!p0 $0x1082;
	s9 =	sld [smem:$0x3FB1]  }
0x2f: {  	lr =	sadd.s32 s0, s3;
	s0 =	sld [smem:$0x3FA8]  }
0x30: {  	s3 =	sld [smem:$0x3FAB]  }
0x31: {  	[smem:$0x3FB4] =	sst s10  }
0x32: {  	s10 =	sld [smem:$0x3FB2];
	_ =	sdelay $0x3  }
0x33: {  	p0 =	seq.s32 s10, $0x1;
	s10 =	sld [smem:$0x3FB4];
	_ =	sdelay $0x3  }
0x34: {  	[smem:$0x3FB4] =	sst s10  }
0x35: {  	s10 =	sld [smem:$0x3FB3];
	_ =	sdelay $0x3  }
0x36: {  	p1 =	seq.s32 s10, $0x1;
	s10 =	sld [smem:$0x3FB4];
	_ =	sdelay $0x3  }
0x37: {  	[smem:$0x3FB4] =	sst s10  }
0x38: {  	s10 =	sld [smem:$0x3FB5]  }
0x39: {  	_ = 	snop;
	(pc) =	sbr.ind lr, $3  }
0x3a: {  	_ = 	snop  }
0x3b: {  	_ = 	snop  }
0x3c: {  	p2 =	seq.s32 s10, $0x1;
	s10 =	sld [smem:$0x3FB4]  }
0x3d: {  	_ =	shalt  }
0x3e: {  	_ =	shalt  }
0x3f: {  	_ =	shalt  }
0x40: {  	_ =	shalt  }
0x41: {  	_ =	shalt  }
0x42: {  	_ =	shalt  }
0x43: {  	_ =	shalt  }
0x44: {  	_ =	shalt  }
0x45: {  	_ =	shalt  }
0x46: {  	_ =	shalt  }
0x47: {  	_ =	shalt  }
0x48: {  	_ =	shalt  }
0x49: {  	_ =	shalt  }
0x4a: {  	_ =	shalt  }
0x4b: {  	_ =	shalt  }
0x4c: {  	_ =	shalt  }
0x4d: {  	_ =	shalt  }
0x4e: {  	_ =	shalt  }
0x4f: {  	_ =	shalt  }
0x50: {  	_ =	shalt  }
0x51: {  	_ =	shalt  }
0x52: {  	_ =	shalt  }
0x53: {  	_ =	shalt  }
0x54: {  	_ =	shalt  }
0x55: {  	_ =	shalt  }
0x56: {  	_ =	shalt  }
0x57: {  	_ =	shalt  }
0x58: {  	_ =	shalt  }
0x59: {  	_ =	shalt  }
0x5a: {  	_ =	shalt  }
0x5b: {  	_ =	shalt  }
0x5c: {  	_ =	shalt  }
0x5d: {  	_ =	shalt  }
0x5e: {  	_ =	shalt  }
0x5f: {  	_ =	shalt  }
0x60: {  	_ =	shalt  }
0x61: {  	_ =	shalt  }
0x62: {  	_ =	shalt  }
0x63: {  	_ =	shalt  }
0x64: {  	_ =	shalt  }
0x65: {  	_ =	shalt  }
0x66: {  	_ =	shalt  }
0x67: {  	_ =	shalt  }
0x68: {  	_ =	shalt  }
0x69: {  	_ =	shalt  }
0x6a: {  	_ =	shalt  }
0x6b: {  	_ =	shalt  }
0x6c: {  	_ =	shalt  }
0x6d: {  	_ =	shalt  }
0x6e: {  	_ =	shalt  }
0x6f: {  	_ =	shalt  }
0x70: {  	_ =	shalt  }
0x71: {  	_ =	shalt  }
0x72: {  	_ =	shalt  }
0x73: {  	_ =	shalt  }
0x74: {  	_ =	shalt  }
0x75: {  	_ =	shalt  }
0x76: {  	_ =	shalt  }
0x77: {  	_ =	shalt  }
0x78: {  	_ =	shalt  }
0x79: {  	_ =	shalt  }
0x7a: {  	_ =	shalt  }
0x7b: {  	_ =	shalt  }
0x7c: {  	_ =	shalt  }
0x7d: {  	_ =	shalt  }
0x7e: {  	_ =	shalt  }
0x7f: {  	_ =	shalt  }
0x80: {  	_ =	shalt  }
0x81: {  	_ =	shalt  }
0x82: {  	_ =	shalt  }
0x83: {  	_ =	shalt  }
0x84: {  	_ =	shalt  }
0x85: {  	_ =	shalt  }
0x86: {  	_ =	shalt  }
0x87: {  	_ =	shalt  }
.Lfunc_end0:
.L_simem_size_0:
called_computation.3_lowered:
.L_overlay_start_0:
0x88: {  	s2 =	sld [smem:$0x3FD9]  }
0x89: {  	s3 =	sld [smem:$0x3FFE];
	_ =	sdelay $0x1  }
0x8a: {  	s1 =	srdreg.scid  }
0x8b: {  	s0 =	sand.u32 $0x1, s1  }
0x8c: {  	s17 =	sshll.u32 s0, $0xA;
	s2 =	sadd.s32 s3, s2  }
0x8d: {  	s2 =	sadd.s32 s2, s17  }
0x8e: {  	[smem:$0x3FC0] =	sst s2  }
0x8f: {  	_ = 	snop  }
0x90: {  	s2 =	sld [smem:$0x3FD0];
	(tm) =	ssettm $0x1  }
0x91: {  	s18 =	sld [smem:$0x3FFB];
	_ =	sdelay $0x3  }
0x92: {  	_ =	strace s18  }
0x93: {  	s3 =	sld [smem:$0x3FFC];
	_ =	sdelay $0x3  }
0x94: {  	_ =	strace s3  }
0x95: {  	s3 =	sld [smem:$0x3FFD];
	_ =	sdelay $0x3  }
0x96: {  	_ =	strace s3  }
0x97: {  	_ =	strace $0x8FFFFFFF  }
0x98: {  	s19 =	sld [smem:$0x3FDB];
	_ =	sdelay $0x1  }
0x99: {  	s4 =	simm.s32 $_scs_section_size  }
0x9a: {  	s5 =	simm.s32 $_size__tile_overlayer_lowered;
	s6 =	simm.s32 $_tile_overlayer_lowered  }
0x9b: {  	s22 =	simm.s32 $0x1BFF;
	s21 =	sshll.u32 s6, $0x1;
	s3 =	sadd.s32 s4, s19  }
0x9c: {  	s7 =	simm.s32 $0x0;
	s20 =	sshll.u32 s5, $0x1;
	s5 =	sadd.s32 s21, s3  }
0x9d: {  	[timem:s7], [sflag:s22] =	dma.local [hbm:s5], s20  }
0x9e: {  	_ =	swait.ge [sflag:s22], s20  }
0x9f: {  	s4 =	ssub.s32 $0x0, s20;
	[sflag:s22] =	ssyncset.done $0x0  }
0xa0: {  	[sflag:s22] =	ssyncadd.s32 s4;
	_ =	sdelay $0x1  }
0xa1: {  	s23 =	simm.s32 $0x1B8B  }
0xa2: {  	_ =	swait.ge [sflag:s23], $0x1  }
0xa3: {  	[sflag:s23] =	ssyncset.done $0x0  }
0xa4: {  	s25 =	simm.s32 $0x1B8E;
	s24 =	sld [smem:$0x3FFE];
	[sflag:s23] =	ssyncadd.s32 $0xFFFFFFFF  }
0xa5: {  	s26 =	simm.s32 $execute0_lowered;
	[smem:$0x3FD2] =	sst s25  }
0xa6: {  	s5 =	sshll.u32 s26, $0x1;
	_ =	strace $0x8000004F;
	[dreg:$0x1] =	wrdreg $0xFFFFFFFF  }
0xa7: {  	s28 =	simm.s32 $_size_execute0_lowered;
	s3 =	sadd.s32 s3, s5;
	[dreg:$0x0] =	wrdreg $0x0  }
0xa8: {  	s5 =	sshll.u32 s28, $0x1;
	[dreg:$0x2] =	wrdreg s3  }
0xa9: {  	[dreg:$0x3] =	wrdreg s5  }
0xaa: {  	[dreg:$0x4] =	wrdreg $0xC0  }
0xab: {  	_ =	task [dreg:s7], $0x5FFFF  }
0xac: {  	[dreg:$0x1] =	wrdreg $0xFFFFFFFF  }
0xad: {  	[dreg:$0x0] =	wrdreg $0x60  }
0xae: {  	[dreg:$0x2] =	wrdreg s24  }
0xaf: {  	[dreg:$0x3] =	wrdreg s2  }
0xb0: {  	[dreg:$0x4] =	wrdreg $0x91000  }
0xb1: {  	[dreg:$0x5] =	wrdreg $0x9  }
0xb2: {  	_ =	task.clear_ibuf [dreg:s7], $0x6FFFF;
	_ =	strace $0x9000004F  }
0xb3: {  	s29 =	simm.s32 $0x9;
	_ =	strace $0x80000051  }
0xb4: {  	_ =	swait.ge [sflag:s29], $0x1  }
0xb5: {  	[sflag:s29] =	ssyncadd.s32 $0xFFFFFFFF  }
0xb6: {  	_ =	strace $0x90000051  }
0xb7: {  	_ =	sfence  }
0xb8: {  	s30 =	sld [smem:$0x0];
	_ =	sdelay $0x2  }
0xb9: {  	s31 =	sshll.u32 s1, $0xD;
	s1 =	sshrl.u32 s1, $0x2  }
0xba: {  	s3 =	sand.u32 $0x4000, s31;
	s1 =	sadd.s32 s1, s30  }
0xbb: {  	s0 =	sor.u32 s3, s0;
	s1 =	sshll.u32 s1, $0x11  }
0xbc: {  	s0 =	sor.u32 s1, s0  }
0xbd: {  	s0 =	sadd.s32 $0x8F2B, s0  }
0xbe: {  	[sflag:s0] =	ssyncadd.remote.s32 $0x1  }
0xbf: {  	_ =	sfence.sel $0xFFFF  }
0xc0: {  	[dreg:$0x0] =	wrdreg $0xFFFFFFFF;
	(pc) =	sbr.abs _section_cstart, $3  }
0xc1: {  	[dreg:$0x1] =	wrdreg $0xFFFFFFFF  }
0xc2: {  	_ =	task.clear_ibuf [dreg:s7], $0x2FFFF;
	_ =	strace $0x9FFFFFFF  }
0xc3: {  	(tm) =	ssettm $0x7FFFFFFF  }
tec
execute0_lowered:
.L_overlay_start_1:
0x0: {  	(tag) =	ssettag $0x1  }
0x1: {  	s7 =	rddreg [dreg:$0x0]  }
0x2: {  	s1 =	rddreg [dreg:$0x1]  }
0x3: {  	s2 =	rddreg [dreg:$0x2]  }
0x4: {  	s3 =	srdreg.scid;
	s0 =	rddreg [dreg:$0x3];
	s4 =	simm.s32 $0x0  }
0x5: {  	s14 =	simm.s32 $0x800;
	s15 =	simm.s32 $0x40;
	s16 =	simm.s32 $0x1100  }
0x6: {  	s17 =	simm.s32 $0x3100;
	s18 =	simm.s32 $0x1;
	s19 =	simm.s32 $0x5100  }
0x7: {  	s20 =	simm.s32 $0x7100;
	s21 =	simm.s32 $0x80;
	s22 =	simm.s32 $0x1000  }
0x8: {  	s23 =	simm.s32 $0x2;
	s24 =	simm.s32 $0x1080;
	s25 =	simm.s32 $0x780  }
0x9: {  	s26 =	simm.s32 $0x7C0;
	s8 =	sand.u32 $0x1, s3;
	s3 =	stileid.u32  }
0xa: {  	[smem:$0x7FF] =	sst s4;
	s6 =	sadd.s32 $0x2BE00, s7;
	s5 =	sshll.u32 s8, $0x4  }
0xb: {  	s9 =	smul.u32 $0x2780, s3;
	_ =	strace $0x80000050;
	s8 =	ssub.s32 $0x2, s8  }
0xc: {  	s12 =	smul.u32 $0x4F000, s3;
	s31 =	sshll.u32 s3, $0x6;
	s10 =	sor.u32 s3, s5  }
0xd: {  	s5 =	sadd.s32 $0x4600, s7;
	s29 =	sshrl.u32 s8, $0x1;
	s11 =	smul.u32 $0x2780, s10  }
0xe: {  	s9 =	sadd.s32 s9, s7;
	s13 =	ssub.s32 s8, s29;
	s30 =	sshrl.u32 s12, $0x2  }
0xf: {  	s8 =	sor.u32 $0x1C03, s31;
	s12 =	sadd.s32 s30, s2;
	s11 =	sadd.s32 s11, s7  }
0x10: {  	s7 =	sadd.s32 $0x35E00, s9;
	s9 =	smul.u32 $0x2800, s10;
	s12 =	sshrl.u32 s12, $0x3  }
0x11: {  	s10 =	sadd.s32 $0x84E00, s11;
	s11 =	smax.u32 s13, $0x1;
	s13 =	simm.s32 $0x3  }
.LBB2_1:
0x12: {  	[spmem:s12], [sflag:s8] =	dma.local [hbm:s7], $0x2780  }
0x13: {  	_ =	swait.ge [sflag:s13], $0x2780  }
0x14: {  	[sflag:s13] =	ssyncset.done $0x0  }
0x15: {  	[sflag:s13] =	ssyncadd.s32 $0xFFFFD880  }
0x16: {  	s28 =	simm.s32 $0x0;
	[bflag:$0x0] =	sbarrier.arrive $0xFFFF  }
.LBB2_2:
0x17: {  	s29 =	sshll.u32 s28, $0xB  }
0x18: {  	s29 =	sadd.s32 s9, s29  }
0x19: {  	s29 =	sshrl.u32 s29, $0x3  }
0x1a: {  	s31 =	simm.s32 $0x0;
	s30 =	sadd.s32 s1, s29  }
0x1b: {  	[tilespmem:s31], [sflag:$0x3] =	stream.linear.gather [hbm4b:s30+s31], $0x800, $0x38;
	[tilespmem:$0x1CD00] =	vst v63  }
0x1c: {  	_ =	swait.ge [sflag:s13], $0x800  }
0x1d: {  	[sflag:s13] =	ssyncset.done $0x0  }
0x1e: {  	s29 =	sadd.s32 s6, s29;
	[sflag:s13] =	ssyncadd.s32 $0xFFFFF800  }
0x1f: {  	[tilespmem:s14], [sflag:$0x3] =	stream.linear.gather [hbm4b:s29+s31], $0x800, $0x38;
	[tilespmem:$0x1CD00] =	vst v63  }
0x20: {  	_ =	swait.ge [sflag:s13], $0x800  }
0x21: {  	[sflag:s13] =	ssyncset.done $0x0  }
0x22: {  	[sflag:s13] =	ssyncadd.s32 $0xFFFFF800  }
0x23: {  	[tilespmem:s16], [sflag:$0x1] =	stream.indirect.gather [hbm4b:s5+s15], $0x80, s31, s15, $0xb8;
	[tilespmem:$0x1CD00] =	vst v63  }
0x24: {  	_ = 	snop  }
0x25: {  	[tilespmem:s17], [sflag:$0x1] =	stream.indirect.gather [hbm4b:s5+s15], $0x80, s15, s15, $0xb8;
	[tilespmem:$0x1CD00] =	vst v63  }
0x26: {  	_ =	swait.ge [sflag:s18], $0x4000  }
0x27: {  	[sflag:s18] =	ssyncset.done $0x0  }
0x28: {  	s29 =	simm.s32 $0x80;
	[sflag:s18] =	ssyncadd.s32 $0xFFFFC000  }
0x29: {  	[tilespmem:s19], [sflag:$0x2] =	stream.indirect.gather [hbm4b:s5+s15], $0x80, s29, s15, $0xb8;
	[tilespmem:$0x1CD00] =	vst v63  }
0x2a: {  	s31 =	simm.s32 $0xC0;
	s29 =	simm.s32 $0x0  }
0x2b: {  	[tilespmem:s20], [sflag:$0x2] =	stream.indirect.gather [hbm4b:s5+s15], $0x80, s31, s15, $0xb8;
	[tilespmem:$0x1CD00] =	vst v63  }
0x2c: {  	v0 =	vld [tilespmem:s29+$0x800];
	_ =	sdelay $0x4  }
0x2d: {  	[tilespmem:$0x1000] =	vst v0  }
0x2e: {  	v0 =	vld [tilespmem:s29+$0x810];
	_ =	sdelay $0x4  }
0x2f: {  	[tilespmem:$0x1010] =	vst v0  }
0x30: {  	v0 =	vld [tilespmem:s29+$0x820];
	_ =	sdelay $0x4  }
0x31: {  	[tilespmem:$0x1020] =	vst v0  }
0x32: {  	v0 =	vld [tilespmem:s29+$0x830];
	_ =	sdelay $0x4  }
0x33: {  	[tilespmem:$0x1030] =	vst v0  }
0x34: {  	v0 =	vld [tilespmem:s29+$0x840];
	_ =	sdelay $0x4  }
0x35: {  	[tilespmem:$0x1040] =	vst v0  }
0x36: {  	v0 =	vld [tilespmem:s29+$0x850];
	_ =	sdelay $0x4  }
0x37: {  	[tilespmem:$0x1050] =	vst v0  }
0x38: {  	v0 =	vld [tilespmem:s29+$0x860];
	_ =	sdelay $0x4  }
0x39: {  	[tilespmem:$0x1060] =	vst v0  }
0x3a: {  	v0 =	vld [tilespmem:s29+$0x870];
	_ =	sdelay $0x4  }
0x3b: {  	[tilespmem:$0x1070] =	vst v0  }
0x3c: {  	[spmem:s2] =	stream.indirect.scatter.add.f32 [tilespmem:s16], [sflag:$0x3], $0x80, s22, s21, $0xb8;
	[tilespmem:$0x1CD00] =	vst v63  }
0x3d: {  	_ =	swait.ge [sflag:s13], $0x4000  }
0x3e: {  	[sflag:s13] =	ssyncset.done $0x0  }
0x3f: {  	[sflag:s13] =	ssyncadd.s32 $0xFFFFC000  }
0x40: {  	_ =	swait.ge [sflag:s23], $0x4000  }
0x41: {  	[sflag:s23] =	ssyncset.done $0x0  }
0x42: {  	s31 =	simm.s32 $0x100;
	[sflag:s23] =	ssyncadd.s32 $0xFFFFC000  }
0x43: {  	[tilespmem:s16], [sflag:$0x1] =	stream.indirect.gather [hbm4b:s5+s15], $0x80, s31, s15, $0xb8;
	[tilespmem:$0x1CD00] =	vst v63  }
0x44: {  	s31 =	simm.s32 $0x140  }
0x45: {  	[tilespmem:s17], [sflag:$0x1] =	stream.indirect.gather [hbm4b:s5+s15], $0x80, s31, s15, $0xb8;
	[tilespmem:$0x1CD00] =	vst v63  }
0x46: {  	v63 =	vld [tilespmem:s29+$0x880];
	_ =	sdelay $0x4  }
0x47: {  	[tilespmem:$0x1080] =	vst v63  }
0x48: {  	v0 =	vld [tilespmem:s29+$0x890];
	_ =	sdelay $0x4  }
0x49: {  	[tilespmem:$0x1090] =	vst v0  }
0x4a: {  	v0 =	vld [tilespmem:s29+$0x8A0];
	_ =	sdelay $0x4  }
0x4b: {  	[tilespmem:$0x10A0] =	vst v0  }
0x4c: {  	v0 =	vld [tilespmem:s29+$0x8B0];
	_ =	sdelay $0x4  }
0x4d: {  	[tilespmem:$0x10B0] =	vst v0  }
0x4e: {  	v0 =	vld [tilespmem:s29+$0x8C0];
	_ =	sdelay $0x4  }
0x4f: {  	[tilespmem:$0x10C0] =	vst v0  }
0x50: {  	v0 =	vld [tilespmem:s29+$0x8D0];
	_ =	sdelay $0x4  }
0x51: {  	[tilespmem:$0x10D0] =	vst v0  }
0x52: {  	v0 =	vld [tilespmem:s29+$0x8E0];
	_ =	sdelay $0x4  }
0x53: {  	[tilespmem:$0x10E0] =	vst v0  }
0x54: {  	v0 =	vld [tilespmem:s29+$0x8F0];
	_ =	sdelay $0x4  }
0x55: {  	[tilespmem:$0x10F0] =	vst v0  }
0x56: {  	[spmem:s2] =	stream.indirect.scatter.add.f32 [tilespmem:s19], [sflag:$0x3], $0x80, s24, s21, $0xb8;
	[tilespmem:$0x1CD00] =	vst v63  }
0x57: {  	_ =	swait.ge [sflag:s13], $0x4000  }
0x58: {  	s29 =	simm.s32 $0x400;
	[sflag:s13] =	ssyncset.done $0x0  }
.LBB2_3:
0x59: {  	p0 =	sne.s32 s29, $0x1800  }
0x5a: {  	[sflag:s13] =	ssyncadd.s32 $0xFFFFC000;
	s30 =	smov.u32 s29;
	s29 =	sadd.s32 $0x400, s29  }
0x5b: {  	_ =	swait.ge [sflag:s18], $0x4000  }
0x5c: {  	s30 =	sshra.s32 s30, $0x2;
	[sflag:s18] =	ssyncset.done $0x0  }
0x5d: {  	s31 =	sadd.s32 $0x80, s30;
	[sflag:s18] =	ssyncadd.s32 $0xFFFFC000  }
0x5e: {  	[tilespmem:s19], [sflag:$0x2] =	stream.indirect.gather [hbm4b:s5+s15], $0x80, s31, s15, $0xb8;
	[tilespmem:$0x1CD00] =	vst v63  }
0x5f: {  	s31 =	sadd.s32 $0xC0, s30  }
0x60: {  	[tilespmem:s20], [sflag:$0x2] =	stream.indirect.gather [hbm4b:s5+s15], $0x80, s31, s15, $0xb8;
	[tilespmem:$0x1CD00] =	vst v63  }
0x61: {  	v0 =	vld [tilespmem:s30+$0x800];
	_ =	sdelay $0x4  }
0x62: {  	[tilespmem:$0x1000] =	vst v0  }
0x63: {  	v0 =	vld [tilespmem:s30+$0x810];
	_ =	sdelay $0x4  }
0x64: {  	[tilespmem:$0x1010] =	vst v0  }
0x65: {  	v0 =	vld [tilespmem:s30+$0x820];
	_ =	sdelay $0x4  }
0x66: {  	[tilespmem:$0x1020] =	vst v0  }
0x67: {  	v0 =	vld [tilespmem:s30+$0x830];
	_ =	sdelay $0x4  }
0x68: {  	[tilespmem:$0x1030] =	vst v0  }
0x69: {  	v0 =	vld [tilespmem:s30+$0x840];
	_ =	sdelay $0x4  }
0x6a: {  	[tilespmem:$0x1040] =	vst v0  }
0x6b: {  	v0 =	vld [tilespmem:s30+$0x850];
	_ =	sdelay $0x4  }
0x6c: {  	[tilespmem:$0x1050] =	vst v0  }
0x6d: {  	v0 =	vld [tilespmem:s30+$0x860];
	_ =	sdelay $0x4  }
0x6e: {  	[tilespmem:$0x1060] =	vst v0  }
0x6f: {  	v0 =	vld [tilespmem:s30+$0x870];
	_ =	sdelay $0x4  }
0x70: {  	[tilespmem:$0x1070] =	vst v0  }
0x71: {  	[spmem:s2] =	stream.indirect.scatter.add.f32 [tilespmem:s16], [sflag:$0x3], $0x80, s22, s21, $0xb8;
	[tilespmem:$0x1CD00] =	vst v63  }
0x72: {  	_ =	swait.ge [sflag:s13], $0x4000  }
0x73: {  	[sflag:s13] =	ssyncset.done $0x0  }
0x74: {  	[sflag:s13] =	ssyncadd.s32 $0xFFFFC000  }
0x75: {  	_ =	swait.ge [sflag:s23], $0x4000  }
0x76: {  	[sflag:s23] =	ssyncset.done $0x0  }
0x77: {  	s31 =	sadd.s32 $0x100, s30;
	[sflag:s23] =	ssyncadd.s32 $0xFFFFC000  }
0x78: {  	[tilespmem:s16], [sflag:$0x1] =	stream.indirect.gather [hbm4b:s5+s15], $0x80, s31, s15, $0xb8;
	[tilespmem:$0x1CD00] =	vst v63  }
0x79: {  	s31 =	sadd.s32 $0x140, s30  }
0x7a: {  	[tilespmem:s17], [sflag:$0x1] =	stream.indirect.gather [hbm4b:s5+s15], $0x80, s31, s15, $0xb8;
	[tilespmem:$0x1CD00] =	vst v63  }
0x7b: {  	v0 =	vld [tilespmem:s30+$0x880];
	_ =	sdelay $0x4  }
0x7c: {  	[tilespmem:$0x1080] =	vst v0  }
0x7d: {  	v0 =	vld [tilespmem:s30+$0x890];
	_ =	sdelay $0x4  }
0x7e: {  	[tilespmem:$0x1090] =	vst v0  }
0x7f: {  	v0 =	vld [tilespmem:s30+$0x8A0];
	_ =	sdelay $0x4  }
0x80: {  	[tilespmem:$0x10A0] =	vst v0  }
0x81: {  	v0 =	vld [tilespmem:s30+$0x8B0];
	_ =	sdelay $0x4  }
0x82: {  	[tilespmem:$0x10B0] =	vst v0  }
0x83: {  	v0 =	vld [tilespmem:s30+$0x8C0];
	_ =	sdelay $0x4  }
0x84: {  	[tilespmem:$0x10C0] =	vst v0  }
0x85: {  	v0 =	vld [tilespmem:s30+$0x8D0];
	_ =	sdelay $0x4  }
0x86: {  	[tilespmem:$0x10D0] =	vst v0  }
0x87: {  	v0 =	vld [tilespmem:s30+$0x8E0];
	_ =	sdelay $0x4  }
0x88: {  	[tilespmem:$0x10E0] =	vst v0  }
0x89: {  	v0 =	vld [tilespmem:s30+$0x8F0];
	_ =	sdelay $0x3  }
.Ltmp0:
0x8a: {  	(pc) =	sbr.rel @p0 .LBB2_3-.Ltmp0, $4  }
0x8b: {  	[tilespmem:$0x10F0] =	vst v0  }
0x8c: {  	[spmem:s2] =	stream.indirect.scatter.add.f32 [tilespmem:s19], [sflag:$0x3], $0x80, s24, s21, $0xb8;
	[tilespmem:$0x1CD00] =	vst v63  }
0x8d: {  	_ =	swait.ge [sflag:s13], $0x4000  }
0x8e: {  	[sflag:s13] =	ssyncset.done $0x0  }
0x8f: {  	[sflag:s13] =	ssyncadd.s32 $0xFFFFC000  }
0x90: {  	_ =	swait.ge [sflag:s18], $0x4000  }
0x91: {  	[sflag:s18] =	ssyncset.done $0x0  }
0x92: {  	[sflag:s18] =	ssyncadd.s32 $0xFFFFC000  }
0x93: {  	[tilespmem:s19], [sflag:$0x2] =	stream.indirect.gather [hbm4b:s5+s15], $0x80, s25, s15, $0xb8;
	[tilespmem:$0x1CD00] =	vst v63  }
0x94: {  	_ = 	snop  }
0x95: {  	[tilespmem:s20], [sflag:$0x2] =	stream.indirect.gather [hbm4b:s5+s15], $0x80, s26, s15, $0xb8;
	[tilespmem:$0x1CD00] =	vst v63  }
0x96: {  	v0 =	vld [tilespmem:$0xF00]  }
0x97: {  	v1 =	vld [tilespmem:$0xF10]  }
0x98: {  	v2 =	vld [tilespmem:$0xF20]  }
0x99: {  	v3 =	vld [tilespmem:$0xF30]  }
0x9a: {  	v4 =	vld [tilespmem:$0xF40]  }
0x9b: {  	v53 =	vld [tilespmem:$0xF50];
	[tilespmem:$0x1000] =	vst v0  }
0x9c: {  	v54 =	vld [tilespmem:$0xF60];
	[tilespmem:$0x1010] =	vst v1  }
0x9d: {  	v55 =	vld [tilespmem:$0xF70];
	[tilespmem:$0x1020] =	vst v2  }
0x9e: {  	[tilespmem:$0x1030] =	vst v3  }
0x9f: {  	[tilespmem:$0x1040] =	vst v4  }
0xa0: {  	[tilespmem:$0x1050] =	vst v53  }
0xa1: {  	[tilespmem:$0x1060] =	vst v54  }
0xa2: {  	[tilespmem:$0x1070] =	vst v55  }
0xa3: {  	[spmem:s2] =	stream.indirect.scatter.add.f32 [tilespmem:s16], [sflag:$0x3], $0x80, s22, s21, $0xb8;
	[tilespmem:$0x1CD00] =	vst v63  }
0xa4: {  	_ =	swait.ge [sflag:s13], $0x4000  }
0xa5: {  	[sflag:s13] =	ssyncset.done $0x0  }
0xa6: {  	[sflag:s13] =	ssyncadd.s32 $0xFFFFC000  }
0xa7: {  	_ =	swait.ge [sflag:s23], $0x4000  }
0xa8: {  	[sflag:s23] =	ssyncset.done $0x0  }
0xa9: {  	[sflag:s23] =	ssyncadd.s32 $0xFFFFC000  }
0xaa: {  	v56 =	vld [tilespmem:$0xF80]  }
0xab: {  	v57 =	vld [tilespmem:$0xF90]  }
0xac: {  	v58 =	vld [tilespmem:$0xFA0]  }
0xad: {  	v59 =	vld [tilespmem:$0xFB0]  }
0xae: {  	v60 =	vld [tilespmem:$0xFC0]  }
0xaf: {  	v61 =	vld [tilespmem:$0xFD0];
	[tilespmem:$0x1080] =	vst v56  }
0xb0: {  	v62 =	vld [tilespmem:$0xFE0];
	[tilespmem:$0x1090] =	vst v57  }
0xb1: {  	v63 =	vld [tilespmem:$0xFF0];
	[tilespmem:$0x10A0] =	vst v58  }
0xb2: {  	[tilespmem:$0x10B0] =	vst v59  }
0xb3: {  	[tilespmem:$0x10C0] =	vst v60  }
0xb4: {  	s28 =	sadd.s32 $0x1, s28;
	[tilespmem:$0x10D0] =	vst v61  }
0xb5: {  	p0 =	sne.s32 s28, $0x5;
	[tilespmem:$0x10E0] =	vst v62  }
.Ltmp1:
0xb6: {  	[tilespmem:$0x10F0] =	vst v63;
	(pc) =	sbr.rel @p0 .LBB2_2-.Ltmp1, $4  }
0xb7: {  	[spmem:s2] =	stream.indirect.scatter.add.f32 [tilespmem:s19], [sflag:$0x3], $0x80, s24, s21, $0xb8;
	[tilespmem:$0x1CD00] =	vst v63  }
0xb8: {  	_ =	swait.ge [sflag:s13], $0x4000  }
0xb9: {  	[sflag:s13] =	ssyncset.done $0x0  }
0xba: {  	[sflag:s13] =	ssyncadd.s32 $0xFFFFC000  }
0xbb: {  	s4 =	sadd.s32 $0x1, s4  }
0xbc: {  	p0 =	sne.s32 s4, s11  }
.Ltmp2:
0xbd: {  	[bflag:$0x0] =	sbarrier.arrive $0xFFFF;
	(pc) =	sbr.rel @p0 .LBB2_1-.Ltmp2, $4  }
0xbe: {  	[hbm:s10], [sflag:s8] =	dma.local [spmem:s12], $0x2780  }
0xbf: {  	_ =	swait.ge [sflag:s13], $0x2780  }
0xc0: {  	[sflag:s13] =	ssyncset.done $0x0  }
0xc1: {  	[sflag:s13] =	ssyncadd.s32 $0xFFFFD880  }
0xc2: {  	_ =	sfence.sel $0x180000  }
0xc3: {  	[bflag:$0x0] =	sbarrier.arrive $0xFFFF  }
0xc4: {  	p0 =	sne.s32 s3, $0x0;
	_ =	strace $0x90000050  }
0xc5: {  	s0 =	sadd.s32 @!p0 $0x100000, s0;
	[bflag:$0x2] =	sbarrier.arrive $0xFFFF  }
0xc6: {  	[sflag:s0] =	ssyncadd.tile.s32 @!p0 $0x1;
	_ =	shalt  }
.Lfunc_end2:
_tile_overlayer_lowered:
.L_overlay_start_2:
0xc7: {  	(tag) =	ssettag $0x2  }
0xc8: {  	s0 =	rddreg [dreg:$0x0];
	s2 =	stileid.u32  }
0xc9: {  	s1 =	rddreg [dreg:$0x1];
	p0 =	sne.s32 s2, $0x0  }
0xca: {  	s3 =	rddreg [dreg:$0x2];
	[bflag:$0x3] =	sbarrier.arrive $0xFFFF;
	s2 =	simm.s32 @!p0 $0x1C03  }
0xcb: {  	[timem:s3], [sflag:s2] =	dma.local @!p0 [hbm:s0], s1  }
0xcc: {  	s0 =	simm.s32 @!p0 $0x3  }
0xcd: {  	_ =	swait.ge @!p0 [sflag:s0], s1  }
0xce: {  	s1 =	ssub.s32 @!p0 $0x0, s1;
	[sflag:s0] =	ssyncset.done @!p0 $0x0  }
0xcf: {  	[sflag:s0] =	ssyncadd.s32 @!p0 s1  }
0xd0: {  	[bflag:$0x3] =	sbarrier.arrive $0xFFFF  }
0xd1: {  	_ =	shalt  }

// kernel: kernel.9.cloned.1.call-start
scs
__scs_entry_jumppad:
0x0: {  	(pc) =	sbr.rel $0x88, $3  }
0x1: {  	(tag) =	ssettag $0x0;
	lr =	simm.s32 $0x1  }
0x2: {  	[smem:$0x3F99] =	sst lr;
	_ =	strace $0xD0000000  }
0x3: {  	_ = 	snop  }
0x4: {  	_ = 	snop  }
0x5: {  	_ = 	snop  }
0x6: {  	_ = 	snop  }
0x7: {  	_ = 	snop  }
__scs_overlays_trampoline_lowered:
0x8: {  	[smem:$0x3FA8] =	sst s0  }
0x9: {  	[smem:$0x3FA9] =	sst s1  }
0xa: {  	[smem:$0x3FAA] =	sst s2  }
0xb: {  	[smem:$0x3FAB] =	sst s3  }
0xc: {  	[smem:$0x3FAC] =	sst s4  }
0xd: {  	[smem:$0x3FAD] =	sst s5  }
0xe: {  	[smem:$0x3FAE] =	sst s6  }
0xf: {  	[smem:$0x3FAF] =	sst s7  }
0x10: {  	[smem:$0x3FB0] =	sst s8  }
0x11: {  	[smem:$0x3FB1] =	sst s9;
	s0 =	simm.s32 @!p0 $0x0  }
0x12: {  	s1 =	sld [smem:$0x3F97];
	s0 =	simm.s32 @p0 $0x1  }
0x13: {  	[smem:$0x3FB2] =	sst s0;
	s0 =	simm.s32 @!p1 $0x0  }
0x14: {  	s2 =	sld [smem:$0x3F96];
	s0 =	simm.s32 @p1 $0x1  }
0x15: {  	[smem:$0x3FB3] =	sst s0;
	s0 =	simm.s32 @!p2 $0x0  }
0x16: {  	s3 =	sld [smem:$0x3FDB];
	s0 =	simm.s32 @p2 $0x1  }
0x17: {  	s4 =	simm.s32 $0x1BF5;
	[smem:$0x3FB5] =	sst s0  }
0x18: {  	s0 =	sld [smem:$0x3F98];
	_ =	swait.ge [sflag:s4], $0x0  }
0x19: {  	s7 =	sld [smem:$0x3F99]  }
0x1a: {  	s8 =	sadd.s32 $0xFFFFE003, lr  }
0x1b: {  	s9 =	sadd.s32 $0xFFFFFEF7, lr;
	s5 =	simm.s32 $0xFFFFFFFF;
	p2 =	slt.u32 s8, $0xFFFFF086  }
0x1c: {  	p1 =	slt.u32 s9, $0xF7A;
	s5 =	simm.s32 @!p2 $0x0  }
0x1d: {  	s5 =	simm.s32 @p1 $0x1;
	p0 =	seq.s32 s7, s2  }
0x1e: {  	s7 =	smul.u32 @!p0 $0xF7A, s2;
	p2 =	seq.s32 @!p0 s5, $0x0  }
0x1f: {  	s9 =	smul.u32 $0xF7A, s1;
	s8 =	simm.s32 @!p0 $0x1BF5;
	p2 =	por !p2, p0  }
0x20: {  	[sflag:s8] =	ssyncset.s32 @!p0 $0xFFFFF086;
	s6 =	sadd.s32 @!p0 s3, s7;
	s7 =	simm.s32 @!p0 $0x108  }
0x21: {  	s3 =	sadd.s32 s3, s9;
	s6 =	sadd.s32 @!p0 $0x88, s6;
	s7 =	simm.s32 @p2 $0x1082  }
0x22: {  	[simem:s7], [sflag:s8] =	dma.local @!p0 [hbm:s6], $0xF7A  }
0x23: {  	s9 =	sor.u32 $0xD0000000, s2;
	s6 =	simm.s32 $0x108;
	_ =	swait.ge @!p0 [sflag:s8], $0x0  }
0x24: {  	s3 =	sadd.s32 $0x88, s3;
	s6 =	simm.s32 @!p1 $0x1082;
	[sflag:s4] =	ssyncset.s32 $0xFFFFF086  }
0x25: {  	[simem:s6], [sflag:s4] =	dma.local [hbm:s3], $0xF7A  }
0x26: {  	[smem:$0x3F99] =	sst s1;
	(tag) =	ssettag s2;
	_ =	strace s9  }
0x27: {  	s1 =	sld [smem:$0x3FA9]  }
0x28: {  	s2 =	sld [smem:$0x3FAA]  }
0x29: {  	s4 =	sld [smem:$0x3FAC]  }
0x2a: {  	p0 =	seq.s32 s5, $0x0;
	s5 =	sld [smem:$0x3FAD]  }
0x2b: {  	s6 =	sld [smem:$0x3FAE]  }
0x2c: {  	s7 =	sld [smem:$0x3FAF]  }
0x2d: {  	s3 =	simm.s32 $0x108;
	s8 =	sld [smem:$0x3FB0]  }
0x2e: {  	s3 =	simm.s32 @!p0 $0x1082;
	s9 =	sld [smem:$0x3FB1]  }
0x2f: {  	lr =	sadd.s32 s0, s3;
	s0 =	sld [smem:$0x3FA8]  }
0x30: {  	s3 =	sld [smem:$0x3FAB]  }
0x31: {  	[smem:$0x3FB4] =	sst s10  }
0x32: {  	s10 =	sld [smem:$0x3FB2];
	_ =	sdelay $0x3  }
0x33: {  	p0 =	seq.s32 s10, $0x1;
	s10 =	sld [smem:$0x3FB4];
	_ =	sdelay $0x3  }
0x34: {  	[smem:$0x3FB4] =	sst s10  }
0x35: {  	s10 =	sld [smem:$0x3FB3];
	_ =	sdelay $0x3  }
0x36: {  	p1 =	seq.s32 s10, $0x1;
	s10 =	sld [smem:$0x3FB4];
	_ =	sdelay $0x3  }
0x37: {  	[smem:$0x3FB4] =	sst s10  }
0x38: {  	s10 =	sld [smem:$0x3FB5]  }
0x39: {  	_ = 	snop;
	(pc) =	sbr.ind lr, $3  }
0x3a: {  	_ = 	snop  }
0x3b: {  	_ = 	snop  }
0x3c: {  	p2 =	seq.s32 s10, $0x1;
	s10 =	sld [smem:$0x3FB4]  }
0x3d: {  	_ =	shalt  }
0x3e: {  	_ =	shalt  }
0x3f: {  	_ =	shalt  }
0x40: {  	_ =	shalt  }
0x41: {  	_ =	shalt  }
0x42: {  	_ =	shalt  }
0x43: {  	_ =	shalt  }
0x44: {  	_ =	shalt  }
0x45: {  	_ =	shalt  }
0x46: {  	_ =	shalt  }
0x47: {  	_ =	shalt  }
0x48: {  	_ =	shalt  }
0x49: {  	_ =	shalt  }
0x4a: {  	_ =	shalt  }
0x4b: {  	_ =	shalt  }
0x4c: {  	_ =	shalt  }
0x4d: {  	_ =	shalt  }
0x4e: {  	_ =	shalt  }
0x4f: {  	_ =	shalt  }
0x50: {  	_ =	shalt  }
0x51: {  	_ =	shalt  }
0x52: {  	_ =	shalt  }
0x53: {  	_ =	shalt  }
0x54: {  	_ =	shalt  }
0x55: {  	_ =	shalt  }
0x56: {  	_ =	shalt  }
0x57: {  	_ =	shalt  }
0x58: {  	_ =	shalt  }
0x59: {  	_ =	shalt  }
0x5a: {  	_ =	shalt  }
0x5b: {  	_ =	shalt  }
0x5c: {  	_ =	shalt  }
0x5d: {  	_ =	shalt  }
0x5e: {  	_ =	shalt  }
0x5f: {  	_ =	shalt  }
0x60: {  	_ =	shalt  }
0x61: {  	_ =	shalt  }
0x62: {  	_ =	shalt  }
0x63: {  	_ =	shalt  }
0x64: {  	_ =	shalt  }
0x65: {  	_ =	shalt  }
0x66: {  	_ =	shalt  }
0x67: {  	_ =	shalt  }
0x68: {  	_ =	shalt  }
0x69: {  	_ =	shalt  }
0x6a: {  	_ =	shalt  }
0x6b: {  	_ =	shalt  }
0x6c: {  	_ =	shalt  }
0x6d: {  	_ =	shalt  }
0x6e: {  	_ =	shalt  }
0x6f: {  	_ =	shalt  }
0x70: {  	_ =	shalt  }
0x71: {  	_ =	shalt  }
0x72: {  	_ =	shalt  }
0x73: {  	_ =	shalt  }
0x74: {  	_ =	shalt  }
0x75: {  	_ =	shalt  }
0x76: {  	_ =	shalt  }
0x77: {  	_ =	shalt  }
0x78: {  	_ =	shalt  }
0x79: {  	_ =	shalt  }
0x7a: {  	_ =	shalt  }
0x7b: {  	_ =	shalt  }
0x7c: {  	_ =	shalt  }
0x7d: {  	_ =	shalt  }
0x7e: {  	_ =	shalt  }
0x7f: {  	_ =	shalt  }
0x80: {  	_ =	shalt  }
0x81: {  	_ =	shalt  }
0x82: {  	_ =	shalt  }
0x83: {  	_ =	shalt  }
0x84: {  	_ =	shalt  }
0x85: {  	_ =	shalt  }
0x86: {  	_ =	shalt  }
0x87: {  	_ =	shalt  }
.Lfunc_end0:
.L_simem_size_0:
called_computation_lowered:
.L_overlay_start_0:
0x88: {  	s2 =	sld [smem:$0x3FD9]  }
0x89: {  	s3 =	sld [smem:$0x3FFE];
	_ =	sdelay $0x1  }
0x8a: {  	s1 =	srdreg.scid  }
0x8b: {  	s0 =	sand.u32 $0x1, s1  }
0x8c: {  	s17 =	sshll.u32 s0, $0xA;
	s2 =	sadd.s32 s3, s2  }
0x8d: {  	s2 =	sadd.s32 s2, s17  }
0x8e: {  	[smem:$0x3FC0] =	sst s2  }
0x8f: {  	_ = 	snop  }
0x90: {  	(tm) =	ssettm $0x1  }
0x91: {  	s18 =	sld [smem:$0x3FFB];
	_ =	sdelay $0x3  }
0x92: {  	_ =	strace s18  }
0x93: {  	s2 =	sld [smem:$0x3FFC];
	_ =	sdelay $0x3  }
0x94: {  	_ =	strace s2  }
0x95: {  	s2 =	sld [smem:$0x3FFD];
	_ =	sdelay $0x3  }
0x96: {  	_ =	strace s2  }
0x97: {  	_ =	strace $0x8FFFFFFF  }
0x98: {  	s19 =	sld [smem:$0x3FDB];
	_ =	sdelay $0x1  }
0x99: {  	s20 =	simm.s32 $_scs_section_size  }
0x9a: {  	s4 =	simm.s32 $_size__tile_overlayer_lowered;
	s5 =	simm.s32 $_tile_overlayer_lowered  }
0x9b: {  	s6 =	simm.s32 $0x1BFF;
	s21 =	sshll.u32 s5, $0x1;
	s3 =	sadd.s32 s20, s19  }
0x9c: {  	s22 =	simm.s32 $0x0;
	s4 =	sshll.u32 s4, $0x1;
	s5 =	sadd.s32 s21, s3  }
0x9d: {  	[timem:s22], [sflag:s6] =	dma.local [hbm:s5], s4  }
0x9e: {  	_ =	swait.ge [sflag:s6], s4  }
0x9f: {  	s4 =	ssub.s32 $0x0, s4;
	[sflag:s6] =	ssyncset.done $0x0  }
0xa0: {  	[sflag:s6] =	ssyncadd.s32 s4;
	_ =	sdelay $0x1  }
0xa1: {  	s23 =	simm.s32 $0x1B8B  }
0xa2: {  	_ =	swait.ge [sflag:s23], $0x1  }
0xa3: {  	[sflag:s23] =	ssyncset.done $0x0  }
0xa4: {  	[sflag:s23] =	ssyncadd.s32 $0xFFFFFFFF  }
0xa5: {  	s4 =	sld [smem:$0x0]  }
0xa6: {  	s5 =	sand.u32 $0xFFFFFFFE, s1  }
0xa7: {  	p0 =	sne.s32 s1, s5  }
0xa8: {  	s5 =	sshll.u32 @p0 s5, $0xE  }
0xa9: {  	s5 =	sadd.s32 @p0 $0x11B8D, s5;
	s6 =	sshll.u32 @p0 s4, $0x11  }
0xaa: {  	s5 =	sor.u32 @p0 s6, s5  }
0xab: {  	[sflag:s5] =	ssyncadd.remote.s32 @p0 $0x1;
	_ =	sdelay $0x1  }
0xac: {  	s5 =	simm.s32 @p0 $0x1B8D  }
0xad: {  	_ =	swait.eq @p0 [sflag:s5], $0x1  }
0xae: {  	[sflag:s5] =	ssyncadd.s32 @p0 $0xFFFFFFFF  }
0xaf: {  	s6 =	sshll.u32 @!p0 s1, $0xE  }
0xb0: {  	s6 =	sor.u32 @!p0 $0x4000, s6;
	s5 =	simm.s32 @!p0 $0x1B8D  }
0xb1: {  	s4 =	sshll.u32 @!p0 s4, $0x11;
	s6 =	sadd.s32 @!p0 $0x11B8D, s6;
	_ =	swait.eq @!p0 [sflag:s5], $0x1  }
0xb2: {  	s4 =	sor.u32 @!p0 s4, s6;
	[sflag:s5] =	ssyncadd.s32 @!p0 $0xFFFFFFFF  }
0xb3: {  	s25 =	simm.s32 $0x1B8E;
	s24 =	sld [smem:$0x3FFE];
	[sflag:s4] =	ssyncadd.remote.s32 @!p0 $0x1  }
0xb4: {  	s26 =	simm.s32 $execute0_lowered;
	[smem:$0x3FD2] =	sst s25  }
0xb5: {  	s5 =	sshll.u32 s26, $0x1;
	_ =	strace $0x80000049;
	[dreg:$0x1] =	wrdreg $0xFFFFFFFF  }
0xb6: {  	s28 =	simm.s32 $_size_execute0_lowered;
	s3 =	sadd.s32 s3, s5;
	[dreg:$0x0] =	wrdreg $0x0  }
0xb7: {  	s5 =	sshll.u32 s28, $0x1;
	[dreg:$0x2] =	wrdreg s3  }
0xb8: {  	[dreg:$0x3] =	wrdreg s5  }
0xb9: {  	[dreg:$0x4] =	wrdreg $0xC0  }
0xba: {  	_ =	task [dreg:s22], $0x5FFFF  }
0xbb: {  	[dreg:$0x1] =	wrdreg $0xFFFFFFFF  }
0xbc: {  	[dreg:$0x0] =	wrdreg $0x60  }
0xbd: {  	[dreg:$0x2] =	wrdreg s24  }
0xbe: {  	[dreg:$0x3] =	wrdreg $0x68800  }
0xbf: {  	[dreg:$0x4] =	wrdreg $0x9  }
0xc0: {  	_ =	task.clear_ibuf [dreg:s22], $0x5FFFF;
	_ =	strace $0x90000049  }
0xc1: {  	s29 =	simm.s32 $0x9;
	_ =	strace $0x8000004B  }
0xc2: {  	_ =	swait.ge [sflag:s29], $0x1  }
0xc3: {  	[sflag:s29] =	ssyncadd.s32 $0xFFFFFFFF  }
0xc4: {  	_ =	strace $0x9000004B  }
0xc5: {  	_ =	sfence  }
0xc6: {  	s30 =	sld [smem:$0x0];
	_ =	sdelay $0x2  }
0xc7: {  	s31 =	sshll.u32 s1, $0xD;
	s1 =	sshrl.u32 s1, $0x2  }
0xc8: {  	s4 =	sand.u32 $0x4000, s31;
	s1 =	sadd.s32 s1, s30  }
0xc9: {  	s0 =	sor.u32 s4, s0;
	s1 =	sshll.u32 s1, $0x11  }
0xca: {  	s0 =	sor.u32 s1, s0  }
0xcb: {  	s0 =	sadd.s32 $0x8F2B, s0  }
0xcc: {  	[sflag:s0] =	ssyncadd.remote.s32 $0x1  }
0xcd: {  	_ =	sfence.sel $0xFFFF  }
0xce: {  	[dreg:$0x0] =	wrdreg $0xFFFFFFFF;
	(pc) =	sbr.abs _section_cstart, $3  }
0xcf: {  	[dreg:$0x1] =	wrdreg $0xFFFFFFFF  }
0xd0: {  	_ =	task.clear_ibuf [dreg:s22], $0x2FFFF;
	_ =	strace $0x9FFFFFFF  }
0xd1: {  	(tm) =	ssettm $0x7FFFFFFF  }
tec
execute0_lowered:
.L_overlay_start_1:
0x0: {  	(tag) =	ssettag $0x1  }
0x1: {  	s6 =	rddreg [dreg:$0x0]  }
0x2: {  	s0 =	srdreg.scid;
	s2 =	rddreg [dreg:$0x1]  }
0x3: {  	s3 =	simm.s32 $0x0;
	s13 =	simm.s32 $0x80;
	s14 =	simm.s32 $0x2800  }
0x4: {  	s15 =	simm.s32 $0x0;
	s5 =	sand.u32 $0x1, s0;
	s0 =	stileid.u32  }
0x5: {  	[smem:$0x7FF] =	sst s3;
	s4 =	sadd.s32 $0xAC600, s6;
	s9 =	smul.u32 $0x2780, s0  }
0x6: {  	s1 =	sshll.u32 s5, $0x4;
	s5 =	ssub.s32 $0x2, s5;
	s10 =	smul.u32 $0x4F000, s0  }
0x7: {  	s31 =	sshll.u32 s0, $0x6;
	s7 =	sor.u32 s0, s1;
	s1 =	rddreg [dreg:$0x2]  }
0x8: {  	_ =	strace $0x8000004A;
	s29 =	sshrl.u32 s5, $0x1;
	s8 =	smul.u32 $0x500, s7  }
0x9: {  	s7 =	smul.u32 $0x2780, s7;
	s9 =	sadd.s32 s9, s6;
	s30 =	sshrl.u32 s10, $0x2  }
0xa: {  	s12 =	ssub.s32 s5, s29;
	s10 =	sadd.s32 s30, s2;
	s5 =	sadd.s32 $0x35E00, s9  }
0xb: {  	s9 =	smax.u32 s12, $0x1;
	s12 =	simm.s32 $0x2880;
	s8 =	sadd.s32 s8, s6  }
0xc: {  	s11 =	sadd.s32 s7, s6;
	s6 =	sor.u32 $0x1C01, s31;
	s10 =	sshrl.u32 s10, $0x3  }
0xd: {  	s7 =	sadd.s32 $0x2BE00, s8;
	s8 =	sadd.s32 $0xACE00, s11;
	s11 =	simm.s32 $0x1  }
.LBB2_1:
0xe: {  	[spmem:s10], [sflag:s6] =	dma.local [hbm:s5], $0x2780  }
0xf: {  	_ =	swait.ge [sflag:s11], $0x2780  }
0x10: {  	[sflag:s11] =	ssyncset.done $0x0  }
0x11: {  	[sflag:s11] =	ssyncadd.s32 $0xFFFFD880  }
0x12: {  	[tilespmem:s3], [sflag:$0x1] =	stream.linear.gather [hbm4b:s7+s3], $0x2800, $0x38;
	[tilespmem:$0x1A480] =	vst v63  }
0x13: {  	_ =	swait.ge [sflag:s11], $0x2800  }
0x14: {  	[sflag:s11] =	ssyncset.done $0x0  }
0x15: {  	[sflag:s11] =	ssyncadd.s32 $0xFFFFD800  }
0x16: {  	[tilespmem:s12], [sflag:$0x1] =	stream.linear.gather [hbm4b:s4+s3], $0x4000, $0x38;
	[tilespmem:$0x1A480] =	vst v63  }
0x17: {  	_ =	swait.ge [sflag:s11], $0x4000  }
0x18: {  	[sflag:s11] =	ssyncset.done $0x0  }
0x19: {  	[sflag:s11] =	ssyncadd.s32 $0xFFFFC000  }
0x1a: {  	s16 =	simm.s32 $0x0;
	[bflag:$0x0] =	sbarrier.arrive $0xFFFF  }
0x1b: {  	v0 =	vld [tilespmem:s16+$0x0];
	_ =	sdelay $0x4  }
0x1c: {  	[tilespmem:$0x2800] =	vst v0  }
0x1d: {  	v0 =	vld [tilespmem:s16+$0x10];
	_ =	sdelay $0x4  }
0x1e: {  	[tilespmem:$0x2810] =	vst v0  }
0x1f: {  	v0 =	vld [tilespmem:s16+$0x20];
	_ =	sdelay $0x4  }
0x20: {  	[tilespmem:$0x2820] =	vst v0  }
0x21: {  	v0 =	vld [tilespmem:s16+$0x30];
	_ =	sdelay $0x4  }
0x22: {  	[tilespmem:$0x2830] =	vst v0  }
0x23: {  	v0 =	vld [tilespmem:s16+$0x40];
	_ =	sdelay $0x4  }
0x24: {  	[tilespmem:$0x2840] =	vst v0  }
0x25: {  	v0 =	vld [tilespmem:s16+$0x50];
	_ =	sdelay $0x4  }
0x26: {  	[tilespmem:$0x2850] =	vst v0  }
0x27: {  	v0 =	vld [tilespmem:s16+$0x60];
	_ =	sdelay $0x4  }
0x28: {  	[tilespmem:$0x2860] =	vst v0  }
0x29: {  	v0 =	vld [tilespmem:s16+$0x70];
	_ =	sdelay $0x4  }
0x2a: {  	[tilespmem:$0x2870] =	vst v0  }
0x2b: {  	[spmem:s2] =	stream.indirect.scatter.add.f32 [tilespmem:s12], [sflag:$0x1], $0x80, s14, s13, $0xb8;
	[tilespmem:$0x1A480] =	vst v63  }
0x2c: {  	_ =	swait.ge [sflag:s11], $0x4000  }
0x2d: {  	s18 =	simm.s32 $0x400;
	s16 =	simm.s32 $0x200;
	[sflag:s11] =	ssyncset.done $0x0  }
.LBB2_2:
0x2e: {  	s19 =	sshra.s32 s16, $0x2  }
0x2f: {  	[sflag:s11] =	ssyncadd.s32 $0xFFFFC000;
	s16 =	smov.u32 s18;
	s17 =	sadd.s32 $0x200, s18  }
0x30: {  	p0 =	sne.s32 s18, $0x9E00;
	v0 =	vld [tilespmem:s19+$0x0];
	_ =	sdelay $0x4  }
0x31: {  	[tilespmem:$0x2800] =	vst v0  }
0x32: {  	v0 =	vld [tilespmem:s19+$0x10];
	_ =	sdelay $0x4  }
0x33: {  	[tilespmem:$0x2810] =	vst v0  }
0x34: {  	v0 =	vld [tilespmem:s19+$0x20];
	_ =	sdelay $0x4  }
0x35: {  	[tilespmem:$0x2820] =	vst v0  }
0x36: {  	v0 =	vld [tilespmem:s19+$0x30];
	_ =	sdelay $0x4  }
0x37: {  	[tilespmem:$0x2830] =	vst v0  }
0x38: {  	v0 =	vld [tilespmem:s19+$0x40];
	_ =	sdelay $0x4  }
0x39: {  	[tilespmem:$0x2840] =	vst v0  }
0x3a: {  	v0 =	vld [tilespmem:s19+$0x50];
	_ =	sdelay $0x4  }
0x3b: {  	[tilespmem:$0x2850] =	vst v0  }
0x3c: {  	v0 =	vld [tilespmem:s19+$0x60];
	_ =	sdelay $0x4  }
0x3d: {  	[tilespmem:$0x2860] =	vst v0  }
0x3e: {  	v0 =	vld [tilespmem:s19+$0x70];
	_ =	sdelay $0x3  }
.Ltmp0:
0x3f: {  	(pc) =	sbr.rel @p0 .LBB2_2-.Ltmp0, $4  }
0x40: {  	[tilespmem:$0x2870] =	vst v0  }
0x41: {  	[spmem:s2] =	stream.indirect.scatter.add.f32 [tilespmem:s12], [sflag:$0x1], $0x80, s14, s13, $0xb8;
	[tilespmem:$0x1A480] =	vst v63  }
0x42: {  	_ =	swait.ge [sflag:s11], $0x4000  }
0x43: {  	s18 =	smov.u32 s17;
	[sflag:s11] =	ssyncset.done $0x0  }
0x44: {  	s16 =	sshra.s32 s16, $0x2;
	[sflag:s11] =	ssyncadd.s32 $0xFFFFC000  }
0x45: {  	v0 =	vld [tilespmem:s16+$0x0];
	_ =	sdelay $0x4  }
0x46: {  	[tilespmem:$0x2800] =	vst v0  }
0x47: {  	v0 =	vld [tilespmem:s16+$0x10];
	_ =	sdelay $0x4  }
0x48: {  	[tilespmem:$0x2810] =	vst v0  }
0x49: {  	v0 =	vld [tilespmem:s16+$0x20];
	_ =	sdelay $0x4  }
0x4a: {  	[tilespmem:$0x2820] =	vst v0  }
0x4b: {  	v0 =	vld [tilespmem:s16+$0x30];
	_ =	sdelay $0x4  }
0x4c: {  	[tilespmem:$0x2830] =	vst v0  }
0x4d: {  	v0 =	vld [tilespmem:s16+$0x40];
	_ =	sdelay $0x4  }
0x4e: {  	[tilespmem:$0x2840] =	vst v0  }
0x4f: {  	v0 =	vld [tilespmem:s16+$0x50];
	_ =	sdelay $0x4  }
0x50: {  	[tilespmem:$0x2850] =	vst v0  }
0x51: {  	v0 =	vld [tilespmem:s16+$0x60];
	_ =	sdelay $0x4  }
0x52: {  	[tilespmem:$0x2860] =	vst v0  }
0x53: {  	v0 =	vld [tilespmem:s16+$0x70];
	_ =	sdelay $0x4  }
0x54: {  	[tilespmem:$0x2870] =	vst v0  }
0x55: {  	[spmem:s2] =	stream.indirect.scatter.add.f32 [tilespmem:s12], [sflag:$0x1], $0x80, s14, s13, $0xb8;
	[tilespmem:$0x1A480] =	vst v63  }
0x56: {  	_ =	swait.ge [sflag:s11], $0x4000  }
0x57: {  	s15 =	sadd.s32 $0x1, s15;
	[sflag:s11] =	ssyncset.done $0x0  }
0x58: {  	p0 =	sne.s32 s15, s9;
	[sflag:s11] =	ssyncadd.s32 $0xFFFFC000  }
.Ltmp1:
0x59: {  	[bflag:$0x0] =	sbarrier.arrive $0xFFFF;
	(pc) =	sbr.rel @p0 .LBB2_1-.Ltmp1, $4  }
0x5a: {  	[hbm:s8], [sflag:s6] =	dma.local [spmem:s10], $0x2780  }
0x5b: {  	_ =	swait.ge [sflag:s11], $0x2780  }
0x5c: {  	[sflag:s11] =	ssyncset.done $0x0  }
0x5d: {  	[sflag:s11] =	ssyncadd.s32 $0xFFFFD880  }
0x5e: {  	_ =	sfence.sel $0x180000  }
0x5f: {  	[bflag:$0x0] =	sbarrier.arrive $0xFFFF  }
0x60: {  	p0 =	sne.s32 s0, $0x0;
	_ =	strace $0x9000004A  }
0x61: {  	s0 =	sadd.s32 @!p0 $0x100000, s1;
	[bflag:$0x2] =	sbarrier.arrive $0xFFFF  }
0x62: {  	[sflag:s0] =	ssyncadd.tile.s32 @!p0 $0x1;
	_ =	shalt  }
.Lfunc_end2:
_tile_overlayer_lowered:
.L_overlay_start_2:
0x63: {  	(tag) =	ssettag $0x2  }
0x64: {  	s0 =	rddreg [dreg:$0x0];
	s2 =	stileid.u32  }
0x65: {  	s1 =	rddreg [dreg:$0x1];
	p0 =	sne.s32 s2, $0x0  }
0x66: {  	s3 =	rddreg [dreg:$0x2];
	[bflag:$0x3] =	sbarrier.arrive $0xFFFF;
	s2 =	simm.s32 @!p0 $0x1C01  }
0x67: {  	[timem:s3], [sflag:s2] =	dma.local @!p0 [hbm:s0], s1  }
0x68: {  	s0 =	simm.s32 @!p0 $0x1  }
0x69: {  	_ =	swait.ge @!p0 [sflag:s0], s1  }
0x6a: {  	s1 =	ssub.s32 @!p0 $0x0, s1;
	[sflag:s0] =	ssyncset.done @!p0 $0x0  }
0x6b: {  	[sflag:s0] =	ssyncadd.s32 @!p0 s1  }
0x6c: {  	[bflag:$0x3] =	sbarrier.arrive $0xFFFF  }
0x6d: {  	_ =	shalt  }

</sc_bundles>
